<compile_context>
chip_gen: v7x
topology: tpu7x:2x2x1
jax: 0.10.2.dev20260603
libtpu: 0.0.44.dev20260713+nightly
codegen_flags: <defaults>
</compile_context>

<pallas_src>
import dataclasses
import functools

import jax
import jax.numpy as jnp
from jax import lax
from jax.experimental import pallas as pl
from jax.experimental.pallas import tpu as pltpu
from jax.experimental.pallas import tpu_sc as plsc

BETA = 0.2
GAMMA = 0.95

L = 16
NW = 32
NR = 160
NSWEEP = 2
K = 64
CAP = K + L


def _zmax_body(z_ref, o_ref):
    o_ref[...] = jnp.max(z_ref[...], axis=1, keepdims=True)


def _combine_body(z_ref, sp_ref, o_ref):
    d = z_ref.shape[1]
    sq = sp_ref[:, 0:d]
    sa = sp_ref[:, d:2 * d]
    o_ref[...] = BETA * z_ref[...] + (1.0 - BETA) * sq / (sa + 1e-6)


def _sc_params():
    mesh = plsc.VectorSubcoreMesh(core_axis_name="c", subcore_axis_name="s")
    cparams = pltpu.CompilerParams()
    if "needs_layout_passes" in pltpu.CompilerParams.__dataclass_fields__:
        cparams = dataclasses.replace(cparams, needs_layout_passes=False)
    return mesh, cparams


def _make_sc_coeff(npad, enp):
    ew = enp // NW
    mesh, cparams = _sc_params()

    @functools.partial(
        pl.kernel,
        mesh=mesh,
        compiler_params=cparams,
        out_type=jax.ShapeDtypeStruct((enp,), jnp.float32),
        scratch_types=[
            pltpu.VMEM((npad,), jnp.float32),
            pltpu.VMEM((ew,), jnp.int32),
            pltpu.VMEM((ew,), jnp.float32),
        ],
    )
    def sc_coeff(zmax_hbm, src_hbm, call_hbm, zmaxv, srcb, cb):
        wid = lax.axis_index("s") * 2 + lax.axis_index("c")
        pltpu.sync_copy(zmax_hbm, zmaxv)
        pltpu.sync_copy(src_hbm.at[pl.ds(wid * ew, ew)], srcb)

        @pl.loop(0, ew // L)
        def _grp(g):
            srcv = srcb[pl.ds(g * L, L)]
            cb[pl.ds(g * L, L)] = GAMMA * plsc.load_gather(zmaxv, [srcv])

        pltpu.sync_copy(cb, call_hbm.at[pl.ds(wid * ew, ew)])

    return sc_coeff


def _make_sc_scatter(npad, en, enp, d):
    s = 4000
    nch = en // s
    ngrp = s // L
    d2 = 2 * d
    nrp = NR + 8
    mesh, cparams = _sc_params()

    @functools.partial(
        pl.kernel,
        mesh=mesh,
        compiler_params=cparams,
        out_type=jax.ShapeDtypeStruct((npad, d2), jnp.float32),
        scratch_types=[
            pltpu.VMEM((s,), jnp.int32),
            pltpu.VMEM((s,), jnp.float32),
            pltpu.VMEM((CAP,), jnp.int32),
            pltpu.VMEM((CAP,), jnp.int32),
            pltpu.VMEM((CAP,), jnp.float32),
            pltpu.VMEM((K, d2), jnp.float32),
            pltpu.VMEM((nrp, d2), jnp.float32),
        ],
    )
    def sc_scatter(dst_hbm, call_hbm, e2_hbm, sump_hbm,
                   dstbuf, cchunk, eidbuf, ldstbuf, cbuf, epair, acc):
        wid = lax.axis_index("s") * 2 + lax.axis_index("c")
        iota = lax.iota(jnp.int32, L)

        def fire(f):
            pltpu.sync_copy(e2_hbm.at[eidbuf.at[pl.ds(0, K)]], epair)

            @plsc.parallel_loop(0, K, unroll=8)
            def _edge(h):
                cfull = cbuf[pl.ds((h >> 4) * L, L)]
                ldv = ldstbuf[pl.ds((h >> 4) * L, L)]
                lanev = jnp.full((L,), h & (L - 1), jnp.int32)
                dnums = lax.GatherDimensionNumbers(
                    offset_dims=(), collapsed_slice_dims=(0,),
                    start_index_map=(0,))
                csp = lax.gather(
                    cfull, lanev[:, None], dnums, (1,),
                    mode=lax.GatherScatterMode.PROMISE_IN_BOUNDS)
                r = jnp.max(lax.gather(
                    ldv, lanev[:, None], dnums, (1,),
                    mode=lax.GatherScatterMode.PROMISE_IN_BOUNDS))
                for kk in range(d // L):
                    e1c = epair[h, pl.ds(d + kk * L, L)]
                    plsc.addupdate(acc.at[r, pl.ds(kk * L, L)],
                                   epair[h, pl.ds(kk * L, L)] + e1c * csp)
                    plsc.addupdate(acc.at[r, pl.ds(d + kk * L, L)], e1c)

            eidbuf[pl.ds(0, L)] = eidbuf[pl.ds(K, L)]
            ldstbuf[pl.ds(0, L)] = ldstbuf[pl.ds(K, L)]
            cbuf[pl.ds(0, L)] = cbuf[pl.ds(K, L)]
            return f - K

        @pl.loop(0, NSWEEP)
        def _sweep(t):
            base = (t * NW + wid) * NR

            @pl.loop(0, nrp)
            def _zr(r):
                @pl.loop(0, d2 // L)
                def _zc(kk):
                    acc[r, pl.ds(kk * L, L)] = jnp.zeros((L,), jnp.float32)

            def _chunk(ch, fill):
                ebase = ch * s
                pltpu.sync_copy(dst_hbm.at[pl.ds(ebase, s)], dstbuf)
                pltpu.sync_copy(call_hbm.at[pl.ds(ebase, s)], cchunk)

                def _grp(g, f):
                    dstv = dstbuf[pl.ds(g * L, L)]
                    ldstv = dstv - base
                    m = (ldstv >= 0) & (ldstv < NR)
                    cnt = jnp.max(plsc.all_reduce_population_count(m))

                    def hit(f2):
                        posv = f2 + plsc.cumsum(m.astype(jnp.int32)) - 1
                        cv = cchunk[pl.ds(g * L, L)]
                        eidv = ebase + g * L + iota
                        plsc.store_scatter(eidbuf, [posv], eidv, mask=m)
                        plsc.store_scatter(ldstbuf, [posv], ldstv, mask=m)
                        plsc.store_scatter(cbuf, [posv], cv, mask=m)
                        f3 = f2 + cnt
                        return lax.cond(f3 >= K, fire, lambda x: x, f3)

                    return lax.cond(cnt > 0, hit, lambda x: x, f)

                return lax.fori_loop(0, ngrp, _grp, fill)

            fill = lax.fori_loop(0, nch, _chunk, jnp.int32(0))

            for gi in range(CAP // L):
                p = fill + gi * L + iota
                pm = p < CAP
                plsc.store_scatter(eidbuf, [p], p, mask=pm)
                plsc.store_scatter(ldstbuf, [p], NR + (iota & 7), mask=pm)
                plsc.store_scatter(cbuf, [p],
                                   jnp.zeros((L,), jnp.float32), mask=pm)
            lax.cond(fill > 0, fire, lambda x: x, fill)

            pltpu.sync_copy(acc.at[pl.ds(0, NR)],
                            sump_hbm.at[pl.ds(base, NR)])

    return sc_scatter


def kernel(z, e, edge_index):
    n, d = z.shape
    en = e.shape[0]

    npad = NW * NR * NSWEEP
    z_pad = jnp.pad(z, ((0, npad - n), (0, 0)))

    enp = ((en + (L * NW) - 1) // (L * NW)) * (L * NW)
    src = jnp.pad(edge_index[0].astype(jnp.int32), (0, enp - en))
    dst = edge_index[1].astype(jnp.int32)
    e2 = e.reshape(en, 2 * d)

    zmax = pl.pallas_call(
        _zmax_body,
        grid=(npad // 64,),
        in_specs=[pl.BlockSpec((64, d), lambda i: (i, 0))],
        out_specs=pl.BlockSpec((64, 1), lambda i: (i, 0)),
        out_shape=jax.ShapeDtypeStruct((npad, 1), jnp.float32),
    )(z_pad)

    call = _make_sc_coeff(npad, enp)(zmax.reshape(npad), src)
    sump = _make_sc_scatter(npad, en, enp, d)(dst, call, e2)

    out = pl.pallas_call(
        _combine_body,
        grid=(npad // 64,),
        in_specs=[
            pl.BlockSpec((64, d), lambda i: (i, 0)),
            pl.BlockSpec((64, 2 * d), lambda i: (i, 0)),
        ],
        out_specs=pl.BlockSpec((64, d), lambda i: (i, 0)),
        out_shape=jax.ShapeDtypeStruct((npad, d), jnp.float32),
    )(z_pad, sump)

    return out[:n]

# --- scband reference (transcript-rebuilt; emitter-appended) ---
"""Pipeline reference for scband-gnn-1838246003222 (READ-ONLY COPY).

The authoritative reference and input builder live on the scoring server;
editing this copy changes nothing except your own understanding.
"""

import jax, jax.numpy as jnp
import numpy as np

BETA = 0.2
GAMMA = 0.95
N_NODES = 10000
N_EDGES = 160000
D = 256

def setup_inputs(seed: int = 0) -> dict:
    key = jax.random.key(seed)
    k1, k2, k3 = jax.random.split(key, 3)
    z = jax.random.normal(k1, (N_NODES, D), dtype=jnp.float32)
    e = jax.random.uniform(k2, (N_EDGES, 2, D), dtype=jnp.float32)
    edge_index = jax.random.randint(k3, (2, N_EDGES), 0, N_NODES, dtype=jnp.int64)
    return {"z": z, "e": e, "edge_index": edge_index}

def reference(z, e, edge_index):
    # DGL update_all translation:
    # message_func: Q = GAMMA * max(src.z, dim=-1, keepdim) * e[:,1,:] + e[:,0,:]; ac = e[:,1,:]
    # reduce_func:  z = BETA*z + (1-BETA)*sum(q)/(sum(ac)+1e-6)
    src = edge_index[0]
    dst = edge_index[1]
    z_src = jnp.take(z, src, axis=0)                      # gather [E, D]
    zmax = jnp.max(z_src, axis=-1, keepdims=True)         # [E, 1]
    q = GAMMA * zmax * e[:, 1, :] + e[:, 0, :]            # [E, D]
    ac = e[:, 1, :]                                       # [E, D]
    sum_q = jax.ops.segment_sum(q, dst, num_segments=N_NODES)
    sum_ac = jax.ops.segment_sum(ac, dst, num_segments=N_NODES)
    z_new = BETA * z + (1.0 - BETA) * sum_q / (sum_ac + 1e-06)
    return z_new

if __name__ == "__main__":
    import jax
    _d = setup_inputs()
    print(jax.jit(kernel)(*tuple(_d.values())))

</pallas_src>

<mosaic_0001>
#map = affine_map<(d0, d1) -> (0)>
module attributes {stable_mosaic.version = 14 : i64} {
  func.func @sc_coeff(%arg0: i32, %arg1: i32, %arg2: memref<10240xf32, #tpu.memory_space<hbm>>, %arg3: memref<160256xi32, #tpu.memory_space<hbm>>, %arg4: memref<160256xf32, #tpu.memory_space<hbm>>, %arg5: memref<10240xf32, #tpu.memory_space<vmem>>, %arg6: memref<5008xi32, #tpu.memory_space<vmem>>, %arg7: memref<5008xf32, #tpu.memory_space<vmem>>) attributes {dimension_semantics = [#tpu.dimension_semantics<core_parallel>, #tpu.dimension_semantics<subcore_parallel>], iteration_bounds = array<i64: 2, 16>, scalar_prefetch = 0 : i64, scratch_operands = 3 : i64, tpu.core_type = #tpu.core_type<sc_vector_subcore>, window_params = [{transform_indices = #map}, {transform_indices = #map}, {transform_indices = #map}]} {
    %mul3A = arith.constant 2 : i32
    %mul3A_0 = arith.muli %arg1, %mul3A : i32
    %add3A = arith.addi %mul3A_0, %arg0 : i32
    "tpu.region"() ({
      %run_scoped3A = tpu.sem_alloc : memref<!tpu.dma_semaphore, #tpu.memory_space<semaphore_mem>>
      tpu.enqueue_dma source(%arg2 : memref<10240xf32, #tpu.memory_space<hbm>>) target(%arg5 : memref<10240xf32, #tpu.memory_space<vmem>>) target_semaphore(%run_scoped3A : memref<!tpu.dma_semaphore, #tpu.memory_space<semaphore_mem>>)
      tpu.wait_dma2 semaphore(%run_scoped3A : memref<!tpu.dma_semaphore, #tpu.memory_space<semaphore_mem>>) src(%arg2 : memref<10240xf32, #tpu.memory_space<hbm>>) dst(%arg5 : memref<10240xf32, #tpu.memory_space<vmem>>)
      tpu.yield
    }) : () -> ()
    %mul3A_1 = arith.constant 5008 : i32
    %mul3A_2 = arith.muli %add3A, %mul3A_1 : i32
    "tpu.region"() ({
      %run_scoped3A = tpu.sem_alloc : memref<!tpu.dma_semaphore, #tpu.memory_space<semaphore_mem>>
      %dma_start3A = tpu.memref_slice %arg3[%mul3A_2] : memref<160256xi32, #tpu.memory_space<hbm>> -> memref<5008xi32, #tpu.memory_space<hbm>>
      %dma_start3A_9 = tpu.memref_slice %arg3[%mul3A_2] : memref<160256xi32, #tpu.memory_space<hbm>> -> memref<5008xi32, #tpu.memory_space<hbm>>
      tpu.enqueue_dma source(%dma_start3A_9 : memref<5008xi32, #tpu.memory_space<hbm>>) target(%arg6 : memref<5008xi32, #tpu.memory_space<vmem>>) target_semaphore(%run_scoped3A : memref<!tpu.dma_semaphore, #tpu.memory_space<semaphore_mem>>)
      %dma_wait3A = tpu.memref_slice %arg3[%mul3A_2] : memref<160256xi32, #tpu.memory_space<hbm>> -> memref<5008xi32, #tpu.memory_space<hbm>>
      %dma_wait3A_10 = tpu.memref_slice %arg3[%mul3A_2] : memref<160256xi32, #tpu.memory_space<hbm>> -> memref<5008xi32, #tpu.memory_space<hbm>>
      tpu.wait_dma2 semaphore(%run_scoped3A : memref<!tpu.dma_semaphore, #tpu.memory_space<semaphore_mem>>) src(%dma_wait3A_10 : memref<5008xi32, #tpu.memory_space<hbm>>) dst(%arg6 : memref<5008xi32, #tpu.memory_space<vmem>>)
      tpu.yield
    }) : () -> ()
    %scan3A = arith.constant 0 : i32
    %scan3A_3 = arith.constant 313 : i32
    %scan3A_4 = arith.addi %scan3A, %scan3A_3 : i32
    %scan3A_5 = arith.constant 1 : i32
    scf.for %scan3A_9 = %scan3A to %scan3A_4 step %scan3A_5  : i32 {
      %mul3A_10 = arith.constant 1 : i32
      %mul3A_11 = arith.muli %scan3A_9, %mul3A_10 : i32
      %add3A_12 = arith.constant 0 : i32
      %add3A_13 = arith.addi %add3A_12, %mul3A_11 : i32
      %mul3A_14 = arith.constant 16 : i32
      %mul3A_15 = arith.muli %add3A_13, %mul3A_14 : i32
      %get3A = arith.index_cast %mul3A_15 : i32 to index
      %get3A_16 = tpu.vector_load %arg6[%get3A] {strides = array<i32>} : memref<5008xi32, #tpu.memory_space<vmem>>, vector<16xi32>,
      %gather3A = tpu.vector_load_idx %arg5[%get3A_16] : memref<10240xf32, #tpu.memory_space<vmem>>[vector<16xi32>], vector<16xf32>,
      %mul3A_17 = arith.constant 0.949999988 : f32
      %mul3A_18 = vector.broadcast %mul3A_17 : f32 to vector<16xf32>
      %mul3A_19 = arith.mulf %mul3A_18, %gather3A : vector<16xf32>
      %mul3A_20 = arith.constant 16 : i32
      %mul3A_21 = arith.muli %add3A_13, %mul3A_20 : i32
      %swap3A = arith.index_cast %mul3A_21 : i32 to index
      %swap3A_22 = tpu.vector_load %arg7[%swap3A] {strides = array<i32>} : memref<5008xf32, #tpu.memory_space<vmem>>, vector<16xf32>,
      tpu.vector_store %arg7[%swap3A], %mul3A_19 {strides = array<i32>} : memref<5008xf32, #tpu.memory_space<vmem>>, vector<16xf32>,
    }
    %scan3A_6 = arith.constant 313 : i32
    %mul3A_7 = arith.constant 5008 : i32
    %mul3A_8 = arith.muli %add3A, %mul3A_7 : i32
    "tpu.region"() ({
      %run_scoped3A = tpu.sem_alloc : memref<!tpu.dma_semaphore, #tpu.memory_space<semaphore_mem>>
      %dma_start3A = tpu.memref_slice %arg4[%mul3A_8] : memref<160256xf32, #tpu.memory_space<hbm>> -> memref<5008xf32, #tpu.memory_space<hbm>>
      %dma_start3A_9 = tpu.memref_slice %arg4[%mul3A_8] : memref<160256xf32, #tpu.memory_space<hbm>> -> memref<5008xf32, #tpu.memory_space<hbm>>
      tpu.enqueue_dma source(%arg7 : memref<5008xf32, #tpu.memory_space<vmem>>) target(%dma_start3A_9 : memref<5008xf32, #tpu.memory_space<hbm>>) target_semaphore(%run_scoped3A : memref<!tpu.dma_semaphore, #tpu.memory_space<semaphore_mem>>)
      %dma_wait3A = tpu.memref_slice %arg4[%mul3A_8] : memref<160256xf32, #tpu.memory_space<hbm>> -> memref<5008xf32, #tpu.memory_space<hbm>>
      %dma_wait3A_10 = tpu.memref_slice %arg4[%mul3A_8] : memref<160256xf32, #tpu.memory_space<hbm>> -> memref<5008xf32, #tpu.memory_space<hbm>>
      tpu.wait_dma2 semaphore(%run_scoped3A : memref<!tpu.dma_semaphore, #tpu.memory_space<semaphore_mem>>) src(%arg7 : memref<5008xf32, #tpu.memory_space<vmem>>) dst(%dma_wait3A_10 : memref<5008xf32, #tpu.memory_space<hbm>>)
      tpu.yield
    }) : () -> ()
    return
  }
}

#map = affine_map<(d0, d1) -> (0)>
#map1 = affine_map<(d0, d1) -> (0, 0)>
module attributes {stable_mosaic.version = 14 : i64} {
  func.func @sc_scatter(%arg0: i32, %arg1: i32, %arg2: memref<160000xi32, #tpu.memory_space<hbm>>, %arg3: memref<160256xf32, #tpu.memory_space<hbm>>, %arg4: memref<160000x512xf32, #tpu.memory_space<hbm>>, %arg5: memref<10240x512xf32, #tpu.memory_space<hbm>>, %arg6: memref<4000xi32, #tpu.memory_space<vmem>>, %arg7: memref<4000xf32, #tpu.memory_space<vmem>>, %arg8: memref<80xi32, #tpu.memory_space<vmem>>, %arg9: memref<80xi32, #tpu.memory_space<vmem>>, %arg10: memref<80xf32, #tpu.memory_space<vmem>>, %arg11: memref<64x512xf32, #tpu.memory_space<vmem>>, %arg12: memref<168x512xf32, #tpu.memory_space<vmem>>) attributes {dimension_semantics = [#tpu.dimension_semantics<core_parallel>, #tpu.dimension_semantics<subcore_parallel>], iteration_bounds = array<i64: 2, 16>, scalar_prefetch = 0 : i64, scratch_operands = 7 : i64, tpu.core_type = #tpu.core_type<sc_vector_subcore>, window_params = [{transform_indices = #map}, {transform_indices = #map}, {transform_indices = #map1}, {transform_indices = #map1}]} {
    %mul3A = arith.constant 2 : i32
    %mul3A_0 = arith.muli %arg1, %mul3A : i32
    %add3A = arith.addi %mul3A_0, %arg0 : i32
    %iota3A = tpu.iota {dimensions = array<i32: 0>} : vector<16xi32>
    %scan3A = arith.constant 0 : i32
    %scan3A_1 = arith.constant 2 : i32
    %scan3A_2 = arith.addi %scan3A, %scan3A_1 : i32
    %scan3A_3 = arith.constant 1 : i32
    scf.for %scan3A_5 = %scan3A to %scan3A_2 step %scan3A_3  : i32 {
      %mul3A_6 = arith.constant 1 : i32
      %mul3A_7 = arith.muli %scan3A_5, %mul3A_6 : i32
      %add3A_8 = arith.constant 0 : i32
      %add3A_9 = arith.addi %add3A_8, %mul3A_7 : i32
      %mul3A_10 = arith.constant 32 : i32
      %mul3A_11 = arith.muli %add3A_9, %mul3A_10 : i32
      %add3A_12 = arith.addi %mul3A_11, %add3A : i32
      %mul3A_13 = arith.constant 160 : i32
      %mul3A_14 = arith.muli %add3A_12, %mul3A_13 : i32
      %scan3A_15 = arith.constant 0 : i32
      %scan3A_16 = arith.constant 168 : i32
      %scan3A_17 = arith.addi %scan3A_15, %scan3A_16 : i32
      %scan3A_18 = arith.constant 1 : i32
      scf.for %scan3A_102 = %scan3A_15 to %scan3A_17 step %scan3A_18  : i32 {
        %mul3A_103 = arith.constant 1 : i32
        %mul3A_104 = arith.muli %scan3A_102, %mul3A_103 : i32
        %add3A_105 = arith.constant 0 : i32
        %add3A_106 = arith.addi %add3A_105, %mul3A_104 : i32
        %scan3A_107 = arith.constant 0 : i32
        %scan3A_108 = arith.constant 32 : i32
        %scan3A_109 = arith.addi %scan3A_107, %scan3A_108 : i32
        %scan3A_110 = arith.constant 1 : i32
        scf.for %scan3A_112 = %scan3A_107 to %scan3A_109 step %scan3A_110  : i32 {
          %mul3A_113 = arith.constant 1 : i32
          %mul3A_114 = arith.muli %scan3A_112, %mul3A_113 : i32
          %add3A_115 = arith.constant 0 : i32
          %add3A_116 = arith.addi %add3A_115, %mul3A_114 : i32
          %broadcast_in_dim3A_117 = arith.constant 0.000000e+00 : f32
          %broadcast_in_dim3A_118 = vector.broadcast %broadcast_in_dim3A_117 : f32 to vector<16xf32>
          %mul3A_119 = arith.constant 16 : i32
          %mul3A_120 = arith.muli %add3A_116, %mul3A_119 : i32
          %swap3A = arith.index_cast %add3A_106 : i32 to index
          %swap3A_121 = arith.index_cast %mul3A_120 : i32 to index
          %swap3A_122 = tpu.vector_load %arg12[%swap3A, %swap3A_121] {strides = array<i32>} : memref<168x512xf32, #tpu.memory_space<vmem>>, vector<16xf32>,
          tpu.vector_store %arg12[%swap3A, %swap3A_121], %broadcast_in_dim3A_118 {strides = array<i32>} : memref<168x512xf32, #tpu.memory_space<vmem>>, vector<16xf32>,
        }
        %scan3A_111 = arith.constant 32 : i32
      }
      %scan3A_19 = arith.constant 168 : i32
      %scan3A_20 = arith.constant 0 : i32
      %scan3A_21 = arith.constant 0 : i32
      %scan3A_22 = arith.constant 40 : i32
      %scan3A_23 = arith.addi %scan3A_21, %scan3A_22 : i32
      %scan3A_24 = arith.constant 1 : i32
      %scan3A_25 = scf.for %scan3A_102 = %scan3A_21 to %scan3A_23 step %scan3A_24 iter_args(%scan3A_103 = %scan3A_20) -> (i32)  : i32 {
        %mul3A_104 = arith.constant 4000 : i32
        %mul3A_105 = arith.muli %scan3A_102, %mul3A_104 : i32
        "tpu.region"() ({
          %run_scoped3A = tpu.sem_alloc : memref<!tpu.dma_semaphore, #tpu.memory_space<semaphore_mem>>
          %dma_start3A = tpu.memref_slice %arg2[%mul3A_105] : memref<160000xi32, #tpu.memory_space<hbm>> -> memref<4000xi32, #tpu.memory_space<hbm>>
          %dma_start3A_112 = tpu.memref_slice %arg2[%mul3A_105] : memref<160000xi32, #tpu.memory_space<hbm>> -> memref<4000xi32, #tpu.memory_space<hbm>>
          tpu.enqueue_dma source(%dma_start3A_112 : memref<4000xi32, #tpu.memory_space<hbm>>) target(%arg6 : memref<4000xi32, #tpu.memory_space<vmem>>) target_semaphore(%run_scoped3A : memref<!tpu.dma_semaphore, #tpu.memory_space<semaphore_mem>>)
          %dma_wait3A = tpu.memref_slice %arg2[%mul3A_105] : memref<160000xi32, #tpu.memory_space<hbm>> -> memref<4000xi32, #tpu.memory_space<hbm>>
          %dma_wait3A_113 = tpu.memref_slice %arg2[%mul3A_105] : memref<160000xi32, #tpu.memory_space<hbm>> -> memref<4000xi32, #tpu.memory_space<hbm>>
          tpu.wait_dma2 semaphore(%run_scoped3A : memref<!tpu.dma_semaphore, #tpu.memory_space<semaphore_mem>>) src(%dma_wait3A_113 : memref<4000xi32, #tpu.memory_space<hbm>>) dst(%arg6 : memref<4000xi32, #tpu.memory_space<vmem>>)
          tpu.yield
        }) : () -> ()
        "tpu.region"() ({
          %run_scoped3A = tpu.sem_alloc : memref<!tpu.dma_semaphore, #tpu.memory_space<semaphore_mem>>
          %dma_start3A = tpu.memref_slice %arg3[%mul3A_105] : memref<160256xf32, #tpu.memory_space<hbm>> -> memref<4000xf32, #tpu.memory_space<hbm>>
          %dma_start3A_112 = tpu.memref_slice %arg3[%mul3A_105] : memref<160256xf32, #tpu.memory_space<hbm>> -> memref<4000xf32, #tpu.memory_space<hbm>>
          tpu.enqueue_dma source(%dma_start3A_112 : memref<4000xf32, #tpu.memory_space<hbm>>) target(%arg7 : memref<4000xf32, #tpu.memory_space<vmem>>) target_semaphore(%run_scoped3A : memref<!tpu.dma_semaphore, #tpu.memory_space<semaphore_mem>>)
          %dma_wait3A = tpu.memref_slice %arg3[%mul3A_105] : memref<160256xf32, #tpu.memory_space<hbm>> -> memref<4000xf32, #tpu.memory_space<hbm>>
          %dma_wait3A_113 = tpu.memref_slice %arg3[%mul3A_105] : memref<160256xf32, #tpu.memory_space<hbm>> -> memref<4000xf32, #tpu.memory_space<hbm>>
          tpu.wait_dma2 semaphore(%run_scoped3A : memref<!tpu.dma_semaphore, #tpu.memory_space<semaphore_mem>>) src(%dma_wait3A_113 : memref<4000xf32, #tpu.memory_space<hbm>>) dst(%arg7 : memref<4000xf32, #tpu.memory_space<vmem>>)
          tpu.yield
        }) : () -> ()
        %scan3A_106 = arith.constant 0 : i32
        %scan3A_107 = arith.constant 250 : i32
        %scan3A_108 = arith.addi %scan3A_106, %scan3A_107 : i32
        %scan3A_109 = arith.constant 1 : i32
        %scan3A_110 = scf.for %scan3A_112 = %scan3A_106 to %scan3A_108 step %scan3A_109 iter_args(%scan3A_113 = %scan3A_103) -> (i32)  : i32 {
          %mul3A_114 = arith.constant 16 : i32
          %mul3A_115 = arith.muli %scan3A_112, %mul3A_114 : i32
          %get3A = arith.index_cast %mul3A_115 : i32 to index
          %get3A_116 = tpu.vector_load %arg6[%get3A] {strides = array<i32>} : memref<4000xi32, #tpu.memory_space<vmem>>, vector<16xi32>,
          %sub3A = vector.broadcast %mul3A_14 : i32 to vector<16xi32>
          %sub3A_117 = arith.subi %get3A_116, %sub3A : vector<16xi32>
          %ge3A = arith.constant 0 : i32
          %ge3A_118 = vector.broadcast %ge3A : i32 to vector<16xi32>
          %ge3A_119 = arith.cmpi sge, %sub3A_117, %ge3A_118 : vector<16xi32>
          %lt3A_120 = arith.constant 160 : i32
          %lt3A_121 = vector.broadcast %lt3A_120 : i32 to vector<16xi32>
          %lt3A_122 = arith.cmpi slt, %sub3A_117, %lt3A_121 : vector<16xi32>
          %and3A_123 = arith.andi %ge3A_119, %lt3A_122 : vector<16xi1>
          %all_reduce_population_count3A = tpu.all_reduce %and3A_123 {dim = 0 : i64, kind = #tpu.reduction_kind<sum>} : vector<16xi1> -> vector<16xi32>
          %reduce_max3A = arith.constant true
          %reduce_max3A_124 = vector.broadcast %reduce_max3A : i1 to vector<16xi1>
          %reduce_max3A_125 = arith.constant -2147483648 : i32
          %reduce_max3A_126 = vector.broadcast %reduce_max3A_125 : i32 to vector<16xi32>
          %reduce_max3A_127 = arith.xori %all_reduce_population_count3A, %reduce_max3A_126 : vector<16xi32>
          %reduce_max3A_128 = tpu.scan <max>, %reduce_max3A_127 masked %reduce_max3A_124 : vector<16xi32>, vector<16xi1> -> vector<16xi32>
          %reduce_max3A_129 = arith.xori %reduce_max3A_128, %reduce_max3A_126 : vector<16xi32>
          %reduce_max3A_130 = vector.extract %reduce_max3A_129[15] : i32 from vector<16xi32>
          %gt3A_131 = arith.constant 0 : i32
          %gt3A_132 = arith.cmpi sgt, %reduce_max3A_130, %gt3A_131 : i32
          %convert_element_type3A_133 = arith.extui %gt3A_132 : i1 to i32
          %cond3A_134 = arith.constant 0 : i32
          %cond3A_135 = arith.cmpi ne, %convert_element_type3A_133, %cond3A_134 : i32
          %cond3A_136 = scf.if %cond3A_135 -> (i32) {
            %convert_element_type3A_137 = arith.extui %and3A_123 : vector<16xi1> to vector<16xi32>
            %broadcast_in_dim3A_138 = arith.constant true
            %broadcast_in_dim3A_139 = vector.broadcast %broadcast_in_dim3A_138 : i1 to vector<16xi1>
            %masked_cumsum3A = tpu.scan <sum>, %convert_element_type3A_137 masked %broadcast_in_dim3A_139 : vector<16xi32>, vector<16xi1> -> vector<16xi32>
            %add3A_140 = vector.broadcast %scan3A_113 : i32 to vector<16xi32>
            %add3A_141 = arith.addi %add3A_140, %masked_cumsum3A : vector<16xi32>
            %sub3A_142 = arith.constant 1 : i32
            %sub3A_143 = vector.broadcast %sub3A_142 : i32 to vector<16xi32>
            %sub3A_144 = arith.subi %add3A_141, %sub3A_143 : vector<16xi32>
            %mul3A_145 = arith.constant 16 : i32
            %mul3A_146 = arith.muli %scan3A_112, %mul3A_145 : i32
            %get3A_147 = arith.index_cast %mul3A_146 : i32 to index
            %get3A_148 = tpu.vector_load %arg7[%get3A_147] {strides = array<i32>} : memref<4000xf32, #tpu.memory_space<vmem>>, vector<16xf32>,
            %mul3A_149 = arith.constant 16 : i32
            %mul3A_150 = arith.muli %scan3A_112, %mul3A_149 : i32
            %add3A_151 = arith.addi %mul3A_105, %mul3A_150 : i32
            %add3A_152 = vector.broadcast %add3A_151 : i32 to vector<16xi32>
            %add3A_153 = arith.addi %add3A_152, %iota3A : vector<16xi32>
            tpu.vector_store_idx %arg8[%sub3A_144], %add3A_153 masked %and3A_123 : memref<80xi32, #tpu.memory_space<vmem>>[vector<16xi32>], vector<16xi32>, vector<16xi1>
            tpu.vector_store_idx %arg9[%sub3A_144], %sub3A_117 masked %and3A_123 : memref<80xi32, #tpu.memory_space<vmem>>[vector<16xi32>], vector<16xi32>, vector<16xi1>
            tpu.vector_store_idx %arg10[%sub3A_144], %get3A_148 masked %and3A_123 : memref<80xf32, #tpu.memory_space<vmem>>[vector<16xi32>], vector<16xf32>, vector<16xi1>
            %add3A_154 = arith.addi %scan3A_113, %reduce_max3A_130 : i32
            %ge3A_155 = arith.constant 64 : i32
            %ge3A_156 = arith.cmpi sge, %add3A_154, %ge3A_155 : i32
            %convert_element_type3A_157 = arith.extui %ge3A_156 : i1 to i32
            %cond3A_158 = arith.constant 0 : i32
            %cond3A_159 = arith.cmpi ne, %convert_element_type3A_157, %cond3A_158 : i32
            %cond3A_160 = scf.if %cond3A_159 -> (i32) {
              "tpu.region"() ({
                %run_scoped3A = tpu.sem_alloc : memref<!tpu.dma_semaphore, #tpu.memory_space<semaphore_mem>>
                %dma_start3A = arith.constant 0 : i32
                %dma_start3A_176 = tpu.memref_slice %arg8[%dma_start3A] : memref<80xi32, #tpu.memory_space<vmem>> -> memref<64xi32, #tpu.memory_space<vmem>>
                %dma_start3A_177 = arith.constant 0 : i32
                %dma_start3A_178 = arith.constant 0 : i32
                %dma_start3A_179 = tpu.memref_slice %arg4[%dma_start3A_177, %dma_start3A_178] : memref<160000x512xf32, #tpu.memory_space<hbm>> -> memref<160000x512xf32, #tpu.memory_space<hbm>>
                tpu.enqueue_indirect_dma source(%dma_start3A_179 : memref<160000x512xf32, #tpu.memory_space<hbm>>) target(%arg11 : memref<64x512xf32, #tpu.memory_space<vmem>>) offsets(%dma_start3A_176 : memref<64xi32, #tpu.memory_space<vmem>>) semaphore(%run_scoped3A : memref<!tpu.dma_semaphore, #tpu.memory_space<semaphore_mem>>)
                %dma_wait3A = arith.constant 0 : i32
                %dma_wait3A_180 = tpu.memref_slice %arg8[%dma_wait3A] : memref<80xi32, #tpu.memory_space<vmem>> -> memref<64xi32, #tpu.memory_space<vmem>>
                %dma_wait3A_181 = arith.constant 0 : i32
                %dma_wait3A_182 = arith.constant 0 : i32
                %dma_wait3A_183 = tpu.memref_slice %arg4[%dma_wait3A_181, %dma_wait3A_182] : memref<160000x512xf32, #tpu.memory_space<hbm>> -> memref<160000x512xf32, #tpu.memory_space<hbm>>
                tpu.wait_indirect_dma semaphore(%run_scoped3A : memref<!tpu.dma_semaphore, #tpu.memory_space<semaphore_mem>>) src(%dma_wait3A_183 : memref<160000x512xf32, #tpu.memory_space<hbm>>) dst(%arg11 : memref<64x512xf32, #tpu.memory_space<vmem>>)
                tpu.yield
              }) : () -> ()
              %parallel_loop3A = arith.constant 0 : i32
              %parallel_loop3A_161 = arith.constant 64 : i32
              %parallel_loop3A_162 = arith.constant 1 : i32
              scf.for %parallel_loop3A_176 = %parallel_loop3A to %parallel_loop3A_161 step %parallel_loop3A_162  : i32 {
                %parallel_loop3A_177 = arith.constant 4 : i32
                %parallel_loop3A_178 = arith.shrsi %parallel_loop3A_176, %parallel_loop3A_177 : i32
                %parallel_loop3A_179 = arith.constant 16 : i32
                %parallel_loop3A_180 = arith.muli %parallel_loop3A_178, %parallel_loop3A_179 : i32
                %parallel_loop3A_181 = arith.index_cast %parallel_loop3A_180 : i32 to index
                %parallel_loop3A_182 = tpu.vector_load %arg10[%parallel_loop3A_181] {strides = array<i32>} : memref<80xf32, #tpu.memory_space<vmem>>, vector<16xf32>,
                %parallel_loop3A_183 = arith.constant 4 : i32
                %parallel_loop3A_184 = arith.shrsi %parallel_loop3A_176, %parallel_loop3A_183 : i32
                %parallel_loop3A_185 = arith.constant 16 : i32
                %parallel_loop3A_186 = arith.muli %parallel_loop3A_184, %parallel_loop3A_185 : i32
                %parallel_loop3A_187 = arith.index_cast %parallel_loop3A_186 : i32 to index
                %parallel_loop3A_188 = tpu.vector_load %arg9[%parallel_loop3A_187] {strides = array<i32>} : memref<80xi32, #tpu.memory_space<vmem>>, vector<16xi32>,
                %parallel_loop3A_189 = arith.constant 15 : i32
                %parallel_loop3A_190 = arith.andi %parallel_loop3A_176, %parallel_loop3A_189 : i32
                %parallel_loop3A_191 = vector.broadcast %parallel_loop3A_190 : i32 to vector<16xi32>
                %parallel_loop3A_192 = vector.shape_cast %parallel_loop3A_191 : vector<16xi32> to vector<16x1xi32>
                %parallel_loop3A_193 = vector.shape_cast %parallel_loop3A_192 : vector<16x1xi32> to vector<16xi32>
                %parallel_loop3A_194 = tpu.dynamic_gather %parallel_loop3A_182[%parallel_loop3A_193] in [0] : vector<16xf32>, vector<16xi32> -> vector<16xf32>
                %parallel_loop3A_195 = vector.shape_cast %parallel_loop3A_191 : vector<16xi32> to vector<16x1xi32>
                %parallel_loop3A_196 = vector.shape_cast %parallel_loop3A_195 : vector<16x1xi32> to vector<16xi32>
                %parallel_loop3A_197 = tpu.dynamic_gather %parallel_loop3A_188[%parallel_loop3A_196] in [0] : vector<16xi32>, vector<16xi32> -> vector<16xi32>
                %parallel_loop3A_198 = arith.constant true
                %parallel_loop3A_199 = vector.broadcast %parallel_loop3A_198 : i1 to vector<16xi1>
                %parallel_loop3A_200 = arith.constant -2147483648 : i32
                %parallel_loop3A_201 = vector.broadcast %parallel_loop3A_200 : i32 to vector<16xi32>
                %parallel_loop3A_202 = arith.xori %parallel_loop3A_197, %parallel_loop3A_201 : vector<16xi32>
                %parallel_loop3A_203 = tpu.scan <max>, %parallel_loop3A_202 masked %parallel_loop3A_199 : vector<16xi32>, vector<16xi1> -> vector<16xi32>
                %parallel_loop3A_204 = arith.xori %parallel_loop3A_203, %parallel_loop3A_201 : vector<16xi32>
                %parallel_loop3A_205 = vector.extract %parallel_loop3A_204[15] : i32 from vector<16xi32>
                %parallel_loop3A_206 = arith.index_cast %parallel_loop3A_176 : i32 to index
                %parallel_loop3A_207 = arith.constant 256 : index
                %parallel_loop3A_208 = tpu.vector_load %arg11[%parallel_loop3A_206, %parallel_loop3A_207] {strides = array<i32>} : memref<64x512xf32, #tpu.memory_space<vmem>>, vector<16xf32>,
                %parallel_loop3A_209 = arith.index_cast %parallel_loop3A_176 : i32 to index
                %parallel_loop3A_210 = arith.constant 0 : index
                %parallel_loop3A_211 = tpu.vector_load %arg11[%parallel_loop3A_209, %parallel_loop3A_210] {strides = array<i32>} : memref<64x512xf32, #tpu.memory_space<vmem>>, vector<16xf32>,
                %parallel_loop3A_212 = arith.mulf %parallel_loop3A_208, %parallel_loop3A_194 : vector<16xf32>
                %parallel_loop3A_213 = arith.addf %parallel_loop3A_211, %parallel_loop3A_212 : vector<16xf32>
                %parallel_loop3A_214 = arith.index_cast %parallel_loop3A_205 : i32 to index
                %parallel_loop3A_215 = arith.constant 0 : index
                %parallel_loop3A_216 = tpu.vector_load %arg12[%parallel_loop3A_214, %parallel_loop3A_215] {strides = array<i32>} : memref<168x512xf32, #tpu.memory_space<vmem>>, vector<16xf32>,
                tpu.vector_store %arg12[%parallel_loop3A_214, %parallel_loop3A_215], %parallel_loop3A_213 {add = true, strides = array<i32>} : memref<168x512xf32, #tpu.memory_space<vmem>>, vector<16xf32>,
                %parallel_loop3A_217 = arith.index_cast %parallel_loop3A_205 : i32 to index
                %parallel_loop3A_218 = arith.constant 256 : index
                %parallel_loop3A_219 = tpu.vector_load %arg12[%parallel_loop3A_217, %parallel_loop3A_218] {strides = array<i32>} : memref<168x512xf32, #tpu.memory_space<vmem>>, vector<16xf32>,
                tpu.vector_store %arg12[%parallel_loop3A_217, %parallel_loop3A_218], %parallel_loop3A_208 {add = true, strides = array<i32>} : memref<168x512xf32, #tpu.memory_space<vmem>>, vector<16xf32>,
                %parallel_loop3A_220 = arith.index_cast %parallel_loop3A_176 : i32 to index
                %parallel_loop3A_221 = arith.constant 272 : index
                %parallel_loop3A_222 = tpu.vector_load %arg11[%parallel_loop3A_220, %parallel_loop3A_221] {strides = array<i32>} : memref<64x512xf32, #tpu.memory_space<vmem>>, vector<16xf32>,
                %parallel_loop3A_223 = arith.index_cast %parallel_loop3A_176 : i32 to index
                %parallel_loop3A_224 = arith.constant 16 : index
                %parallel_loop3A_225 = tpu.vector_load %arg11[%parallel_loop3A_223, %parallel_loop3A_224] {strides = array<i32>} : memref<64x512xf32, #tpu.memory_space<vmem>>, vector<16xf32>,
                %parallel_loop3A_226 = arith.mulf %parallel_loop3A_222, %parallel_loop3A_194 : vector<16xf32>
                %parallel_loop3A_227 = arith.addf %parallel_loop3A_225, %parallel_loop3A_226 : vector<16xf32>
                %parallel_loop3A_228 = arith.index_cast %parallel_loop3A_205 : i32 to index
                %parallel_loop3A_229 = arith.constant 16 : index
                %parallel_loop3A_230 = tpu.vector_load %arg12[%parallel_loop3A_228, %parallel_loop3A_229] {strides = array<i32>} : memref<168x512xf32, #tpu.memory_space<vmem>>, vector<16xf32>,
                tpu.vector_store %arg12[%parallel_loop3A_228, %parallel_loop3A_229], %parallel_loop3A_227 {add = true, strides = array<i32>} : memref<168x512xf32, #tpu.memory_space<vmem>>, vector<16xf32>,
                %parallel_loop3A_231 = arith.index_cast %parallel_loop3A_205 : i32 to index
                %parallel_loop3A_232 = arith.constant 272 : index
                %parallel_loop3A_233 = tpu.vector_load %arg12[%parallel_loop3A_231, %parallel_loop3A_232] {strides = array<i32>} : memref<168x512xf32, #tpu.memory_space<vmem>>, vector<16xf32>,
                tpu.vector_store %arg12[%parallel_loop3A_231, %parallel_loop3A_232], %parallel_loop3A_222 {add = true, strides = array<i32>} : memref<168x512xf32, #tpu.memory_space<vmem>>, vector<16xf32>,
                %parallel_loop3A_234 = arith.index_cast %parallel_loop3A_176 : i32 to index
                %parallel_loop3A_235 = arith.constant 288 : index
                %parallel_loop3A_236 = tpu.vector_load %arg11[%parallel_loop3A_234, %parallel_loop3A_235] {strides = array<i32>} : memref<64x512xf32, #tpu.memory_space<vmem>>, vector<16xf32>,
                %parallel_loop3A_237 = arith.index_cast %parallel_loop3A_176 : i32 to index
                %parallel_loop3A_238 = arith.constant 32 : index
                %parallel_loop3A_239 = tpu.vector_load %arg11[%parallel_loop3A_237, %parallel_loop3A_238] {strides = array<i32>} : memref<64x512xf32, #tpu.memory_space<vmem>>, vector<16xf32>,
                %parallel_loop3A_240 = arith.mulf %parallel_loop3A_236, %parallel_loop3A_194 : vector<16xf32>
                %parallel_loop3A_241 = arith.addf %parallel_loop3A_239, %parallel_loop3A_240 : vector<16xf32>
                %parallel_loop3A_242 = arith.index_cast %parallel_loop3A_205 : i32 to index
                %parallel_loop3A_243 = arith.constant 32 : index
                %parallel_loop3A_244 = tpu.vector_load %arg12[%parallel_loop3A_242, %parallel_loop3A_243] {strides = array<i32>} : memref<168x512xf32, #tpu.memory_space<vmem>>, vector<16xf32>,
                tpu.vector_store %arg12[%parallel_loop3A_242, %parallel_loop3A_243], %parallel_loop3A_241 {add = true, strides = array<i32>} : memref<168x512xf32, #tpu.memory_space<vmem>>, vector<16xf32>,
                %parallel_loop3A_245 = arith.index_cast %parallel_loop3A_205 : i32 to index
                %parallel_loop3A_246 = arith.constant 288 : index
                %parallel_loop3A_247 = tpu.vector_load %arg12[%parallel_loop3A_245, %parallel_loop3A_246] {strides = array<i32>} : memref<168x512xf32, #tpu.memory_space<vmem>>, vector<16xf32>,
                tpu.vector_store %arg12[%parallel_loop3A_245, %parallel_loop3A_246], %parallel_loop3A_236 {add = true, strides = array<i32>} : memref<168x512xf32, #tpu.memory_space<vmem>>, vector<16xf32>,
                %parallel_loop3A_248 = arith.index_cast %parallel_loop3A_176 : i32 to index
                %parallel_loop3A_249 = arith.constant 304 : index
                %parallel_loop3A_250 = tpu.vector_load %arg11[%parallel_loop3A_248, %parallel_loop3A_249] {strides = array<i32>} : memref<64x512xf32, #tpu.memory_space<vmem>>, vector<16xf32>,
                %parallel_loop3A_251 = arith.index_cast %parallel_loop3A_176 : i32 to index
                %parallel_loop3A_252 = arith.constant 48 : index
                %parallel_loop3A_253 = tpu.vector_load %arg11[%parallel_loop3A_251, %parallel_loop3A_252] {strides = array<i32>} : memref<64x512xf32, #tpu.memory_space<vmem>>, vector<16xf32>,
                %parallel_loop3A_254 = arith.mulf %parallel_loop3A_250, %parallel_loop3A_194 : vector<16xf32>
                %parallel_loop3A_255 = arith.addf %parallel_loop3A_253, %parallel_loop3A_254 : vector<16xf32>
                %parallel_loop3A_256 = arith.index_cast %parallel_loop3A_205 : i32 to index
                %parallel_loop3A_257 = arith.constant 48 : index
                %parallel_loop3A_258 = tpu.vector_load %arg12[%parallel_loop3A_256, %parallel_loop3A_257] {strides = array<i32>} : memref<168x512xf32, #tpu.memory_space<vmem>>, vector<16xf32>,
                tpu.vector_store %arg12[%parallel_loop3A_256, %parallel_loop3A_257], %parallel_loop3A_255 {add = true, strides = array<i32>} : memref<168x512xf32, #tpu.memory_space<vmem>>, vector<16xf32>,
                %parallel_loop3A_259 = arith.index_cast %parallel_loop3A_205 : i32 to index
                %parallel_loop3A_260 = arith.constant 304 : index
                %parallel_loop3A_261 = tpu.vector_load %arg12[%parallel_loop3A_259, %parallel_loop3A_260] {strides = array<i32>} : memref<168x512xf32, #tpu.memory_space<vmem>>, vector<16xf32>,
                tpu.vector_store %arg12[%parallel_loop3A_259, %parallel_loop3A_260], %parallel_loop3A_250 {add = true, strides = array<i32>} : memref<168x512xf32, #tpu.memory_space<vmem>>, vector<16xf32>,
                %parallel_loop3A_262 = arith.index_cast %parallel_loop3A_176 : i32 to index
                %parallel_loop3A_263 = arith.constant 320 : index
                %parallel_loop3A_264 = tpu.vector_load %arg11[%parallel_loop3A_262, %parallel_loop3A_263] {strides = array<i32>} : memref<64x512xf32, #tpu.memory_space<vmem>>, vector<16xf32>,
                %parallel_loop3A_265 = arith.index_cast %parallel_loop3A_176 : i32 to index
                %parallel_loop3A_266 = arith.constant 64 : index
                %parallel_loop3A_267 = tpu.vector_load %arg11[%parallel_loop3A_265, %parallel_loop3A_266] {strides = array<i32>} : memref<64x512xf32, #tpu.memory_space<vmem>>, vector<16xf32>,
                %parallel_loop3A_268 = arith.mulf %parallel_loop3A_264, %parallel_loop3A_194 : vector<16xf32>
                %parallel_loop3A_269 = arith.addf %parallel_loop3A_267, %parallel_loop3A_268 : vector<16xf32>
                %parallel_loop3A_270 = arith.index_cast %parallel_loop3A_205 : i32 to index
                %parallel_loop3A_271 = arith.constant 64 : index
                %parallel_loop3A_272 = tpu.vector_load %arg12[%parallel_loop3A_270, %parallel_loop3A_271] {strides = array<i32>} : memref<168x512xf32, #tpu.memory_space<vmem>>, vector<16xf32>,
                tpu.vector_store %arg12[%parallel_loop3A_270, %parallel_loop3A_271], %parallel_loop3A_269 {add = true, strides = array<i32>} : memref<168x512xf32, #tpu.memory_space<vmem>>, vector<16xf32>,
                %parallel_loop3A_273 = arith.index_cast %parallel_loop3A_205 : i32 to index
                %parallel_loop3A_274 = arith.constant 320 : index
                %parallel_loop3A_275 = tpu.vector_load %arg12[%parallel_loop3A_273, %parallel_loop3A_274] {strides = array<i32>} : memref<168x512xf32, #tpu.memory_space<vmem>>, vector<16xf32>,
                tpu.vector_store %arg12[%parallel_loop3A_273, %parallel_loop3A_274], %parallel_loop3A_264 {add = true, strides = array<i32>} : memref<168x512xf32, #tpu.memory_space<vmem>>, vector<16xf32>,
                %parallel_loop3A_276 = arith.index_cast %parallel_loop3A_176 : i32 to index
                %parallel_loop3A_277 = arith.constant 336 : index
                %parallel_loop3A_278 = tpu.vector_load %arg11[%parallel_loop3A_276, %parallel_loop3A_277] {strides = array<i32>} : memref<64x512xf32, #tpu.memory_space<vmem>>, vector<16xf32>,
                %parallel_loop3A_279 = arith.index_cast %parallel_loop3A_176 : i32 to index
                %parallel_loop3A_280 = arith.constant 80 : index
                %parallel_loop3A_281 = tpu.vector_load %arg11[%parallel_loop3A_279, %parallel_loop3A_280] {strides = array<i32>} : memref<64x512xf32, #tpu.memory_space<vmem>>, vector<16xf32>,
                %parallel_loop3A_282 = arith.mulf %parallel_loop3A_278, %parallel_loop3A_194 : vector<16xf32>
                %parallel_loop3A_283 = arith.addf %parallel_loop3A_281, %parallel_loop3A_282 : vector<16xf32>
                %parallel_loop3A_284 = arith.index_cast %parallel_loop3A_205 : i32 to index
                %parallel_loop3A_285 = arith.constant 80 : index
                %parallel_loop3A_286 = tpu.vector_load %arg12[%parallel_loop3A_284, %parallel_loop3A_285] {strides = array<i32>} : memref<168x512xf32, #tpu.memory_space<vmem>>, vector<16xf32>,
                tpu.vector_store %arg12[%parallel_loop3A_284, %parallel_loop3A_285], %parallel_loop3A_283 {add = true, strides = array<i32>} : memref<168x512xf32, #tpu.memory_space<vmem>>, vector<16xf32>,
                %parallel_loop3A_287 = arith.index_cast %parallel_loop3A_205 : i32 to index
                %parallel_loop3A_288 = arith.constant 336 : index
                %parallel_loop3A_289 = tpu.vector_load %arg12[%parallel_loop3A_287, %parallel_loop3A_288] {strides = array<i32>} : memref<168x512xf32, #tpu.memory_space<vmem>>, vector<16xf32>,
                tpu.vector_store %arg12[%parallel_loop3A_287, %parallel_loop3A_288], %parallel_loop3A_278 {add = true, strides = array<i32>} : memref<168x512xf32, #tpu.memory_space<vmem>>, vector<16xf32>,
                %parallel_loop3A_290 = arith.index_cast %parallel_loop3A_176 : i32 to index
                %parallel_loop3A_291 = arith.constant 352 : index
                %parallel_loop3A_292 = tpu.vector_load %arg11[%parallel_loop3A_290, %parallel_loop3A_291] {strides = array<i32>} : memref<64x512xf32, #tpu.memory_space<vmem>>, vector<16xf32>,
                %parallel_loop3A_293 = arith.index_cast %parallel_loop3A_176 : i32 to index
                %parallel_loop3A_294 = arith.constant 96 : index
                %parallel_loop3A_295 = tpu.vector_load %arg11[%parallel_loop3A_293, %parallel_loop3A_294] {strides = array<i32>} : memref<64x512xf32, #tpu.memory_space<vmem>>, vector<16xf32>,
                %parallel_loop3A_296 = arith.mulf %parallel_loop3A_292, %parallel_loop3A_194 : vector<16xf32>
                %parallel_loop3A_297 = arith.addf %parallel_loop3A_295, %parallel_loop3A_296 : vector<16xf32>
                %parallel_loop3A_298 = arith.index_cast %parallel_loop3A_205 : i32 to index
                %parallel_loop3A_299 = arith.constant 96 : index
                %parallel_loop3A_300 = tpu.vector_load %arg12[%parallel_loop3A_298, %parallel_loop3A_299] {strides = array<i32>} : memref<168x512xf32, #tpu.memory_space<vmem>>, vector<16xf32>,
                tpu.vector_store %arg12[%parallel_loop3A_298, %parallel_loop3A_299], %parallel_loop3A_297 {add = true, strides = array<i32>} : memref<168x512xf32, #tpu.memory_space<vmem>>, vector<16xf32>,
                %parallel_loop3A_301 = arith.index_cast %parallel_loop3A_205 : i32 to index
                %parallel_loop3A_302 = arith.constant 352 : index
                %parallel_loop3A_303 = tpu.vector_load %arg12[%parallel_loop3A_301, %parallel_loop3A_302] {strides = array<i32>} : memref<168x512xf32, #tpu.memory_space<vmem>>, vector<16xf32>,
                tpu.vector_store %arg12[%parallel_loop3A_301, %parallel_loop3A_302], %parallel_loop3A_292 {add = true, strides = array<i32>} : memref<168x512xf32, #tpu.memory_space<vmem>>, vector<16xf32>,
                %parallel_loop3A_304 = arith.index_cast %parallel_loop3A_176 : i32 to index
                %parallel_loop3A_305 = arith.constant 368 : index
                %parallel_loop3A_306 = tpu.vector_load %arg11[%parallel_loop3A_304, %parallel_loop3A_305] {strides = array<i32>} : memref<64x512xf32, #tpu.memory_space<vmem>>, vector<16xf32>,
                %parallel_loop3A_307 = arith.index_cast %parallel_loop3A_176 : i32 to index
                %parallel_loop3A_308 = arith.constant 112 : index
                %parallel_loop3A_309 = tpu.vector_load %arg11[%parallel_loop3A_307, %parallel_loop3A_308] {strides = array<i32>} : memref<64x512xf32, #tpu.memory_space<vmem>>, vector<16xf32>,
                %parallel_loop3A_310 = arith.mulf %parallel_loop3A_306, %parallel_loop3A_194 : vector<16xf32>
                %parallel_loop3A_311 = arith.addf %parallel_loop3A_309, %parallel_loop3A_310 : vector<16xf32>
                %parallel_loop3A_312 = arith.index_cast %parallel_loop3A_205 : i32 to index
                %parallel_loop3A_313 = arith.constant 112 : index
                %parallel_loop3A_314 = tpu.vector_load %arg12[%parallel_loop3A_312, %parallel_loop3A_313] {strides = array<i32>} : memref<168x512xf32, #tpu.memory_space<vmem>>, vector<16xf32>,
                tpu.vector_store %arg12[%parallel_loop3A_312, %parallel_loop3A_313], %parallel_loop3A_311 {add = true, strides = array<i32>} : memref<168x512xf32, #tpu.memory_space<vmem>>, vector<16xf32>,
                %parallel_loop3A_315 = arith.index_cast %parallel_loop3A_205 : i32 to index
                %parallel_loop3A_316 = arith.constant 368 : index
                %parallel_loop3A_317 = tpu.vector_load %arg12[%parallel_loop3A_315, %parallel_loop3A_316] {strides = array<i32>} : memref<168x512xf32, #tpu.memory_space<vmem>>, vector<16xf32>,
                tpu.vector_store %arg12[%parallel_loop3A_315, %parallel_loop3A_316], %parallel_loop3A_306 {add = true, strides = array<i32>} : memref<168x512xf32, #tpu.memory_space<vmem>>, vector<16xf32>,
                %parallel_loop3A_318 = arith.index_cast %parallel_loop3A_176 : i32 to index
                %parallel_loop3A_319 = arith.constant 384 : index
                %parallel_loop3A_320 = tpu.vector_load %arg11[%parallel_loop3A_318, %parallel_loop3A_319] {strides = array<i32>} : memref<64x512xf32, #tpu.memory_space<vmem>>, vector<16xf32>,
                %parallel_loop3A_321 = arith.index_cast %parallel_loop3A_176 : i32 to index
                %parallel_loop3A_322 = arith.constant 128 : index
                %parallel_loop3A_323 = tpu.vector_load %arg11[%parallel_loop3A_321, %parallel_loop3A_322] {strides = array<i32>} : memref<64x512xf32, #tpu.memory_space<vmem>>, vector<16xf32>,
                %parallel_loop3A_324 = arith.mulf %parallel_loop3A_320, %parallel_loop3A_194 : vector<16xf32>
                %parallel_loop3A_325 = arith.addf %parallel_loop3A_323, %parallel_loop3A_324 : vector<16xf32>
                %parallel_loop3A_326 = arith.index_cast %parallel_loop3A_205 : i32 to index
                %parallel_loop3A_327 = arith.constant 128 : index
                %parallel_loop3A_328 = tpu.vector_load %arg12[%parallel_loop3A_326, %parallel_loop3A_327] {strides = array<i32>} : memref<168x512xf32, #tpu.memory_space<vmem>>, vector<16xf32>,
                tpu.vector_store %arg12[%parallel_loop3A_326, %parallel_loop3A_327], %parallel_loop3A_325 {add = true, strides = array<i32>} : memref<168x512xf32, #tpu.memory_space<vmem>>, vector<16xf32>,
                %parallel_loop3A_329 = arith.index_cast %parallel_loop3A_205 : i32 to index
                %parallel_loop3A_330 = arith.constant 384 : index
                %parallel_loop3A_331 = tpu.vector_load %arg12[%parallel_loop3A_329, %parallel_loop3A_330] {strides = array<i32>} : memref<168x512xf32, #tpu.memory_space<vmem>>, vector<16xf32>,
                tpu.vector_store %arg12[%parallel_loop3A_329, %parallel_loop3A_330], %parallel_loop3A_320 {add = true, strides = array<i32>} : memref<168x512xf32, #tpu.memory_space<vmem>>, vector<16xf32>,
                %parallel_loop3A_332 = arith.index_cast %parallel_loop3A_176 : i32 to index
                %parallel_loop3A_333 = arith.constant 400 : index
                %parallel_loop3A_334 = tpu.vector_load %arg11[%parallel_loop3A_332, %parallel_loop3A_333] {strides = array<i32>} : memref<64x512xf32, #tpu.memory_space<vmem>>, vector<16xf32>,
                %parallel_loop3A_335 = arith.index_cast %parallel_loop3A_176 : i32 to index
                %parallel_loop3A_336 = arith.constant 144 : index
                %parallel_loop3A_337 = tpu.vector_load %arg11[%parallel_loop3A_335, %parallel_loop3A_336] {strides = array<i32>} : memref<64x512xf32, #tpu.memory_space<vmem>>, vector<16xf32>,
                %parallel_loop3A_338 = arith.mulf %parallel_loop3A_334, %parallel_loop3A_194 : vector<16xf32>
                %parallel_loop3A_339 = arith.addf %parallel_loop3A_337, %parallel_loop3A_338 : vector<16xf32>
                %parallel_loop3A_340 = arith.index_cast %parallel_loop3A_205 : i32 to index
                %parallel_loop3A_341 = arith.constant 144 : index
                %parallel_loop3A_342 = tpu.vector_load %arg12[%parallel_loop3A_340, %parallel_loop3A_341] {strides = array<i32>} : memref<168x512xf32, #tpu.memory_space<vmem>>, vector<16xf32>,
                tpu.vector_store %arg12[%parallel_loop3A_340, %parallel_loop3A_341], %parallel_loop3A_339 {add = true, strides = array<i32>} : memref<168x512xf32, #tpu.memory_space<vmem>>, vector<16xf32>,
                %parallel_loop3A_343 = arith.index_cast %parallel_loop3A_205 : i32 to index
                %parallel_loop3A_344 = arith.constant 400 : index
                %parallel_loop3A_345 = tpu.vector_load %arg12[%parallel_loop3A_343, %parallel_loop3A_344] {strides = array<i32>} : memref<168x512xf32, #tpu.memory_space<vmem>>, vector<16xf32>,
                tpu.vector_store %arg12[%parallel_loop3A_343, %parallel_loop3A_344], %parallel_loop3A_334 {add = true, strides = array<i32>} : memref<168x512xf32, #tpu.memory_space<vmem>>, vector<16xf32>,
                %parallel_loop3A_346 = arith.index_cast %parallel_loop3A_176 : i32 to index
                %parallel_loop3A_347 = arith.constant 416 : index
                %parallel_loop3A_348 = tpu.vector_load %arg11[%parallel_loop3A_346, %parallel_loop3A_347] {strides = array<i32>} : memref<64x512xf32, #tpu.memory_space<vmem>>, vector<16xf32>,
                %parallel_loop3A_349 = arith.index_cast %parallel_loop3A_176 : i32 to index
                %parallel_loop3A_350 = arith.constant 160 : index
                %parallel_loop3A_351 = tpu.vector_load %arg11[%parallel_loop3A_349, %parallel_loop3A_350] {strides = array<i32>} : memref<64x512xf32, #tpu.memory_space<vmem>>, vector<16xf32>,
                %parallel_loop3A_352 = arith.mulf %parallel_loop3A_348, %parallel_loop3A_194 : vector<16xf32>
                %parallel_loop3A_353 = arith.addf %parallel_loop3A_351, %parallel_loop3A_352 : vector<16xf32>
                %parallel_loop3A_354 = arith.index_cast %parallel_loop3A_205 : i32 to index
                %parallel_loop3A_355 = arith.constant 160 : index
                %parallel_loop3A_356 = tpu.vector_load %arg12[%parallel_loop3A_354, %parallel_loop3A_355] {strides = array<i32>} : memref<168x512xf32, #tpu.memory_space<vmem>>, vector<16xf32>,
                tpu.vector_store %arg12[%parallel_loop3A_354, %parallel_loop3A_355], %parallel_loop3A_353 {add = true, strides = array<i32>} : memref<168x512xf32, #tpu.memory_space<vmem>>, vector<16xf32>,
                %parallel_loop3A_357 = arith.index_cast %parallel_loop3A_205 : i32 to index
                %parallel_loop3A_358 = arith.constant 416 : index
                %parallel_loop3A_359 = tpu.vector_load %arg12[%parallel_loop3A_357, %parallel_loop3A_358] {strides = array<i32>} : memref<168x512xf32, #tpu.memory_space<vmem>>, vector<16xf32>,
                tpu.vector_store %arg12[%parallel_loop3A_357, %parallel_loop3A_358], %parallel_loop3A_348 {add = true, strides = array<i32>} : memref<168x512xf32, #tpu.memory_space<vmem>>, vector<16xf32>,
                %parallel_loop3A_360 = arith.index_cast %parallel_loop3A_176 : i32 to index
                %parallel_loop3A_361 = arith.constant 432 : index
                %parallel_loop3A_362 = tpu.vector_load %arg11[%parallel_loop3A_360, %parallel_loop3A_361] {strides = array<i32>} : memref<64x512xf32, #tpu.memory_space<vmem>>, vector<16xf32>,
                %parallel_loop3A_363 = arith.index_cast %parallel_loop3A_176 : i32 to index
                %parallel_loop3A_364 = arith.constant 176 : index
                %parallel_loop3A_365 = tpu.vector_load %arg11[%parallel_loop3A_363, %parallel_loop3A_364] {strides = array<i32>} : memref<64x512xf32, #tpu.memory_space<vmem>>, vector<16xf32>,
                %parallel_loop3A_366 = arith.mulf %parallel_loop3A_362, %parallel_loop3A_194 : vector<16xf32>
                %parallel_loop3A_367 = arith.addf %parallel_loop3A_365, %parallel_loop3A_366 : vector<16xf32>
                %parallel_loop3A_368 = arith.index_cast %parallel_loop3A_205 : i32 to index
                %parallel_loop3A_369 = arith.constant 176 : index
                %parallel_loop3A_370 = tpu.vector_load %arg12[%parallel_loop3A_368, %parallel_loop3A_369] {strides = array<i32>} : memref<168x512xf32, #tpu.memory_space<vmem>>, vector<16xf32>,
                tpu.vector_store %arg12[%parallel_loop3A_368, %parallel_loop3A_369], %parallel_loop3A_367 {add = true, strides = array<i32>} : memref<168x512xf32, #tpu.memory_space<vmem>>, vector<16xf32>,
                %parallel_loop3A_371 = arith.index_cast %parallel_loop3A_205 : i32 to index
                %parallel_loop3A_372 = arith.constant 432 : index
                %parallel_loop3A_373 = tpu.vector_load %arg12[%parallel_loop3A_371, %parallel_loop3A_372] {strides = array<i32>} : memref<168x512xf32, #tpu.memory_space<vmem>>, vector<16xf32>,
                tpu.vector_store %arg12[%parallel_loop3A_371, %parallel_loop3A_372], %parallel_loop3A_362 {add = true, strides = array<i32>} : memref<168x512xf32, #tpu.memory_space<vmem>>, vector<16xf32>,
                %parallel_loop3A_374 = arith.index_cast %parallel_loop3A_176 : i32 to index
                %parallel_loop3A_375 = arith.constant 448 : index
                %parallel_loop3A_376 = tpu.vector_load %arg11[%parallel_loop3A_374, %parallel_loop3A_375] {strides = array<i32>} : memref<64x512xf32, #tpu.memory_space<vmem>>, vector<16xf32>,
                %parallel_loop3A_377 = arith.index_cast %parallel_loop3A_176 : i32 to index
                %parallel_loop3A_378 = arith.constant 192 : index
                %parallel_loop3A_379 = tpu.vector_load %arg11[%parallel_loop3A_377, %parallel_loop3A_378] {strides = array<i32>} : memref<64x512xf32, #tpu.memory_space<vmem>>, vector<16xf32>,
                %parallel_loop3A_380 = arith.mulf %parallel_loop3A_376, %parallel_loop3A_194 : vector<16xf32>
                %parallel_loop3A_381 = arith.addf %parallel_loop3A_379, %parallel_loop3A_380 : vector<16xf32>
                %parallel_loop3A_382 = arith.index_cast %parallel_loop3A_205 : i32 to index
                %parallel_loop3A_383 = arith.constant 192 : index
                %parallel_loop3A_384 = tpu.vector_load %arg12[%parallel_loop3A_382, %parallel_loop3A_383] {strides = array<i32>} : memref<168x512xf32, #tpu.memory_space<vmem>>, vector<16xf32>,
                tpu.vector_store %arg12[%parallel_loop3A_382, %parallel_loop3A_383], %parallel_loop3A_381 {add = true, strides = array<i32>} : memref<168x512xf32, #tpu.memory_space<vmem>>, vector<16xf32>,
                %parallel_loop3A_385 = arith.index_cast %parallel_loop3A_205 : i32 to index
                %parallel_loop3A_386 = arith.constant 448 : index
                %parallel_loop3A_387 = tpu.vector_load %arg12[%parallel_loop3A_385, %parallel_loop3A_386] {strides = array<i32>} : memref<168x512xf32, #tpu.memory_space<vmem>>, vector<16xf32>,
                tpu.vector_store %arg12[%parallel_loop3A_385, %parallel_loop3A_386], %parallel_loop3A_376 {add = true, strides = array<i32>} : memref<168x512xf32, #tpu.memory_space<vmem>>, vector<16xf32>,
                %parallel_loop3A_388 = arith.index_cast %parallel_loop3A_176 : i32 to index
                %parallel_loop3A_389 = arith.constant 464 : index
                %parallel_loop3A_390 = tpu.vector_load %arg11[%parallel_loop3A_388, %parallel_loop3A_389] {strides = array<i32>} : memref<64x512xf32, #tpu.memory_space<vmem>>, vector<16xf32>,
                %parallel_loop3A_391 = arith.index_cast %parallel_loop3A_176 : i32 to index
                %parallel_loop3A_392 = arith.constant 208 : index
                %parallel_loop3A_393 = tpu.vector_load %arg11[%parallel_loop3A_391, %parallel_loop3A_392] {strides = array<i32>} : memref<64x512xf32, #tpu.memory_space<vmem>>, vector<16xf32>,
                %parallel_loop3A_394 = arith.mulf %parallel_loop3A_390, %parallel_loop3A_194 : vector<16xf32>
                %parallel_loop3A_395 = arith.addf %parallel_loop3A_393, %parallel_loop3A_394 : vector<16xf32>
                %parallel_loop3A_396 = arith.index_cast %parallel_loop3A_205 : i32 to index
                %parallel_loop3A_397 = arith.constant 208 : index
                %parallel_loop3A_398 = tpu.vector_load %arg12[%parallel_loop3A_396, %parallel_loop3A_397] {strides = array<i32>} : memref<168x512xf32, #tpu.memory_space<vmem>>, vector<16xf32>,
                tpu.vector_store %arg12[%parallel_loop3A_396, %parallel_loop3A_397], %parallel_loop3A_395 {add = true, strides = array<i32>} : memref<168x512xf32, #tpu.memory_space<vmem>>, vector<16xf32>,
                %parallel_loop3A_399 = arith.index_cast %parallel_loop3A_205 : i32 to index
                %parallel_loop3A_400 = arith.constant 464 : index
                %parallel_loop3A_401 = tpu.vector_load %arg12[%parallel_loop3A_399, %parallel_loop3A_400] {strides = array<i32>} : memref<168x512xf32, #tpu.memory_space<vmem>>, vector<16xf32>,
                tpu.vector_store %arg12[%parallel_loop3A_399, %parallel_loop3A_400], %parallel_loop3A_390 {add = true, strides = array<i32>} : memref<168x512xf32, #tpu.memory_space<vmem>>, vector<16xf32>,
                %parallel_loop3A_402 = arith.index_cast %parallel_loop3A_176 : i32 to index
                %parallel_loop3A_403 = arith.constant 480 : index
                %parallel_loop3A_404 = tpu.vector_load %arg11[%parallel_loop3A_402, %parallel_loop3A_403] {strides = array<i32>} : memref<64x512xf32, #tpu.memory_space<vmem>>, vector<16xf32>,
                %parallel_loop3A_405 = arith.index_cast %parallel_loop3A_176 : i32 to index
                %parallel_loop3A_406 = arith.constant 224 : index
                %parallel_loop3A_407 = tpu.vector_load %arg11[%parallel_loop3A_405, %parallel_loop3A_406] {strides = array<i32>} : memref<64x512xf32, #tpu.memory_space<vmem>>, vector<16xf32>,
                %parallel_loop3A_408 = arith.mulf %parallel_loop3A_404, %parallel_loop3A_194 : vector<16xf32>
                %parallel_loop3A_409 = arith.addf %parallel_loop3A_407, %parallel_loop3A_408 : vector<16xf32>
                %parallel_loop3A_410 = arith.index_cast %parallel_loop3A_205 : i32 to index
                %parallel_loop3A_411 = arith.constant 224 : index
                %parallel_loop3A_412 = tpu.vector_load %arg12[%parallel_loop3A_410, %parallel_loop3A_411] {strides = array<i32>} : memref<168x512xf32, #tpu.memory_space<vmem>>, vector<16xf32>,
                tpu.vector_store %arg12[%parallel_loop3A_410, %parallel_loop3A_411], %parallel_loop3A_409 {add = true, strides = array<i32>} : memref<168x512xf32, #tpu.memory_space<vmem>>, vector<16xf32>,
                %parallel_loop3A_413 = arith.index_cast %parallel_loop3A_205 : i32 to index
                %parallel_loop3A_414 = arith.constant 480 : index
                %parallel_loop3A_415 = tpu.vector_load %arg12[%parallel_loop3A_413, %parallel_loop3A_414] {strides = array<i32>} : memref<168x512xf32, #tpu.memory_space<vmem>>, vector<16xf32>,
                tpu.vector_store %arg12[%parallel_loop3A_413, %parallel_loop3A_414], %parallel_loop3A_404 {add = true, strides = array<i32>} : memref<168x512xf32, #tpu.memory_space<vmem>>, vector<16xf32>,
                %parallel_loop3A_416 = arith.index_cast %parallel_loop3A_176 : i32 to index
                %parallel_loop3A_417 = arith.constant 496 : index
                %parallel_loop3A_418 = tpu.vector_load %arg11[%parallel_loop3A_416, %parallel_loop3A_417] {strides = array<i32>} : memref<64x512xf32, #tpu.memory_space<vmem>>, vector<16xf32>,
                %parallel_loop3A_419 = arith.index_cast %parallel_loop3A_176 : i32 to index
                %parallel_loop3A_420 = arith.constant 240 : index
                %parallel_loop3A_421 = tpu.vector_load %arg11[%parallel_loop3A_419, %parallel_loop3A_420] {strides = array<i32>} : memref<64x512xf32, #tpu.memory_space<vmem>>, vector<16xf32>,
                %parallel_loop3A_422 = arith.mulf %parallel_loop3A_418, %parallel_loop3A_194 : vector<16xf32>
                %parallel_loop3A_423 = arith.addf %parallel_loop3A_421, %parallel_loop3A_422 : vector<16xf32>
                %parallel_loop3A_424 = arith.index_cast %parallel_loop3A_205 : i32 to index
                %parallel_loop3A_425 = arith.constant 240 : index
                %parallel_loop3A_426 = tpu.vector_load %arg12[%parallel_loop3A_424, %parallel_loop3A_425] {strides = array<i32>} : memref<168x512xf32, #tpu.memory_space<vmem>>, vector<16xf32>,
                tpu.vector_store %arg12[%parallel_loop3A_424, %parallel_loop3A_425], %parallel_loop3A_423 {add = true, strides = array<i32>} : memref<168x512xf32, #tpu.memory_space<vmem>>, vector<16xf32>,
                %parallel_loop3A_427 = arith.index_cast %parallel_loop3A_205 : i32 to index
                %parallel_loop3A_428 = arith.constant 496 : index
                %parallel_loop3A_429 = tpu.vector_load %arg12[%parallel_loop3A_427, %parallel_loop3A_428] {strides = array<i32>} : memref<168x512xf32, #tpu.memory_space<vmem>>, vector<16xf32>,
                tpu.vector_store %arg12[%parallel_loop3A_427, %parallel_loop3A_428], %parallel_loop3A_418 {add = true, strides = array<i32>} : memref<168x512xf32, #tpu.memory_space<vmem>>, vector<16xf32>,
              } {sc.loop_unroll_factor = 8 : i64, sc.parallel_access}
              %get3A_163 = arith.constant 64 : index
              %get3A_164 = tpu.vector_load %arg8[%get3A_163] {strides = array<i32>} : memref<80xi32, #tpu.memory_space<vmem>>, vector<16xi32>,
              %swap3A = arith.constant 0 : index
              %swap3A_165 = tpu.vector_load %arg8[%swap3A] {strides = array<i32>} : memref<80xi32, #tpu.memory_space<vmem>>, vector<16xi32>,
              tpu.vector_store %arg8[%swap3A], %get3A_164 {strides = array<i32>} : memref<80xi32, #tpu.memory_space<vmem>>, vector<16xi32>,
              %get3A_166 = arith.constant 64 : index
              %get3A_167 = tpu.vector_load %arg9[%get3A_166] {strides = array<i32>} : memref<80xi32, #tpu.memory_space<vmem>>, vector<16xi32>,
              %swap3A_168 = arith.constant 0 : index
              %swap3A_169 = tpu.vector_load %arg9[%swap3A_168] {strides = array<i32>} : memref<80xi32, #tpu.memory_space<vmem>>, vector<16xi32>,
              tpu.vector_store %arg9[%swap3A_168], %get3A_167 {strides = array<i32>} : memref<80xi32, #tpu.memory_space<vmem>>, vector<16xi32>,
              %get3A_170 = arith.constant 64 : index
              %get3A_171 = tpu.vector_load %arg10[%get3A_170] {strides = array<i32>} : memref<80xf32, #tpu.memory_space<vmem>>, vector<16xf32>,
              %swap3A_172 = arith.constant 0 : index
              %swap3A_173 = tpu.vector_load %arg10[%swap3A_172] {strides = array<i32>} : memref<80xf32, #tpu.memory_space<vmem>>, vector<16xf32>,
              tpu.vector_store %arg10[%swap3A_172], %get3A_171 {strides = array<i32>} : memref<80xf32, #tpu.memory_space<vmem>>, vector<16xf32>,
              %sub3A_174 = arith.constant 64 : i32
              %sub3A_175 = arith.subi %add3A_154, %sub3A_174 : i32
              scf.yield %sub3A_175 : i32
            } else {
              scf.yield %add3A_154 : i32
            }
            scf.yield %cond3A_160 : i32
          } else {
            scf.yield %scan3A_113 : i32
          }
          scf.yield %cond3A_136 : i32
        }
        %scan3A_111 = arith.constant 250 : i32
        scf.yield %scan3A_110 : i32
      }
      %scan3A_26 = arith.constant 40 : i32
      %add3A_27 = arith.constant 0 : i32
      %add3A_28 = arith.addi %scan3A_25, %add3A_27 : i32
      %add3A_29 = vector.broadcast %add3A_28 : i32 to vector<16xi32>
      %add3A_30 = arith.addi %add3A_29, %iota3A : vector<16xi32>
      %lt3A = arith.constant 80 : i32
      %lt3A_31 = vector.broadcast %lt3A : i32 to vector<16xi32>
      %lt3A_32 = arith.cmpi slt, %add3A_30, %lt3A_31 : vector<16xi32>
      tpu.vector_store_idx %arg8[%add3A_30], %add3A_30 masked %lt3A_32 : memref<80xi32, #tpu.memory_space<vmem>>[vector<16xi32>], vector<16xi32>, vector<16xi1>
      %and3A = arith.constant 7 : i32
      %and3A_33 = vector.broadcast %and3A : i32 to vector<16xi32>
      %and3A_34 = arith.andi %iota3A, %and3A_33 : vector<16xi32>
      %add3A_35 = arith.constant 160 : i32
      %add3A_36 = vector.broadcast %add3A_35 : i32 to vector<16xi32>
      %add3A_37 = arith.addi %add3A_36, %and3A_34 : vector<16xi32>
      tpu.vector_store_idx %arg9[%add3A_30], %add3A_37 masked %lt3A_32 : memref<80xi32, #tpu.memory_space<vmem>>[vector<16xi32>], vector<16xi32>, vector<16xi1>
      %broadcast_in_dim3A = arith.constant 0.000000e+00 : f32
      %broadcast_in_dim3A_38 = vector.broadcast %broadcast_in_dim3A : f32 to vector<16xf32>
      tpu.vector_store_idx %arg10[%add3A_30], %broadcast_in_dim3A_38 masked %lt3A_32 : memref<80xf32, #tpu.memory_space<vmem>>[vector<16xi32>], vector<16xf32>, vector<16xi1>
      %add3A_39 = arith.constant 16 : i32
      %add3A_40 = arith.addi %scan3A_25, %add3A_39 : i32
      %add3A_41 = vector.broadcast %add3A_40 : i32 to vector<16xi32>
      %add3A_42 = arith.addi %add3A_41, %iota3A : vector<16xi32>
      %lt3A_43 = arith.constant 80 : i32
      %lt3A_44 = vector.broadcast %lt3A_43 : i32 to vector<16xi32>
      %lt3A_45 = arith.cmpi slt, %add3A_42, %lt3A_44 : vector<16xi32>
      tpu.vector_store_idx %arg8[%add3A_42], %add3A_42 masked %lt3A_45 : memref<80xi32, #tpu.memory_space<vmem>>[vector<16xi32>], vector<16xi32>, vector<16xi1>
      %and3A_46 = arith.constant 7 : i32
      %and3A_47 = vector.broadcast %and3A_46 : i32 to vector<16xi32>
      %and3A_48 = arith.andi %iota3A, %and3A_47 : vector<16xi32>
      %add3A_49 = arith.constant 160 : i32
      %add3A_50 = vector.broadcast %add3A_49 : i32 to vector<16xi32>
      %add3A_51 = arith.addi %add3A_50, %and3A_48 : vector<16xi32>
      tpu.vector_store_idx %arg9[%add3A_42], %add3A_51 masked %lt3A_45 : memref<80xi32, #tpu.memory_space<vmem>>[vector<16xi32>], vector<16xi32>, vector<16xi1>
      %broadcast_in_dim3A_52 = arith.constant 0.000000e+00 : f32
      %broadcast_in_dim3A_53 = vector.broadcast %broadcast_in_dim3A_52 : f32 to vector<16xf32>
      tpu.vector_store_idx %arg10[%add3A_42], %broadcast_in_dim3A_53 masked %lt3A_45 : memref<80xf32, #tpu.memory_space<vmem>>[vector<16xi32>], vector<16xf32>, vector<16xi1>
      %add3A_54 = arith.constant 32 : i32
      %add3A_55 = arith.addi %scan3A_25, %add3A_54 : i32
      %add3A_56 = vector.broadcast %add3A_55 : i32 to vector<16xi32>
      %add3A_57 = arith.addi %add3A_56, %iota3A : vector<16xi32>
      %lt3A_58 = arith.constant 80 : i32
      %lt3A_59 = vector.broadcast %lt3A_58 : i32 to vector<16xi32>
      %lt3A_60 = arith.cmpi slt, %add3A_57, %lt3A_59 : vector<16xi32>
      tpu.vector_store_idx %arg8[%add3A_57], %add3A_57 masked %lt3A_60 : memref<80xi32, #tpu.memory_space<vmem>>[vector<16xi32>], vector<16xi32>, vector<16xi1>
      %and3A_61 = arith.constant 7 : i32
      %and3A_62 = vector.broadcast %and3A_61 : i32 to vector<16xi32>
      %and3A_63 = arith.andi %iota3A, %and3A_62 : vector<16xi32>
      %add3A_64 = arith.constant 160 : i32
      %add3A_65 = vector.broadcast %add3A_64 : i32 to vector<16xi32>
      %add3A_66 = arith.addi %add3A_65, %and3A_63 : vector<16xi32>
      tpu.vector_store_idx %arg9[%add3A_57], %add3A_66 masked %lt3A_60 : memref<80xi32, #tpu.memory_space<vmem>>[vector<16xi32>], vector<16xi32>, vector<16xi1>
      %broadcast_in_dim3A_67 = arith.constant 0.000000e+00 : f32
      %broadcast_in_dim3A_68 = vector.broadcast %broadcast_in_dim3A_67 : f32 to vector<16xf32>
      tpu.vector_store_idx %arg10[%add3A_57], %broadcast_in_dim3A_68 masked %lt3A_60 : memref<80xf32, #tpu.memory_space<vmem>>[vector<16xi32>], vector<16xf32>, vector<16xi1>
      %add3A_69 = arith.constant 48 : i32
      %add3A_70 = arith.addi %scan3A_25, %add3A_69 : i32
      %add3A_71 = vector.broadcast %add3A_70 : i32 to vector<16xi32>
      %add3A_72 = arith.addi %add3A_71, %iota3A : vector<16xi32>
      %lt3A_73 = arith.constant 80 : i32
      %lt3A_74 = vector.broadcast %lt3A_73 : i32 to vector<16xi32>
      %lt3A_75 = arith.cmpi slt, %add3A_72, %lt3A_74 : vector<16xi32>
      tpu.vector_store_idx %arg8[%add3A_72], %add3A_72 masked %lt3A_75 : memref<80xi32, #tpu.memory_space<vmem>>[vector<16xi32>], vector<16xi32>, vector<16xi1>
      %and3A_76 = arith.constant 7 : i32
      %and3A_77 = vector.broadcast %and3A_76 : i32 to vector<16xi32>
      %and3A_78 = arith.andi %iota3A, %and3A_77 : vector<16xi32>
      %add3A_79 = arith.constant 160 : i32
      %add3A_80 = vector.broadcast %add3A_79 : i32 to vector<16xi32>
      %add3A_81 = arith.addi %add3A_80, %and3A_78 : vector<16xi32>
      tpu.vector_store_idx %arg9[%add3A_72], %add3A_81 masked %lt3A_75 : memref<80xi32, #tpu.memory_space<vmem>>[vector<16xi32>], vector<16xi32>, vector<16xi1>
      %broadcast_in_dim3A_82 = arith.constant 0.000000e+00 : f32
      %broadcast_in_dim3A_83 = vector.broadcast %broadcast_in_dim3A_82 : f32 to vector<16xf32>
      tpu.vector_store_idx %arg10[%add3A_72], %broadcast_in_dim3A_83 masked %lt3A_75 : memref<80xf32, #tpu.memory_space<vmem>>[vector<16xi32>], vector<16xf32>, vector<16xi1>
      %add3A_84 = arith.constant 64 : i32
      %add3A_85 = arith.addi %scan3A_25, %add3A_84 : i32
      %add3A_86 = vector.broadcast %add3A_85 : i32 to vector<16xi32>
      %add3A_87 = arith.addi %add3A_86, %iota3A : vector<16xi32>
      %lt3A_88 = arith.constant 80 : i32
      %lt3A_89 = vector.broadcast %lt3A_88 : i32 to vector<16xi32>
      %lt3A_90 = arith.cmpi slt, %add3A_87, %lt3A_89 : vector<16xi32>
      tpu.vector_store_idx %arg8[%add3A_87], %add3A_87 masked %lt3A_90 : memref<80xi32, #tpu.memory_space<vmem>>[vector<16xi32>], vector<16xi32>, vector<16xi1>
      %and3A_91 = arith.constant 7 : i32
      %and3A_92 = vector.broadcast %and3A_91 : i32 to vector<16xi32>
      %and3A_93 = arith.andi %iota3A, %and3A_92 : vector<16xi32>
      %add3A_94 = arith.constant 160 : i32
      %add3A_95 = vector.broadcast %add3A_94 : i32 to vector<16xi32>
      %add3A_96 = arith.addi %add3A_95, %and3A_93 : vector<16xi32>
      tpu.vector_store_idx %arg9[%add3A_87], %add3A_96 masked %lt3A_90 : memref<80xi32, #tpu.memory_space<vmem>>[vector<16xi32>], vector<16xi32>, vector<16xi1>
      %broadcast_in_dim3A_97 = arith.constant 0.000000e+00 : f32
      %broadcast_in_dim3A_98 = vector.broadcast %broadcast_in_dim3A_97 : f32 to vector<16xf32>
      tpu.vector_store_idx %arg10[%add3A_87], %broadcast_in_dim3A_98 masked %lt3A_90 : memref<80xf32, #tpu.memory_space<vmem>>[vector<16xi32>], vector<16xf32>, vector<16xi1>
      %gt3A = arith.constant 0 : i32
      %gt3A_99 = arith.cmpi sgt, %scan3A_25, %gt3A : i32
      %convert_element_type3A = arith.extui %gt3A_99 : i1 to i32
      %cond3A = arith.constant 0 : i32
      %cond3A_100 = arith.cmpi ne, %convert_element_type3A, %cond3A : i32
      %cond3A_101 = scf.if %cond3A_100 -> (i32) {
        "tpu.region"() ({
          %run_scoped3A = tpu.sem_alloc : memref<!tpu.dma_semaphore, #tpu.memory_space<semaphore_mem>>
          %dma_start3A = arith.constant 0 : i32
          %dma_start3A_115 = tpu.memref_slice %arg8[%dma_start3A] : memref<80xi32, #tpu.memory_space<vmem>> -> memref<64xi32, #tpu.memory_space<vmem>>
          %dma_start3A_116 = arith.constant 0 : i32
          %dma_start3A_117 = arith.constant 0 : i32
          %dma_start3A_118 = tpu.memref_slice %arg4[%dma_start3A_116, %dma_start3A_117] : memref<160000x512xf32, #tpu.memory_space<hbm>> -> memref<160000x512xf32, #tpu.memory_space<hbm>>
          tpu.enqueue_indirect_dma source(%dma_start3A_118 : memref<160000x512xf32, #tpu.memory_space<hbm>>) target(%arg11 : memref<64x512xf32, #tpu.memory_space<vmem>>) offsets(%dma_start3A_115 : memref<64xi32, #tpu.memory_space<vmem>>) semaphore(%run_scoped3A : memref<!tpu.dma_semaphore, #tpu.memory_space<semaphore_mem>>)
          %dma_wait3A = arith.constant 0 : i32
          %dma_wait3A_119 = tpu.memref_slice %arg8[%dma_wait3A] : memref<80xi32, #tpu.memory_space<vmem>> -> memref<64xi32, #tpu.memory_space<vmem>>
          %dma_wait3A_120 = arith.constant 0 : i32
          %dma_wait3A_121 = arith.constant 0 : i32
          %dma_wait3A_122 = tpu.memref_slice %arg4[%dma_wait3A_120, %dma_wait3A_121] : memref<160000x512xf32, #tpu.memory_space<hbm>> -> memref<160000x512xf32, #tpu.memory_space<hbm>>
          tpu.wait_indirect_dma semaphore(%run_scoped3A : memref<!tpu.dma_semaphore, #tpu.memory_space<semaphore_mem>>) src(%dma_wait3A_122 : memref<160000x512xf32, #tpu.memory_space<hbm>>) dst(%arg11 : memref<64x512xf32, #tpu.memory_space<vmem>>)
          tpu.yield
        }) : () -> ()
        %parallel_loop3A = arith.constant 0 : i32
        %parallel_loop3A_102 = arith.constant 64 : i32
        %parallel_loop3A_103 = arith.constant 1 : i32
        scf.for %parallel_loop3A_115 = %parallel_loop3A to %parallel_loop3A_102 step %parallel_loop3A_103  : i32 {
          %parallel_loop3A_116 = arith.constant 4 : i32
          %parallel_loop3A_117 = arith.shrsi %parallel_loop3A_115, %parallel_loop3A_116 : i32
          %parallel_loop3A_118 = arith.constant 16 : i32
          %parallel_loop3A_119 = arith.muli %parallel_loop3A_117, %parallel_loop3A_118 : i32
          %parallel_loop3A_120 = arith.index_cast %parallel_loop3A_119 : i32 to index
          %parallel_loop3A_121 = tpu.vector_load %arg10[%parallel_loop3A_120] {strides = array<i32>} : memref<80xf32, #tpu.memory_space<vmem>>, vector<16xf32>,
          %parallel_loop3A_122 = arith.constant 4 : i32
          %parallel_loop3A_123 = arith.shrsi %parallel_loop3A_115, %parallel_loop3A_122 : i32
          %parallel_loop3A_124 = arith.constant 16 : i32
          %parallel_loop3A_125 = arith.muli %parallel_loop3A_123, %parallel_loop3A_124 : i32
          %parallel_loop3A_126 = arith.index_cast %parallel_loop3A_125 : i32 to index
          %parallel_loop3A_127 = tpu.vector_load %arg9[%parallel_loop3A_126] {strides = array<i32>} : memref<80xi32, #tpu.memory_space<vmem>>, vector<16xi32>,
          %parallel_loop3A_128 = arith.constant 15 : i32
          %parallel_loop3A_129 = arith.andi %parallel_loop3A_115, %parallel_loop3A_128 : i32
          %parallel_loop3A_130 = vector.broadcast %parallel_loop3A_129 : i32 to vector<16xi32>
          %parallel_loop3A_131 = vector.shape_cast %parallel_loop3A_130 : vector<16xi32> to vector<16x1xi32>
          %parallel_loop3A_132 = vector.shape_cast %parallel_loop3A_131 : vector<16x1xi32> to vector<16xi32>
          %parallel_loop3A_133 = tpu.dynamic_gather %parallel_loop3A_121[%parallel_loop3A_132] in [0] : vector<16xf32>, vector<16xi32> -> vector<16xf32>
          %parallel_loop3A_134 = vector.shape_cast %parallel_loop3A_130 : vector<16xi32> to vector<16x1xi32>
          %parallel_loop3A_135 = vector.shape_cast %parallel_loop3A_134 : vector<16x1xi32> to vector<16xi32>
          %parallel_loop3A_136 = tpu.dynamic_gather %parallel_loop3A_127[%parallel_loop3A_135] in [0] : vector<16xi32>, vector<16xi32> -> vector<16xi32>
          %parallel_loop3A_137 = arith.constant true
          %parallel_loop3A_138 = vector.broadcast %parallel_loop3A_137 : i1 to vector<16xi1>
          %parallel_loop3A_139 = arith.constant -2147483648 : i32
          %parallel_loop3A_140 = vector.broadcast %parallel_loop3A_139 : i32 to vector<16xi32>
          %parallel_loop3A_141 = arith.xori %parallel_loop3A_136, %parallel_loop3A_140 : vector<16xi32>
          %parallel_loop3A_142 = tpu.scan <max>, %parallel_loop3A_141 masked %parallel_loop3A_138 : vector<16xi32>, vector<16xi1> -> vector<16xi32>
          %parallel_loop3A_143 = arith.xori %parallel_loop3A_142, %parallel_loop3A_140 : vector<16xi32>
          %parallel_loop3A_144 = vector.extract %parallel_loop3A_143[15] : i32 from vector<16xi32>
          %parallel_loop3A_145 = arith.index_cast %parallel_loop3A_115 : i32 to index
          %parallel_loop3A_146 = arith.constant 256 : index
          %parallel_loop3A_147 = tpu.vector_load %arg11[%parallel_loop3A_145, %parallel_loop3A_146] {strides = array<i32>} : memref<64x512xf32, #tpu.memory_space<vmem>>, vector<16xf32>,
          %parallel_loop3A_148 = arith.index_cast %parallel_loop3A_115 : i32 to index
          %parallel_loop3A_149 = arith.constant 0 : index
          %parallel_loop3A_150 = tpu.vector_load %arg11[%parallel_loop3A_148, %parallel_loop3A_149] {strides = array<i32>} : memref<64x512xf32, #tpu.memory_space<vmem>>, vector<16xf32>,
          %parallel_loop3A_151 = arith.mulf %parallel_loop3A_147, %parallel_loop3A_133 : vector<16xf32>
          %parallel_loop3A_152 = arith.addf %parallel_loop3A_150, %parallel_loop3A_151 : vector<16xf32>
          %parallel_loop3A_153 = arith.index_cast %parallel_loop3A_144 : i32 to index
          %parallel_loop3A_154 = arith.constant 0 : index
          %parallel_loop3A_155 = tpu.vector_load %arg12[%parallel_loop3A_153, %parallel_loop3A_154] {strides = array<i32>} : memref<168x512xf32, #tpu.memory_space<vmem>>, vector<16xf32>,
          tpu.vector_store %arg12[%parallel_loop3A_153, %parallel_loop3A_154], %parallel_loop3A_152 {add = true, strides = array<i32>} : memref<168x512xf32, #tpu.memory_space<vmem>>, vector<16xf32>,
          %parallel_loop3A_156 = arith.index_cast %parallel_loop3A_144 : i32 to index
          %parallel_loop3A_157 = arith.constant 256 : index
          %parallel_loop3A_158 = tpu.vector_load %arg12[%parallel_loop3A_156, %parallel_loop3A_157] {strides = array<i32>} : memref<168x512xf32, #tpu.memory_space<vmem>>, vector<16xf32>,
          tpu.vector_store %arg12[%parallel_loop3A_156, %parallel_loop3A_157], %parallel_loop3A_147 {add = true, strides = array<i32>} : memref<168x512xf32, #tpu.memory_space<vmem>>, vector<16xf32>,
          %parallel_loop3A_159 = arith.index_cast %parallel_loop3A_115 : i32 to index
          %parallel_loop3A_160 = arith.constant 272 : index
          %parallel_loop3A_161 = tpu.vector_load %arg11[%parallel_loop3A_159, %parallel_loop3A_160] {strides = array<i32>} : memref<64x512xf32, #tpu.memory_space<vmem>>, vector<16xf32>,
          %parallel_loop3A_162 = arith.index_cast %parallel_loop3A_115 : i32 to index
          %parallel_loop3A_163 = arith.constant 16 : index
          %parallel_loop3A_164 = tpu.vector_load %arg11[%parallel_loop3A_162, %parallel_loop3A_163] {strides = array<i32>} : memref<64x512xf32, #tpu.memory_space<vmem>>, vector<16xf32>,
          %parallel_loop3A_165 = arith.mulf %parallel_loop3A_161, %parallel_loop3A_133 : vector<16xf32>
          %parallel_loop3A_166 = arith.addf %parallel_loop3A_164, %parallel_loop3A_165 : vector<16xf32>
          %parallel_loop3A_167 = arith.index_cast %parallel_loop3A_144 : i32 to index
          %parallel_loop3A_168 = arith.constant 16 : index
          %parallel_loop3A_169 = tpu.vector_load %arg12[%parallel_loop3A_167, %parallel_loop3A_168] {strides = array<i32>} : memref<168x512xf32, #tpu.memory_space<vmem>>, vector<16xf32>,
          tpu.vector_store %arg12[%parallel_loop3A_167, %parallel_loop3A_168], %parallel_loop3A_166 {add = true, strides = array<i32>} : memref<168x512xf32, #tpu.memory_space<vmem>>, vector<16xf32>,
          %parallel_loop3A_170 = arith.index_cast %parallel_loop3A_144 : i32 to index
          %parallel_loop3A_171 = arith.constant 272 : index
          %parallel_loop3A_172 = tpu.vector_load %arg12[%parallel_loop3A_170, %parallel_loop3A_171] {strides = array<i32>} : memref<168x512xf32, #tpu.memory_space<vmem>>, vector<16xf32>,
          tpu.vector_store %arg12[%parallel_loop3A_170, %parallel_loop3A_171], %parallel_loop3A_161 {add = true, strides = array<i32>} : memref<168x512xf32, #tpu.memory_space<vmem>>, vector<16xf32>,
          %parallel_loop3A_173 = arith.index_cast %parallel_loop3A_115 : i32 to index
          %parallel_loop3A_174 = arith.constant 288 : index
          %parallel_loop3A_175 = tpu.vector_load %arg11[%parallel_loop3A_173, %parallel_loop3A_174] {strides = array<i32>} : memref<64x512xf32, #tpu.memory_space<vmem>>, vector<16xf32>,
          %parallel_loop3A_176 = arith.index_cast %parallel_loop3A_115 : i32 to index
          %parallel_loop3A_177 = arith.constant 32 : index
          %parallel_loop3A_178 = tpu.vector_load %arg11[%parallel_loop3A_176, %parallel_loop3A_177] {strides = array<i32>} : memref<64x512xf32, #tpu.memory_space<vmem>>, vector<16xf32>,
          %parallel_loop3A_179 = arith.mulf %parallel_loop3A_175, %parallel_loop3A_133 : vector<16xf32>
          %parallel_loop3A_180 = arith.addf %parallel_loop3A_178, %parallel_loop3A_179 : vector<16xf32>
          %parallel_loop3A_181 = arith.index_cast %parallel_loop3A_144 : i32 to index
          %parallel_loop3A_182 = arith.constant 32 : index
          %parallel_loop3A_183 = tpu.vector_load %arg12[%parallel_loop3A_181, %parallel_loop3A_182] {strides = array<i32>} : memref<168x512xf32, #tpu.memory_space<vmem>>, vector<16xf32>,
          tpu.vector_store %arg12[%parallel_loop3A_181, %parallel_loop3A_182], %parallel_loop3A_180 {add = true, strides = array<i32>} : memref<168x512xf32, #tpu.memory_space<vmem>>, vector<16xf32>,
          %parallel_loop3A_184 = arith.index_cast %parallel_loop3A_144 : i32 to index
          %parallel_loop3A_185 = arith.constant 288 : index
          %parallel_loop3A_186 = tpu.vector_load %arg12[%parallel_loop3A_184, %parallel_loop3A_185] {strides = array<i32>} : memref<168x512xf32, #tpu.memory_space<vmem>>, vector<16xf32>,
          tpu.vector_store %arg12[%parallel_loop3A_184, %parallel_loop3A_185], %parallel_loop3A_175 {add = true, strides = array<i32>} : memref<168x512xf32, #tpu.memory_space<vmem>>, vector<16xf32>,
          %parallel_loop3A_187 = arith.index_cast %parallel_loop3A_115 : i32 to index
          %parallel_loop3A_188 = arith.constant 304 : index
          %parallel_loop3A_189 = tpu.vector_load %arg11[%parallel_loop3A_187, %parallel_loop3A_188] {strides = array<i32>} : memref<64x512xf32, #tpu.memory_space<vmem>>, vector<16xf32>,
          %parallel_loop3A_190 = arith.index_cast %parallel_loop3A_115 : i32 to index
          %parallel_loop3A_191 = arith.constant 48 : index
          %parallel_loop3A_192 = tpu.vector_load %arg11[%parallel_loop3A_190, %parallel_loop3A_191] {strides = array<i32>} : memref<64x512xf32, #tpu.memory_space<vmem>>, vector<16xf32>,
          %parallel_loop3A_193 = arith.mulf %parallel_loop3A_189, %parallel_loop3A_133 : vector<16xf32>
          %parallel_loop3A_194 = arith.addf %parallel_loop3A_192, %parallel_loop3A_193 : vector<16xf32>
          %parallel_loop3A_195 = arith.index_cast %parallel_loop3A_144 : i32 to index
          %parallel_loop3A_196 = arith.constant 48 : index
          %parallel_loop3A_197 = tpu.vector_load %arg12[%parallel_loop3A_195, %parallel_loop3A_196] {strides = array<i32>} : memref<168x512xf32, #tpu.memory_space<vmem>>, vector<16xf32>,
          tpu.vector_store %arg12[%parallel_loop3A_195, %parallel_loop3A_196], %parallel_loop3A_194 {add = true, strides = array<i32>} : memref<168x512xf32, #tpu.memory_space<vmem>>, vector<16xf32>,
          %parallel_loop3A_198 = arith.index_cast %parallel_loop3A_144 : i32 to index
          %parallel_loop3A_199 = arith.constant 304 : index
          %parallel_loop3A_200 = tpu.vector_load %arg12[%parallel_loop3A_198, %parallel_loop3A_199] {strides = array<i32>} : memref<168x512xf32, #tpu.memory_space<vmem>>, vector<16xf32>,
          tpu.vector_store %arg12[%parallel_loop3A_198, %parallel_loop3A_199], %parallel_loop3A_189 {add = true, strides = array<i32>} : memref<168x512xf32, #tpu.memory_space<vmem>>, vector<16xf32>,
          %parallel_loop3A_201 = arith.index_cast %parallel_loop3A_115 : i32 to index
          %parallel_loop3A_202 = arith.constant 320 : index
          %parallel_loop3A_203 = tpu.vector_load %arg11[%parallel_loop3A_201, %parallel_loop3A_202] {strides = array<i32>} : memref<64x512xf32, #tpu.memory_space<vmem>>, vector<16xf32>,
          %parallel_loop3A_204 = arith.index_cast %parallel_loop3A_115 : i32 to index
          %parallel_loop3A_205 = arith.constant 64 : index
          %parallel_loop3A_206 = tpu.vector_load %arg11[%parallel_loop3A_204, %parallel_loop3A_205] {strides = array<i32>} : memref<64x512xf32, #tpu.memory_space<vmem>>, vector<16xf32>,
          %parallel_loop3A_207 = arith.mulf %parallel_loop3A_203, %parallel_loop3A_133 : vector<16xf32>
          %parallel_loop3A_208 = arith.addf %parallel_loop3A_206, %parallel_loop3A_207 : vector<16xf32>
          %parallel_loop3A_209 = arith.index_cast %parallel_loop3A_144 : i32 to index
          %parallel_loop3A_210 = arith.constant 64 : index
          %parallel_loop3A_211 = tpu.vector_load %arg12[%parallel_loop3A_209, %parallel_loop3A_210] {strides = array<i32>} : memref<168x512xf32, #tpu.memory_space<vmem>>, vector<16xf32>,
          tpu.vector_store %arg12[%parallel_loop3A_209, %parallel_loop3A_210], %parallel_loop3A_208 {add = true, strides = array<i32>} : memref<168x512xf32, #tpu.memory_space<vmem>>, vector<16xf32>,
          %parallel_loop3A_212 = arith.index_cast %parallel_loop3A_144 : i32 to index
          %parallel_loop3A_213 = arith.constant 320 : index
          %parallel_loop3A_214 = tpu.vector_load %arg12[%parallel_loop3A_212, %parallel_loop3A_213] {strides = array<i32>} : memref<168x512xf32, #tpu.memory_space<vmem>>, vector<16xf32>,
          tpu.vector_store %arg12[%parallel_loop3A_212, %parallel_loop3A_213], %parallel_loop3A_203 {add = true, strides = array<i32>} : memref<168x512xf32, #tpu.memory_space<vmem>>, vector<16xf32>,
          %parallel_loop3A_215 = arith.index_cast %parallel_loop3A_115 : i32 to index
          %parallel_loop3A_216 = arith.constant 336 : index
          %parallel_loop3A_217 = tpu.vector_load %arg11[%parallel_loop3A_215, %parallel_loop3A_216] {strides = array<i32>} : memref<64x512xf32, #tpu.memory_space<vmem>>, vector<16xf32>,
          %parallel_loop3A_218 = arith.index_cast %parallel_loop3A_115 : i32 to index
          %parallel_loop3A_219 = arith.constant 80 : index
          %parallel_loop3A_220 = tpu.vector_load %arg11[%parallel_loop3A_218, %parallel_loop3A_219] {strides = array<i32>} : memref<64x512xf32, #tpu.memory_space<vmem>>, vector<16xf32>,
          %parallel_loop3A_221 = arith.mulf %parallel_loop3A_217, %parallel_loop3A_133 : vector<16xf32>
          %parallel_loop3A_222 = arith.addf %parallel_loop3A_220, %parallel_loop3A_221 : vector<16xf32>
          %parallel_loop3A_223 = arith.index_cast %parallel_loop3A_144 : i32 to index
          %parallel_loop3A_224 = arith.constant 80 : index
          %parallel_loop3A_225 = tpu.vector_load %arg12[%parallel_loop3A_223, %parallel_loop3A_224] {strides = array<i32>} : memref<168x512xf32, #tpu.memory_space<vmem>>, vector<16xf32>,
          tpu.vector_store %arg12[%parallel_loop3A_223, %parallel_loop3A_224], %parallel_loop3A_222 {add = true, strides = array<i32>} : memref<168x512xf32, #tpu.memory_space<vmem>>, vector<16xf32>,
          %parallel_loop3A_226 = arith.index_cast %parallel_loop3A_144 : i32 to index
          %parallel_loop3A_227 = arith.constant 336 : index
          %parallel_loop3A_228 = tpu.vector_load %arg12[%parallel_loop3A_226, %parallel_loop3A_227] {strides = array<i32>} : memref<168x512xf32, #tpu.memory_space<vmem>>, vector<16xf32>,
          tpu.vector_store %arg12[%parallel_loop3A_226, %parallel_loop3A_227], %parallel_loop3A_217 {add = true, strides = array<i32>} : memref<168x512xf32, #tpu.memory_space<vmem>>, vector<16xf32>,
          %parallel_loop3A_229 = arith.index_cast %parallel_loop3A_115 : i32 to index
          %parallel_loop3A_230 = arith.constant 352 : index
          %parallel_loop3A_231 = tpu.vector_load %arg11[%parallel_loop3A_229, %parallel_loop3A_230] {strides = array<i32>} : memref<64x512xf32, #tpu.memory_space<vmem>>, vector<16xf32>,
          %parallel_loop3A_232 = arith.index_cast %parallel_loop3A_115 : i32 to index
          %parallel_loop3A_233 = arith.constant 96 : index
          %parallel_loop3A_234 = tpu.vector_load %arg11[%parallel_loop3A_232, %parallel_loop3A_233] {strides = array<i32>} : memref<64x512xf32, #tpu.memory_space<vmem>>, vector<16xf32>,
          %parallel_loop3A_235 = arith.mulf %parallel_loop3A_231, %parallel_loop3A_133 : vector<16xf32>
          %parallel_loop3A_236 = arith.addf %parallel_loop3A_234, %parallel_loop3A_235 : vector<16xf32>
          %parallel_loop3A_237 = arith.index_cast %parallel_loop3A_144 : i32 to index
          %parallel_loop3A_238 = arith.constant 96 : index
          %parallel_loop3A_239 = tpu.vector_load %arg12[%parallel_loop3A_237, %parallel_loop3A_238] {strides = array<i32>} : memref<168x512xf32, #tpu.memory_space<vmem>>, vector<16xf32>,
          tpu.vector_store %arg12[%parallel_loop3A_237, %parallel_loop3A_238], %parallel_loop3A_236 {add = true, strides = array<i32>} : memref<168x512xf32, #tpu.memory_space<vmem>>, vector<16xf32>,
          %parallel_loop3A_240 = arith.index_cast %parallel_loop3A_144 : i32 to index
          %parallel_loop3A_241 = arith.constant 352 : index
          %parallel_loop3A_242 = tpu.vector_load %arg12[%parallel_loop3A_240, %parallel_loop3A_241] {strides = array<i32>} : memref<168x512xf32, #tpu.memory_space<vmem>>, vector<16xf32>,
          tpu.vector_store %arg12[%parallel_loop3A_240, %parallel_loop3A_241], %parallel_loop3A_231 {add = true, strides = array<i32>} : memref<168x512xf32, #tpu.memory_space<vmem>>, vector<16xf32>,
          %parallel_loop3A_243 = arith.index_cast %parallel_loop3A_115 : i32 to index
          %parallel_loop3A_244 = arith.constant 368 : index
          %parallel_loop3A_245 = tpu.vector_load %arg11[%parallel_loop3A_243, %parallel_loop3A_244] {strides = array<i32>} : memref<64x512xf32, #tpu.memory_space<vmem>>, vector<16xf32>,
          %parallel_loop3A_246 = arith.index_cast %parallel_loop3A_115 : i32 to index
          %parallel_loop3A_247 = arith.constant 112 : index
          %parallel_loop3A_248 = tpu.vector_load %arg11[%parallel_loop3A_246, %parallel_loop3A_247] {strides = array<i32>} : memref<64x512xf32, #tpu.memory_space<vmem>>, vector<16xf32>,
          %parallel_loop3A_249 = arith.mulf %parallel_loop3A_245, %parallel_loop3A_133 : vector<16xf32>
          %parallel_loop3A_250 = arith.addf %parallel_loop3A_248, %parallel_loop3A_249 : vector<16xf32>
          %parallel_loop3A_251 = arith.index_cast %parallel_loop3A_144 : i32 to index
          %parallel_loop3A_252 = arith.constant 112 : index
          %parallel_loop3A_253 = tpu.vector_load %arg12[%parallel_loop3A_251, %parallel_loop3A_252] {strides = array<i32>} : memref<168x512xf32, #tpu.memory_space<vmem>>, vector<16xf32>,
          tpu.vector_store %arg12[%parallel_loop3A_251, %parallel_loop3A_252], %parallel_loop3A_250 {add = true, strides = array<i32>} : memref<168x512xf32, #tpu.memory_space<vmem>>, vector<16xf32>,
          %parallel_loop3A_254 = arith.index_cast %parallel_loop3A_144 : i32 to index
          %parallel_loop3A_255 = arith.constant 368 : index
          %parallel_loop3A_256 = tpu.vector_load %arg12[%parallel_loop3A_254, %parallel_loop3A_255] {strides = array<i32>} : memref<168x512xf32, #tpu.memory_space<vmem>>, vector<16xf32>,
          tpu.vector_store %arg12[%parallel_loop3A_254, %parallel_loop3A_255], %parallel_loop3A_245 {add = true, strides = array<i32>} : memref<168x512xf32, #tpu.memory_space<vmem>>, vector<16xf32>,
          %parallel_loop3A_257 = arith.index_cast %parallel_loop3A_115 : i32 to index
          %parallel_loop3A_258 = arith.constant 384 : index
          %parallel_loop3A_259 = tpu.vector_load %arg11[%parallel_loop3A_257, %parallel_loop3A_258] {strides = array<i32>} : memref<64x512xf32, #tpu.memory_space<vmem>>, vector<16xf32>,
          %parallel_loop3A_260 = arith.index_cast %parallel_loop3A_115 : i32 to index
          %parallel_loop3A_261 = arith.constant 128 : index
          %parallel_loop3A_262 = tpu.vector_load %arg11[%parallel_loop3A_260, %parallel_loop3A_261] {strides = array<i32>} : memref<64x512xf32, #tpu.memory_space<vmem>>, vector<16xf32>,
          %parallel_loop3A_263 = arith.mulf %parallel_loop3A_259, %parallel_loop3A_133 : vector<16xf32>
          %parallel_loop3A_264 = arith.addf %parallel_loop3A_262, %parallel_loop3A_263 : vector<16xf32>
          %parallel_loop3A_265 = arith.index_cast %parallel_loop3A_144 : i32 to index
          %parallel_loop3A_266 = arith.constant 128 : index
          %parallel_loop3A_267 = tpu.vector_load %arg12[%parallel_loop3A_265, %parallel_loop3A_266] {strides = array<i32>} : memref<168x512xf32, #tpu.memory_space<vmem>>, vector<16xf32>,
          tpu.vector_store %arg12[%parallel_loop3A_265, %parallel_loop3A_266], %parallel_loop3A_264 {add = true, strides = array<i32>} : memref<168x512xf32, #tpu.memory_space<vmem>>, vector<16xf32>,
          %parallel_loop3A_268 = arith.index_cast %parallel_loop3A_144 : i32 to index
          %parallel_loop3A_269 = arith.constant 384 : index
          %parallel_loop3A_270 = tpu.vector_load %arg12[%parallel_loop3A_268, %parallel_loop3A_269] {strides = array<i32>} : memref<168x512xf32, #tpu.memory_space<vmem>>, vector<16xf32>,
          tpu.vector_store %arg12[%parallel_loop3A_268, %parallel_loop3A_269], %parallel_loop3A_259 {add = true, strides = array<i32>} : memref<168x512xf32, #tpu.memory_space<vmem>>, vector<16xf32>,
          %parallel_loop3A_271 = arith.index_cast %parallel_loop3A_115 : i32 to index
          %parallel_loop3A_272 = arith.constant 400 : index
          %parallel_loop3A_273 = tpu.vector_load %arg11[%parallel_loop3A_271, %parallel_loop3A_272] {strides = array<i32>} : memref<64x512xf32, #tpu.memory_space<vmem>>, vector<16xf32>,
          %parallel_loop3A_274 = arith.index_cast %parallel_loop3A_115 : i32 to index
          %parallel_loop3A_275 = arith.constant 144 : index
          %parallel_loop3A_276 = tpu.vector_load %arg11[%parallel_loop3A_274, %parallel_loop3A_275] {strides = array<i32>} : memref<64x512xf32, #tpu.memory_space<vmem>>, vector<16xf32>,
          %parallel_loop3A_277 = arith.mulf %parallel_loop3A_273, %parallel_loop3A_133 : vector<16xf32>
          %parallel_loop3A_278 = arith.addf %parallel_loop3A_276, %parallel_loop3A_277 : vector<16xf32>
          %parallel_loop3A_279 = arith.index_cast %parallel_loop3A_144 : i32 to index
          %parallel_loop3A_280 = arith.constant 144 : index
          %parallel_loop3A_281 = tpu.vector_load %arg12[%parallel_loop3A_279, %parallel_loop3A_280] {strides = array<i32>} : memref<168x512xf32, #tpu.memory_space<vmem>>, vector<16xf32>,
          tpu.vector_store %arg12[%parallel_loop3A_279, %parallel_loop3A_280], %parallel_loop3A_278 {add = true, strides = array<i32>} : memref<168x512xf32, #tpu.memory_space<vmem>>, vector<16xf32>,
          %parallel_loop3A_282 = arith.index_cast %parallel_loop3A_144 : i32 to index
          %parallel_loop3A_283 = arith.constant 400 : index
          %parallel_loop3A_284 = tpu.vector_load %arg12[%parallel_loop3A_282, %parallel_loop3A_283] {strides = array<i32>} : memref<168x512xf32, #tpu.memory_space<vmem>>, vector<16xf32>,
          tpu.vector_store %arg12[%parallel_loop3A_282, %parallel_loop3A_283], %parallel_loop3A_273 {add = true, strides = array<i32>} : memref<168x512xf32, #tpu.memory_space<vmem>>, vector<16xf32>,
          %parallel_loop3A_285 = arith.index_cast %parallel_loop3A_115 : i32 to index
          %parallel_loop3A_286 = arith.constant 416 : index
          %parallel_loop3A_287 = tpu.vector_load %arg11[%parallel_loop3A_285, %parallel_loop3A_286] {strides = array<i32>} : memref<64x512xf32, #tpu.memory_space<vmem>>, vector<16xf32>,
          %parallel_loop3A_288 = arith.index_cast %parallel_loop3A_115 : i32 to index
          %parallel_loop3A_289 = arith.constant 160 : index
          %parallel_loop3A_290 = tpu.vector_load %arg11[%parallel_loop3A_288, %parallel_loop3A_289] {strides = array<i32>} : memref<64x512xf32, #tpu.memory_space<vmem>>, vector<16xf32>,
          %parallel_loop3A_291 = arith.mulf %parallel_loop3A_287, %parallel_loop3A_133 : vector<16xf32>
          %parallel_loop3A_292 = arith.addf %parallel_loop3A_290, %parallel_loop3A_291 : vector<16xf32>
          %parallel_loop3A_293 = arith.index_cast %parallel_loop3A_144 : i32 to index
          %parallel_loop3A_294 = arith.constant 160 : index
          %parallel_loop3A_295 = tpu.vector_load %arg12[%parallel_loop3A_293, %parallel_loop3A_294] {strides = array<i32>} : memref<168x512xf32, #tpu.memory_space<vmem>>, vector<16xf32>,
          tpu.vector_store %arg12[%parallel_loop3A_293, %parallel_loop3A_294], %parallel_loop3A_292 {add = true, strides = array<i32>} : memref<168x512xf32, #tpu.memory_space<vmem>>, vector<16xf32>,
          %parallel_loop3A_296 = arith.index_cast %parallel_loop3A_144 : i32 to index
          %parallel_loop3A_297 = arith.constant 416 : index
          %parallel_loop3A_298 = tpu.vector_load %arg12[%parallel_loop3A_296, %parallel_loop3A_297] {strides = array<i32>} : memref<168x512xf32, #tpu.memory_space<vmem>>, vector<16xf32>,
          tpu.vector_store %arg12[%parallel_loop3A_296, %parallel_loop3A_297], %parallel_loop3A_287 {add = true, strides = array<i32>} : memref<168x512xf32, #tpu.memory_space<vmem>>, vector<16xf32>,
          %parallel_loop3A_299 = arith.index_cast %parallel_loop3A_115 : i32 to index
          %parallel_loop3A_300 = arith.constant 432 : index
          %parallel_loop3A_301 = tpu.vector_load %arg11[%parallel_loop3A_299, %parallel_loop3A_300] {strides = array<i32>} : memref<64x512xf32, #tpu.memory_space<vmem>>, vector<16xf32>,
          %parallel_loop3A_302 = arith.index_cast %parallel_loop3A_115 : i32 to index
          %parallel_loop3A_303 = arith.constant 176 : index
          %parallel_loop3A_304 = tpu.vector_load %arg11[%parallel_loop3A_302, %parallel_loop3A_303] {strides = array<i32>} : memref<64x512xf32, #tpu.memory_space<vmem>>, vector<16xf32>,
          %parallel_loop3A_305 = arith.mulf %parallel_loop3A_301, %parallel_loop3A_133 : vector<16xf32>
          %parallel_loop3A_306 = arith.addf %parallel_loop3A_304, %parallel_loop3A_305 : vector<16xf32>
          %parallel_loop3A_307 = arith.index_cast %parallel_loop3A_144 : i32 to index
          %parallel_loop3A_308 = arith.constant 176 : index
          %parallel_loop3A_309 = tpu.vector_load %arg12[%parallel_loop3A_307, %parallel_loop3A_308] {strides = array<i32>} : memref<168x512xf32, #tpu.memory_space<vmem>>, vector<16xf32>,
          tpu.vector_store %arg12[%parallel_loop3A_307, %parallel_loop3A_308], %parallel_loop3A_306 {add = true, strides = array<i32>} : memref<168x512xf32, #tpu.memory_space<vmem>>, vector<16xf32>,
          %parallel_loop3A_310 = arith.index_cast %parallel_loop3A_144 : i32 to index
          %parallel_loop3A_311 = arith.constant 432 : index
          %parallel_loop3A_312 = tpu.vector_load %arg12[%parallel_loop3A_310, %parallel_loop3A_311] {strides = array<i32>} : memref<168x512xf32, #tpu.memory_space<vmem>>, vector<16xf32>,
          tpu.vector_store %arg12[%parallel_loop3A_310, %parallel_loop3A_311], %parallel_loop3A_301 {add = true, strides = array<i32>} : memref<168x512xf32, #tpu.memory_space<vmem>>, vector<16xf32>,
          %parallel_loop3A_313 = arith.index_cast %parallel_loop3A_115 : i32 to index
          %parallel_loop3A_314 = arith.constant 448 : index
          %parallel_loop3A_315 = tpu.vector_load %arg11[%parallel_loop3A_313, %parallel_loop3A_314] {strides = array<i32>} : memref<64x512xf32, #tpu.memory_space<vmem>>, vector<16xf32>,
          %parallel_loop3A_316 = arith.index_cast %parallel_loop3A_115 : i32 to index
          %parallel_loop3A_317 = arith.constant 192 : index
          %parallel_loop3A_318 = tpu.vector_load %arg11[%parallel_loop3A_316, %parallel_loop3A_317] {strides = array<i32>} : memref<64x512xf32, #tpu.memory_space<vmem>>, vector<16xf32>,
          %parallel_loop3A_319 = arith.mulf %parallel_loop3A_315, %parallel_loop3A_133 : vector<16xf32>
          %parallel_loop3A_320 = arith.addf %parallel_loop3A_318, %parallel_loop3A_319 : vector<16xf32>
          %parallel_loop3A_321 = arith.index_cast %parallel_loop3A_144 : i32 to index
          %parallel_loop3A_322 = arith.constant 192 : index
          %parallel_loop3A_323 = tpu.vector_load %arg12[%parallel_loop3A_321, %parallel_loop3A_322] {strides = array<i32>} : memref<168x512xf32, #tpu.memory_space<vmem>>, vector<16xf32>,
          tpu.vector_store %arg12[%parallel_loop3A_321, %parallel_loop3A_322], %parallel_loop3A_320 {add = true, strides = array<i32>} : memref<168x512xf32, #tpu.memory_space<vmem>>, vector<16xf32>,
          %parallel_loop3A_324 = arith.index_cast %parallel_loop3A_144 : i32 to index
          %parallel_loop3A_325 = arith.constant 448 : index
          %parallel_loop3A_326 = tpu.vector_load %arg12[%parallel_loop3A_324, %parallel_loop3A_325] {strides = array<i32>} : memref<168x512xf32, #tpu.memory_space<vmem>>, vector<16xf32>,
          tpu.vector_store %arg12[%parallel_loop3A_324, %parallel_loop3A_325], %parallel_loop3A_315 {add = true, strides = array<i32>} : memref<168x512xf32, #tpu.memory_space<vmem>>, vector<16xf32>,
          %parallel_loop3A_327 = arith.index_cast %parallel_loop3A_115 : i32 to index
          %parallel_loop3A_328 = arith.constant 464 : index
          %parallel_loop3A_329 = tpu.vector_load %arg11[%parallel_loop3A_327, %parallel_loop3A_328] {strides = array<i32>} : memref<64x512xf32, #tpu.memory_space<vmem>>, vector<16xf32>,
          %parallel_loop3A_330 = arith.index_cast %parallel_loop3A_115 : i32 to index
          %parallel_loop3A_331 = arith.constant 208 : index
          %parallel_loop3A_332 = tpu.vector_load %arg11[%parallel_loop3A_330, %parallel_loop3A_331] {strides = array<i32>} : memref<64x512xf32, #tpu.memory_space<vmem>>, vector<16xf32>,
          %parallel_loop3A_333 = arith.mulf %parallel_loop3A_329, %parallel_loop3A_133 : vector<16xf32>
          %parallel_loop3A_334 = arith.addf %parallel_loop3A_332, %parallel_loop3A_333 : vector<16xf32>
          %parallel_loop3A_335 = arith.index_cast %parallel_loop3A_144 : i32 to index
          %parallel_loop3A_336 = arith.constant 208 : index
          %parallel_loop3A_337 = tpu.vector_load %arg12[%parallel_loop3A_335, %parallel_loop3A_336] {strides = array<i32>} : memref<168x512xf32, #tpu.memory_space<vmem>>, vector<16xf32>,
          tpu.vector_store %arg12[%parallel_loop3A_335, %parallel_loop3A_336], %parallel_loop3A_334 {add = true, strides = array<i32>} : memref<168x512xf32, #tpu.memory_space<vmem>>, vector<16xf32>,
          %parallel_loop3A_338 = arith.index_cast %parallel_loop3A_144 : i32 to index
          %parallel_loop3A_339 = arith.constant 464 : index
          %parallel_loop3A_340 = tpu.vector_load %arg12[%parallel_loop3A_338, %parallel_loop3A_339] {strides = array<i32>} : memref<168x512xf32, #tpu.memory_space<vmem>>, vector<16xf32>,
          tpu.vector_store %arg12[%parallel_loop3A_338, %parallel_loop3A_339], %parallel_loop3A_329 {add = true, strides = array<i32>} : memref<168x512xf32, #tpu.memory_space<vmem>>, vector<16xf32>,
          %parallel_loop3A_341 = arith.index_cast %parallel_loop3A_115 : i32 to index
          %parallel_loop3A_342 = arith.constant 480 : index
          %parallel_loop3A_343 = tpu.vector_load %arg11[%parallel_loop3A_341, %parallel_loop3A_342] {strides = array<i32>} : memref<64x512xf32, #tpu.memory_space<vmem>>, vector<16xf32>,
          %parallel_loop3A_344 = arith.index_cast %parallel_loop3A_115 : i32 to index
          %parallel_loop3A_345 = arith.constant 224 : index
          %parallel_loop3A_346 = tpu.vector_load %arg11[%parallel_loop3A_344, %parallel_loop3A_345] {strides = array<i32>} : memref<64x512xf32, #tpu.memory_space<vmem>>, vector<16xf32>,
          %parallel_loop3A_347 = arith.mulf %parallel_loop3A_343, %parallel_loop3A_133 : vector<16xf32>
          %parallel_loop3A_348 = arith.addf %parallel_loop3A_346, %parallel_loop3A_347 : vector<16xf32>
          %parallel_loop3A_349 = arith.index_cast %parallel_loop3A_144 : i32 to index
          %parallel_loop3A_350 = arith.constant 224 : index
          %parallel_loop3A_351 = tpu.vector_load %arg12[%parallel_loop3A_349, %parallel_loop3A_350] {strides = array<i32>} : memref<168x512xf32, #tpu.memory_space<vmem>>, vector<16xf32>,
          tpu.vector_store %arg12[%parallel_loop3A_349, %parallel_loop3A_350], %parallel_loop3A_348 {add = true, strides = array<i32>} : memref<168x512xf32, #tpu.memory_space<vmem>>, vector<16xf32>,
          %parallel_loop3A_352 = arith.index_cast %parallel_loop3A_144 : i32 to index
          %parallel_loop3A_353 = arith.constant 480 : index
          %parallel_loop3A_354 = tpu.vector_load %arg12[%parallel_loop3A_352, %parallel_loop3A_353] {strides = array<i32>} : memref<168x512xf32, #tpu.memory_space<vmem>>, vector<16xf32>,
          tpu.vector_store %arg12[%parallel_loop3A_352, %parallel_loop3A_353], %parallel_loop3A_343 {add = true, strides = array<i32>} : memref<168x512xf32, #tpu.memory_space<vmem>>, vector<16xf32>,
          %parallel_loop3A_355 = arith.index_cast %parallel_loop3A_115 : i32 to index
          %parallel_loop3A_356 = arith.constant 496 : index
          %parallel_loop3A_357 = tpu.vector_load %arg11[%parallel_loop3A_355, %parallel_loop3A_356] {strides = array<i32>} : memref<64x512xf32, #tpu.memory_space<vmem>>, vector<16xf32>,
          %parallel_loop3A_358 = arith.index_cast %parallel_loop3A_115 : i32 to index
          %parallel_loop3A_359 = arith.constant 240 : index
          %parallel_loop3A_360 = tpu.vector_load %arg11[%parallel_loop3A_358, %parallel_loop3A_359] {strides = array<i32>} : memref<64x512xf32, #tpu.memory_space<vmem>>, vector<16xf32>,
          %parallel_loop3A_361 = arith.mulf %parallel_loop3A_357, %parallel_loop3A_133 : vector<16xf32>
          %parallel_loop3A_362 = arith.addf %parallel_loop3A_360, %parallel_loop3A_361 : vector<16xf32>
          %parallel_loop3A_363 = arith.index_cast %parallel_loop3A_144 : i32 to index
          %parallel_loop3A_364 = arith.constant 240 : index
          %parallel_loop3A_365 = tpu.vector_load %arg12[%parallel_loop3A_363, %parallel_loop3A_364] {strides = array<i32>} : memref<168x512xf32, #tpu.memory_space<vmem>>, vector<16xf32>,
          tpu.vector_store %arg12[%parallel_loop3A_363, %parallel_loop3A_364], %parallel_loop3A_362 {add = true, strides = array<i32>} : memref<168x512xf32, #tpu.memory_space<vmem>>, vector<16xf32>,
          %parallel_loop3A_366 = arith.index_cast %parallel_loop3A_144 : i32 to index
          %parallel_loop3A_367 = arith.constant 496 : index
          %parallel_loop3A_368 = tpu.vector_load %arg12[%parallel_loop3A_366, %parallel_loop3A_367] {strides = array<i32>} : memref<168x512xf32, #tpu.memory_space<vmem>>, vector<16xf32>,
          tpu.vector_store %arg12[%parallel_loop3A_366, %parallel_loop3A_367], %parallel_loop3A_357 {add = true, strides = array<i32>} : memref<168x512xf32, #tpu.memory_space<vmem>>, vector<16xf32>,
        } {sc.loop_unroll_factor = 8 : i64, sc.parallel_access}
        %get3A = arith.constant 64 : index
        %get3A_104 = tpu.vector_load %arg8[%get3A] {strides = array<i32>} : memref<80xi32, #tpu.memory_space<vmem>>, vector<16xi32>,
        %swap3A = arith.constant 0 : index
        %swap3A_105 = tpu.vector_load %arg8[%swap3A] {strides = array<i32>} : memref<80xi32, #tpu.memory_space<vmem>>, vector<16xi32>,
        tpu.vector_store %arg8[%swap3A], %get3A_104 {strides = array<i32>} : memref<80xi32, #tpu.memory_space<vmem>>, vector<16xi32>,
        %get3A_106 = arith.constant 64 : index
        %get3A_107 = tpu.vector_load %arg9[%get3A_106] {strides = array<i32>} : memref<80xi32, #tpu.memory_space<vmem>>, vector<16xi32>,
        %swap3A_108 = arith.constant 0 : index
        %swap3A_109 = tpu.vector_load %arg9[%swap3A_108] {strides = array<i32>} : memref<80xi32, #tpu.memory_space<vmem>>, vector<16xi32>,
        tpu.vector_store %arg9[%swap3A_108], %get3A_107 {strides = array<i32>} : memref<80xi32, #tpu.memory_space<vmem>>, vector<16xi32>,
        %get3A_110 = arith.constant 64 : index
        %get3A_111 = tpu.vector_load %arg10[%get3A_110] {strides = array<i32>} : memref<80xf32, #tpu.memory_space<vmem>>, vector<16xf32>,
        %swap3A_112 = arith.constant 0 : index
        %swap3A_113 = tpu.vector_load %arg10[%swap3A_112] {strides = array<i32>} : memref<80xf32, #tpu.memory_space<vmem>>, vector<16xf32>,
        tpu.vector_store %arg10[%swap3A_112], %get3A_111 {strides = array<i32>} : memref<80xf32, #tpu.memory_space<vmem>>, vector<16xf32>,
        %sub3A = arith.constant 64 : i32
        %sub3A_114 = arith.subi %scan3A_25, %sub3A : i32
        scf.yield %sub3A_114 : i32
      } else {
        scf.yield %scan3A_25 : i32
      }
      "tpu.region"() ({
        %run_scoped3A = tpu.sem_alloc : memref<!tpu.dma_semaphore, #tpu.memory_space<semaphore_mem>>
        %dma_start3A = arith.constant 0 : i32
        %dma_start3A_102 = arith.constant 0 : i32
        %dma_start3A_103 = tpu.memref_slice %arg12[%dma_start3A, %dma_start3A_102] : memref<168x512xf32, #tpu.memory_space<vmem>> -> memref<160x512xf32, #tpu.memory_space<vmem>>
        %dma_start3A_104 = arith.constant 0 : i32
        %dma_start3A_105 = tpu.memref_slice %arg5[%mul3A_14, %dma_start3A_104] : memref<10240x512xf32, #tpu.memory_space<hbm>> -> memref<160x512xf32, #tpu.memory_space<hbm>>
        %dma_start3A_106 = arith.constant 0 : i32
        %dma_start3A_107 = tpu.memref_slice %arg5[%mul3A_14, %dma_start3A_106] : memref<10240x512xf32, #tpu.memory_space<hbm>> -> memref<160x512xf32, #tpu.memory_space<hbm>>
        %dma_start3A_108 = arith.constant 0 : i32
        %dma_start3A_109 = arith.constant 0 : i32
        %dma_start3A_110 = tpu.memref_slice %arg12[%dma_start3A_108, %dma_start3A_109] : memref<168x512xf32, #tpu.memory_space<vmem>> -> memref<160x512xf32, #tpu.memory_space<vmem>>
        tpu.enqueue_dma source(%dma_start3A_110 : memref<160x512xf32, #tpu.memory_space<vmem>>) target(%dma_start3A_107 : memref<160x512xf32, #tpu.memory_space<hbm>>) target_semaphore(%run_scoped3A : memref<!tpu.dma_semaphore, #tpu.memory_space<semaphore_mem>>)
        %dma_wait3A = arith.constant 0 : i32
        %dma_wait3A_111 = arith.constant 0 : i32
        %dma_wait3A_112 = tpu.memref_slice %arg12[%dma_wait3A, %dma_wait3A_111] : memref<168x512xf32, #tpu.memory_space<vmem>> -> memref<160x512xf32, #tpu.memory_space<vmem>>
        %dma_wait3A_113 = arith.constant 0 : i32
        %dma_wait3A_114 = tpu.memref_slice %arg5[%mul3A_14, %dma_wait3A_113] : memref<10240x512xf32, #tpu.memory_space<hbm>> -> memref<160x512xf32, #tpu.memory_space<hbm>>
        %dma_wait3A_115 = arith.constant 0 : i32
        %dma_wait3A_116 = tpu.memref_slice %arg5[%mul3A_14, %dma_wait3A_115] : memref<10240x512xf32, #tpu.memory_space<hbm>> -> memref<160x512xf32, #tpu.memory_space<hbm>>
        %dma_wait3A_117 = arith.constant 0 : i32
        %dma_wait3A_118 = arith.constant 0 : i32
        %dma_wait3A_119 = tpu.memref_slice %arg12[%dma_wait3A_117, %dma_wait3A_118] : memref<168x512xf32, #tpu.memory_space<vmem>> -> memref<160x512xf32, #tpu.memory_space<vmem>>
        tpu.wait_dma2 semaphore(%run_scoped3A : memref<!tpu.dma_semaphore, #tpu.memory_space<semaphore_mem>>) src(%dma_wait3A_119 : memref<160x512xf32, #tpu.memory_space<vmem>>) dst(%dma_wait3A_116 : memref<160x512xf32, #tpu.memory_space<hbm>>)
        tpu.yield
      }) : () -> ()
    }
    %scan3A_4 = arith.constant 2 : i32
    return
  }
}

module attributes {stable_mosaic.version = 14 : i64} {
  func.func @_zmax_body(%arg0: i32, %arg1: memref<64x256xf32, #tpu.memory_space<vmem>>, %arg2: memref<64x1xf32, #tpu.memory_space<vmem>>) attributes {dimension_semantics = [#tpu.dimension_semantics<arbitrary>], iteration_bounds = array<i64: 160>, scalar_prefetch = 0 : i64, scratch_operands = 0 : i64, tpu.core_type = #tpu.core_type<tc>, window_params = [{transform_indices = @transform_0, window_bounds = array<i64: 64, 256>}, {transform_indices = @transform_1, window_bounds = array<i64: 64, 1>}]} {
    %get3A = arith.constant 0 : index
    %get3A_0 = arith.constant 0 : index
    %get3A_1 = vector.load %arg1[%get3A, %get3A_0] : memref<64x256xf32, #tpu.memory_space<vmem>>, vector<64x256xf32>
    %reduce_max3A = arith.constant dense<0xFF800000> : vector<64xf32>
    %reduce_max3A_2 = vector.multi_reduction <maximumf>, %get3A_1, %reduce_max3A [1] : vector<64x256xf32> to vector<64xf32>
    %broadcast_in_dim3A = vector.shape_cast %reduce_max3A_2 : vector<64xf32> to vector<64x1xf32>
    %swap3A = arith.constant 0 : index
    %swap3A_3 = arith.constant 0 : index
    %swap3A_4 = vector.load %arg2[%swap3A, %swap3A_3] : memref<64x1xf32, #tpu.memory_space<vmem>>, vector<64x1xf32>
    tpu.vector_store %arg2[%swap3A, %swap3A_3], %broadcast_in_dim3A {strides = array<i32>} : memref<64x1xf32, #tpu.memory_space<vmem>>, vector<64x1xf32>,
    return
  }
  func.func @transform_0(%arg0: i32) -> (i32, i32) {
    %c0_i32 = arith.constant 0 : i32
    %c0_i32_0 = arith.constant 0 : i32
    return %arg0, %c0_i32 : i32, i32
  }
  func.func @transform_1(%arg0: i32) -> (i32, i32) {
    %c0_i32 = arith.constant 0 : i32
    %c0_i32_0 = arith.constant 0 : i32
    return %arg0, %c0_i32 : i32, i32
  }
}

module attributes {stable_mosaic.version = 14 : i64} {
  func.func @_combine_body(%arg0: i32, %arg1: memref<64x256xf32, #tpu.memory_space<vmem>>, %arg2: memref<64x512xf32, #tpu.memory_space<vmem>>, %arg3: memref<64x256xf32, #tpu.memory_space<vmem>>) attributes {dimension_semantics = [#tpu.dimension_semantics<arbitrary>], iteration_bounds = array<i64: 160>, scalar_prefetch = 0 : i64, scratch_operands = 0 : i64, tpu.core_type = #tpu.core_type<tc>, window_params = [{transform_indices = @transform_0, window_bounds = array<i64: 64, 256>}, {transform_indices = @transform_1, window_bounds = array<i64: 64, 512>}, {transform_indices = @transform_2, window_bounds = array<i64: 64, 256>}]} {
    %get3A = arith.constant 0 : index
    %get3A_0 = arith.constant 0 : index
    %get3A_1 = vector.load %arg2[%get3A, %get3A_0] : memref<64x512xf32, #tpu.memory_space<vmem>>, vector<64x256xf32>
    %get3A_2 = arith.constant 0 : index
    %get3A_3 = arith.constant 256 : index
    %get3A_4 = vector.load %arg2[%get3A_2, %get3A_3] : memref<64x512xf32, #tpu.memory_space<vmem>>, vector<64x256xf32>
    %get3A_5 = arith.constant 0 : index
    %get3A_6 = arith.constant 0 : index
    %get3A_7 = vector.load %arg1[%get3A_5, %get3A_6] : memref<64x256xf32, #tpu.memory_space<vmem>>, vector<64x256xf32>
    %mul3A = arith.constant 2.000000e-01 : f32
    %mul3A_8 = vector.broadcast %mul3A : f32 to vector<64x256xf32>
    %mul3A_9 = arith.mulf %mul3A_8, %get3A_7 : vector<64x256xf32>
    %mul3A_10 = arith.constant 8.000000e-01 : f32
    %mul3A_11 = vector.broadcast %mul3A_10 : f32 to vector<64x256xf32>
    %mul3A_12 = arith.mulf %mul3A_11, %get3A_1 : vector<64x256xf32>
    %add3A = arith.constant 9.99999997E-7 : f32
    %add3A_13 = vector.broadcast %add3A : f32 to vector<64x256xf32>
    %add3A_14 = arith.addf %get3A_4, %add3A_13 : vector<64x256xf32>
    %div3A = arith.divf %mul3A_12, %add3A_14 : vector<64x256xf32>
    %add3A_15 = arith.addf %mul3A_9, %div3A : vector<64x256xf32>
    %swap3A = arith.constant 0 : index
    %swap3A_16 = arith.constant 0 : index
    %swap3A_17 = vector.load %arg3[%swap3A, %swap3A_16] : memref<64x256xf32, #tpu.memory_space<vmem>>, vector<64x256xf32>
    tpu.vector_store %arg3[%swap3A, %swap3A_16], %add3A_15 {strides = array<i32>} : memref<64x256xf32, #tpu.memory_space<vmem>>, vector<64x256xf32>,
    return
  }
  func.func @transform_0(%arg0: i32) -> (i32, i32) {
    %c0_i32 = arith.constant 0 : i32
    %c0_i32_0 = arith.constant 0 : i32
    return %arg0, %c0_i32 : i32, i32
  }
  func.func @transform_1(%arg0: i32) -> (i32, i32) {
    %c0_i32 = arith.constant 0 : i32
    %c0_i32_0 = arith.constant 0 : i32
    return %arg0, %c0_i32 : i32, i32
  }
  func.func @transform_2(%arg0: i32) -> (i32, i32) {
    %c0_i32 = arith.constant 0 : i32
    %c0_i32_0 = arith.constant 0 : i32
    return %arg0, %c0_i32 : i32, i32
  }
}

</mosaic_0001>

<sc_bundles>
// kernel: kernel.6.cloned.1.call-start
scs
__scs_entry_jumppad:
0x0: {  	(pc) =	sbr.rel $0x88, $3  }
0x1: {  	(tag) =	ssettag $0x0;
	lr =	simm.s32 $0x1  }
0x2: {  	[smem:$0x3F9E] =	sst lr;
	_ =	strace $0xD0000000  }
0x3: {  	_ = 	snop  }
0x4: {  	_ = 	snop  }
0x5: {  	_ = 	snop  }
0x6: {  	_ = 	snop  }
0x7: {  	_ = 	snop  }
__scs_overlays_trampoline_lowered:
0x8: {  	[smem:$0x3FAD] =	sst s0  }
0x9: {  	[smem:$0x3FAE] =	sst s1  }
0xa: {  	[smem:$0x3FAF] =	sst s2  }
0xb: {  	[smem:$0x3FB0] =	sst s3  }
0xc: {  	[smem:$0x3FB1] =	sst s4  }
0xd: {  	[smem:$0x3FB2] =	sst s5  }
0xe: {  	[smem:$0x3FB3] =	sst s6  }
0xf: {  	[smem:$0x3FB4] =	sst s7  }
0x10: {  	[smem:$0x3FB5] =	sst s8  }
0x11: {  	[smem:$0x3FB6] =	sst s9;
	s0 =	simm.s32 @!p0 $0x0  }
0x12: {  	s1 =	sld [smem:$0x3F9C];
	s0 =	simm.s32 @p0 $0x1  }
0x13: {  	[smem:$0x3FB7] =	sst s0;
	s0 =	simm.s32 @!p1 $0x0  }
0x14: {  	s2 =	sld [smem:$0x3F9B];
	s0 =	simm.s32 @p1 $0x1  }
0x15: {  	[smem:$0x3FB8] =	sst s0;
	s0 =	simm.s32 @!p2 $0x0  }
0x16: {  	s3 =	sld [smem:$0x3FDB];
	s0 =	simm.s32 @p2 $0x1  }
0x17: {  	s4 =	simm.s32 $0x1BF5;
	[smem:$0x3FBA] =	sst s0  }
0x18: {  	s0 =	sld [smem:$0x3F9D];
	_ =	swait.ge [sflag:s4], $0x0  }
0x19: {  	s7 =	sld [smem:$0x3F9E]  }
0x1a: {  	s8 =	sadd.s32 $0xFFFFE003, lr  }
0x1b: {  	s9 =	sadd.s32 $0xFFFFFEF7, lr;
	s5 =	simm.s32 $0xFFFFFFFF;
	p2 =	slt.u32 s8, $0xFFFFF086  }
0x1c: {  	p1 =	slt.u32 s9, $0xF7A;
	s5 =	simm.s32 @!p2 $0x0  }
0x1d: {  	s5 =	simm.s32 @p1 $0x1;
	p0 =	seq.s32 s7, s2  }
0x1e: {  	s7 =	smul.u32 @!p0 $0xF7A, s2;
	p2 =	seq.s32 @!p0 s5, $0x0  }
0x1f: {  	s9 =	smul.u32 $0xF7A, s1;
	s8 =	simm.s32 @!p0 $0x1BF5;
	p2 =	por !p2, p0  }
0x20: {  	[sflag:s8] =	ssyncset.s32 @!p0 $0xFFFFF086;
	s6 =	sadd.s32 @!p0 s3, s7;
	s7 =	simm.s32 @!p0 $0x108  }
0x21: {  	s3 =	sadd.s32 s3, s9;
	s6 =	sadd.s32 @!p0 $0x88, s6;
	s7 =	simm.s32 @p2 $0x1082  }
0x22: {  	[simem:s7], [sflag:s8] =	dma.local @!p0 [hbm:s6], $0xF7A  }
0x23: {  	s9 =	sor.u32 $0xD0000000, s2;
	s6 =	simm.s32 $0x108;
	_ =	swait.ge @!p0 [sflag:s8], $0x0  }
0x24: {  	s3 =	sadd.s32 $0x88, s3;
	s6 =	simm.s32 @!p1 $0x1082;
	[sflag:s4] =	ssyncset.s32 $0xFFFFF086  }
0x25: {  	[simem:s6], [sflag:s4] =	dma.local [hbm:s3], $0xF7A  }
0x26: {  	[smem:$0x3F9E] =	sst s1;
	(tag) =	ssettag s2;
	_ =	strace s9  }
0x27: {  	s1 =	sld [smem:$0x3FAE]  }
0x28: {  	s2 =	sld [smem:$0x3FAF]  }
0x29: {  	s4 =	sld [smem:$0x3FB1]  }
0x2a: {  	p0 =	seq.s32 s5, $0x0;
	s5 =	sld [smem:$0x3FB2]  }
0x2b: {  	s6 =	sld [smem:$0x3FB3]  }
0x2c: {  	s7 =	sld [smem:$0x3FB4]  }
0x2d: {  	s3 =	simm.s32 $0x108;
	s8 =	sld [smem:$0x3FB5]  }
0x2e: {  	s3 =	simm.s32 @!p0 $0x1082;
	s9 =	sld [smem:$0x3FB6]  }
0x2f: {  	lr =	sadd.s32 s0, s3;
	s0 =	sld [smem:$0x3FAD]  }
0x30: {  	s3 =	sld [smem:$0x3FB0]  }
0x31: {  	[smem:$0x3FB9] =	sst s10  }
0x32: {  	s10 =	sld [smem:$0x3FB7];
	_ =	sdelay $0x3  }
0x33: {  	p0 =	seq.s32 s10, $0x1;
	s10 =	sld [smem:$0x3FB9];
	_ =	sdelay $0x3  }
0x34: {  	[smem:$0x3FB9] =	sst s10  }
0x35: {  	s10 =	sld [smem:$0x3FB8];
	_ =	sdelay $0x3  }
0x36: {  	p1 =	seq.s32 s10, $0x1;
	s10 =	sld [smem:$0x3FB9];
	_ =	sdelay $0x3  }
0x37: {  	[smem:$0x3FB9] =	sst s10  }
0x38: {  	s10 =	sld [smem:$0x3FBA]  }
0x39: {  	_ = 	snop;
	(pc) =	sbr.ind lr, $3  }
0x3a: {  	_ = 	snop  }
0x3b: {  	_ = 	snop  }
0x3c: {  	p2 =	seq.s32 s10, $0x1;
	s10 =	sld [smem:$0x3FB9]  }
0x3d: {  	_ =	shalt  }
0x3e: {  	_ =	shalt  }
0x3f: {  	_ =	shalt  }
0x40: {  	_ =	shalt  }
0x41: {  	_ =	shalt  }
0x42: {  	_ =	shalt  }
0x43: {  	_ =	shalt  }
0x44: {  	_ =	shalt  }
0x45: {  	_ =	shalt  }
0x46: {  	_ =	shalt  }
0x47: {  	_ =	shalt  }
0x48: {  	_ =	shalt  }
0x49: {  	_ =	shalt  }
0x4a: {  	_ =	shalt  }
0x4b: {  	_ =	shalt  }
0x4c: {  	_ =	shalt  }
0x4d: {  	_ =	shalt  }
0x4e: {  	_ =	shalt  }
0x4f: {  	_ =	shalt  }
0x50: {  	_ =	shalt  }
0x51: {  	_ =	shalt  }
0x52: {  	_ =	shalt  }
0x53: {  	_ =	shalt  }
0x54: {  	_ =	shalt  }
0x55: {  	_ =	shalt  }
0x56: {  	_ =	shalt  }
0x57: {  	_ =	shalt  }
0x58: {  	_ =	shalt  }
0x59: {  	_ =	shalt  }
0x5a: {  	_ =	shalt  }
0x5b: {  	_ =	shalt  }
0x5c: {  	_ =	shalt  }
0x5d: {  	_ =	shalt  }
0x5e: {  	_ =	shalt  }
0x5f: {  	_ =	shalt  }
0x60: {  	_ =	shalt  }
0x61: {  	_ =	shalt  }
0x62: {  	_ =	shalt  }
0x63: {  	_ =	shalt  }
0x64: {  	_ =	shalt  }
0x65: {  	_ =	shalt  }
0x66: {  	_ =	shalt  }
0x67: {  	_ =	shalt  }
0x68: {  	_ =	shalt  }
0x69: {  	_ =	shalt  }
0x6a: {  	_ =	shalt  }
0x6b: {  	_ =	shalt  }
0x6c: {  	_ =	shalt  }
0x6d: {  	_ =	shalt  }
0x6e: {  	_ =	shalt  }
0x6f: {  	_ =	shalt  }
0x70: {  	_ =	shalt  }
0x71: {  	_ =	shalt  }
0x72: {  	_ =	shalt  }
0x73: {  	_ =	shalt  }
0x74: {  	_ =	shalt  }
0x75: {  	_ =	shalt  }
0x76: {  	_ =	shalt  }
0x77: {  	_ =	shalt  }
0x78: {  	_ =	shalt  }
0x79: {  	_ =	shalt  }
0x7a: {  	_ =	shalt  }
0x7b: {  	_ =	shalt  }
0x7c: {  	_ =	shalt  }
0x7d: {  	_ =	shalt  }
0x7e: {  	_ =	shalt  }
0x7f: {  	_ =	shalt  }
0x80: {  	_ =	shalt  }
0x81: {  	_ =	shalt  }
0x82: {  	_ =	shalt  }
0x83: {  	_ =	shalt  }
0x84: {  	_ =	shalt  }
0x85: {  	_ =	shalt  }
0x86: {  	_ =	shalt  }
0x87: {  	_ =	shalt  }
.Lfunc_end0:
.L_simem_size_0:
called_computation.1_lowered:
.L_overlay_start_0:
0x88: {  	s2 =	sld [smem:$0x3FD9]  }
0x89: {  	s3 =	sld [smem:$0x3FFE];
	_ =	sdelay $0x1  }
0x8a: {  	s1 =	srdreg.scid  }
0x8b: {  	s0 =	sand.u32 $0x1, s1  }
0x8c: {  	s17 =	sshll.u32 s0, $0xA;
	s2 =	sadd.s32 s3, s2  }
0x8d: {  	s2 =	sadd.s32 s2, s17  }
0x8e: {  	[smem:$0x3FC5] =	sst s2  }
0x8f: {  	_ = 	snop  }
0x90: {  	(tm) =	ssettm $0x1  }
0x91: {  	s18 =	sld [smem:$0x3FFB];
	_ =	sdelay $0x3  }
0x92: {  	_ =	strace s18  }
0x93: {  	s2 =	sld [smem:$0x3FFC];
	_ =	sdelay $0x3  }
0x94: {  	_ =	strace s2  }
0x95: {  	s2 =	sld [smem:$0x3FFD];
	_ =	sdelay $0x3  }
0x96: {  	_ =	strace s2  }
0x97: {  	_ =	strace $0x8FFFFFFF  }
0x98: {  	s19 =	sld [smem:$0x3FDB];
	_ =	sdelay $0x1  }
0x99: {  	s20 =	simm.s32 $_scs_section_size  }
0x9a: {  	s4 =	simm.s32 $_size__tile_overlayer_lowered;
	s5 =	simm.s32 $_tile_overlayer_lowered  }
0x9b: {  	s6 =	simm.s32 $0x1BFF;
	s21 =	sshll.u32 s5, $0x1;
	s3 =	sadd.s32 s20, s19  }
0x9c: {  	s22 =	simm.s32 $0x0;
	s4 =	sshll.u32 s4, $0x1;
	s5 =	sadd.s32 s21, s3  }
0x9d: {  	[timem:s22], [sflag:s6] =	dma.local [hbm:s5], s4  }
0x9e: {  	_ =	swait.ge [sflag:s6], s4  }
0x9f: {  	s4 =	ssub.s32 $0x0, s4;
	[sflag:s6] =	ssyncset.done $0x0  }
0xa0: {  	[sflag:s6] =	ssyncadd.s32 s4;
	_ =	sdelay $0x1  }
0xa1: {  	s23 =	simm.s32 $0x1B8B  }
0xa2: {  	_ =	swait.ge [sflag:s23], $0x1  }
0xa3: {  	[sflag:s23] =	ssyncset.done $0x0  }
0xa4: {  	[sflag:s23] =	ssyncadd.s32 $0xFFFFFFFF  }
0xa5: {  	s4 =	sld [smem:$0x0]  }
0xa6: {  	s5 =	sand.u32 $0xFFFFFFFE, s1  }
0xa7: {  	p0 =	sne.s32 s1, s5  }
0xa8: {  	s5 =	sshll.u32 @p0 s5, $0xE  }
0xa9: {  	s5 =	sadd.s32 @p0 $0x11B8D, s5;
	s6 =	sshll.u32 @p0 s4, $0x11  }
0xaa: {  	s5 =	sor.u32 @p0 s6, s5  }
0xab: {  	[sflag:s5] =	ssyncadd.remote.s32 @p0 $0x1;
	_ =	sdelay $0x1  }
0xac: {  	s5 =	simm.s32 @p0 $0x1B8D  }
0xad: {  	_ =	swait.eq @p0 [sflag:s5], $0x1  }
0xae: {  	[sflag:s5] =	ssyncadd.s32 @p0 $0xFFFFFFFF  }
0xaf: {  	s6 =	sshll.u32 @!p0 s1, $0xE  }
0xb0: {  	s6 =	sor.u32 @!p0 $0x4000, s6;
	s5 =	simm.s32 @!p0 $0x1B8D  }
0xb1: {  	s4 =	sshll.u32 @!p0 s4, $0x11;
	s6 =	sadd.s32 @!p0 $0x11B8D, s6;
	_ =	swait.eq @!p0 [sflag:s5], $0x1  }
0xb2: {  	s4 =	sor.u32 @!p0 s4, s6;
	[sflag:s5] =	ssyncadd.s32 @!p0 $0xFFFFFFFF  }
0xb3: {  	s25 =	simm.s32 $0x1B8E;
	s24 =	sld [smem:$0x3FFE];
	[sflag:s4] =	ssyncadd.remote.s32 @!p0 $0x1  }
0xb4: {  	s26 =	simm.s32 $execute0_lowered;
	[smem:$0x3FD2] =	sst s25  }
0xb5: {  	s5 =	sshll.u32 s26, $0x1;
	_ =	strace $0x80000049;
	[dreg:$0x1] =	wrdreg $0xFFFFFFFF  }
0xb6: {  	s28 =	simm.s32 $_size_execute0_lowered;
	s3 =	sadd.s32 s3, s5;
	[dreg:$0x0] =	wrdreg $0x0  }
0xb7: {  	s5 =	sshll.u32 s28, $0x1;
	[dreg:$0x2] =	wrdreg s3  }
0xb8: {  	[dreg:$0x3] =	wrdreg s5  }
0xb9: {  	[dreg:$0x4] =	wrdreg $0xC0  }
0xba: {  	_ =	task [dreg:s22], $0x5FFFF  }
0xbb: {  	[dreg:$0x1] =	wrdreg $0xFFFFFFFF  }
0xbc: {  	[dreg:$0x0] =	wrdreg $0x60  }
0xbd: {  	[dreg:$0x2] =	wrdreg s24  }
0xbe: {  	[dreg:$0x3] =	wrdreg $0xA  }
0xbf: {  	_ =	task.clear_ibuf [dreg:s22], $0x4FFFF;
	_ =	strace $0x90000049  }
0xc0: {  	s29 =	simm.s32 $0xA;
	_ =	strace $0x8000004B  }
0xc1: {  	_ =	swait.ge [sflag:s29], $0x1  }
0xc2: {  	[sflag:s29] =	ssyncadd.s32 $0xFFFFFFFF  }
0xc3: {  	_ =	strace $0x9000004B  }
0xc4: {  	_ =	sfence  }
0xc5: {  	s30 =	sld [smem:$0x0];
	_ =	sdelay $0x2  }
0xc6: {  	s31 =	sshll.u32 s1, $0xD;
	s1 =	sshrl.u32 s1, $0x2  }
0xc7: {  	s4 =	sand.u32 $0x4000, s31;
	s1 =	sadd.s32 s1, s30  }
0xc8: {  	s0 =	sor.u32 s4, s0;
	s1 =	sshll.u32 s1, $0x11  }
0xc9: {  	s0 =	sor.u32 s1, s0  }
0xca: {  	s0 =	sadd.s32 $0x8F2B, s0  }
0xcb: {  	[sflag:s0] =	ssyncadd.remote.s32 $0x1  }
0xcc: {  	_ =	sfence.sel $0xFFFF  }
0xcd: {  	[dreg:$0x0] =	wrdreg $0xFFFFFFFF;
	(pc) =	sbr.abs _section_cstart, $3  }
0xce: {  	[dreg:$0x1] =	wrdreg $0xFFFFFFFF  }
0xcf: {  	_ =	task.clear_ibuf [dreg:s22], $0x2FFFF;
	_ =	strace $0x9FFFFFFF  }
0xd0: {  	(tm) =	ssettm $0x7FFFFFFF  }
0xd1: {  	_ =	shalt  }
tec
execute0_lowered:
.L_overlay_start_1:
0x0: {  	(tag) =	ssettag $0x1  }
0x1: {  	s1 =	srdreg.scid;
	s0 =	stileid.u32  }
0x2: {  	s4 =	rddreg [dreg:$0x0];
	s2 =	simm.s32 $0x0;
	s8 =	simm.s32 $0x2800  }
0x3: {  	s9 =	simm.s32 $0x3C00;
	s3 =	sand.u32 $0x1, s1;
	s31 =	sshll.u32 s0, $0x1  }
0x4: {  	s10 =	simm.s32 $0x0;
	s1 =	rddreg [dreg:$0x1];
	s5 =	sor.u32 s3, s31  }
0x5: {  	[smem:$0x7FF] =	sst s2;
	s6 =	ssub.s32 $0x2, s3;
	s5 =	smul.u32 $0x272, s5  }
0x6: {  	_ =	strace $0x8000004A;
	s3 =	sadd.s32 $0xA19600, s4;
	s7 =	sshrl.u32 s6, $0x1  }
0x7: {  	s6 =	ssub.s32 s6, s7;
	s7 =	simm.s32 $0x1;
	s5 =	sadd.s32 s5, s4  }
0x8: {  	s6 =	smax.u32 s6, $0x1;
	s4 =	sadd.s32 $0xA14600, s5;
	s5 =	sadd.s32 $0xA19C00, s5  }
.LBB2_1:
0x9: {  	[tilespmem:s2], [sflag:$0x1] =	stream.linear.gather [hbm4b:s3+s2], $0x2800, $0x38;
	[tilespmem:$0x5000] =	vst v63  }
0xa: {  	_ =	swait.ge [sflag:s7], $0x2800  }
0xb: {  	[sflag:s7] =	ssyncset.done $0x0  }
0xc: {  	[sflag:s7] =	ssyncadd.s32 $0xFFFFD800  }
0xd: {  	[tilespmem:s8], [sflag:$0x1] =	stream.linear.gather [hbm4b:s4+s2], $0x1390, $0x38;
	[tilespmem:$0x5000] =	vst v63  }
0xe: {  	_ =	swait.ge [sflag:s7], $0x1390  }
0xf: {  	[sflag:s7] =	ssyncset.done $0x0  }
0x10: {  	s11 =	simm.s32 $0x0;
	[sflag:s7] =	ssyncadd.s32 $0xFFFFEC70  }
0x11: {  	v0 =	vld [tilespmem:s11+$0x2800];
	_ =	sdelay $0x7  }
0x12: {  	s12 =	simm.s32 $0x10;
	s13 =	simm.s32 $0x80;
	v0 =	vld.idx.msk [tilespmem:v0+s2+$0x0], $0xffff  }
.LBB2_2:
0x13: {  	p0 =	sne.s32 s13, $0x4E00;
	v1 =	vld [tilespmem:s12+$0x2800];
	_ =	sdelay $0x3  }
.Ltmp0:
0x14: {  	(pc) =	sbr.rel @p0 .LBB2_2-.Ltmp0, $3  }
0x15: {  	v0 =	vmul.f32 $9.499999880e-01, v0;
	_ =	sdelay $0x1  }
0x16: {  	[tilespmem:s11+$0x3C00] =	vst v0;
	s11 =	smov.u32 s12  }
0x17: {  	s12 =	sshra.s32 s13, $0x2;
	s13 =	sadd.s32 $0x40, s13;
	v0 =	vld.idx.msk [tilespmem:v1+s2+$0x0], $0xffff  }
0x18: {  	v1 =	vld [tilespmem:s12+$0x2800];
	_ =	sdelay $0x4  }
0x19: {  	v0 =	vmul.f32 $9.499999880e-01, v0;
	_ =	sdelay $0x1  }
0x1a: {  	[tilespmem:s11+$0x3C00] =	vst v0  }
0x1b: {  	v0 =	vld.idx.msk [tilespmem:v1+s2+$0x0], $0xffff;
	_ =	sdelay $0x4  }
0x1c: {  	s10 =	sadd.s32 $0x1, s10;
	v0 =	vmul.f32 $9.499999880e-01, v0  }
0x1d: {  	p0 =	sne.s32 s10, s6  }
.Ltmp1:
0x1e: {  	[tilespmem:s12+$0x3C00] =	vst v0;
	(pc) =	sbr.rel @p0 .LBB2_1-.Ltmp1, $4  }
0x1f: {  	[hbm4b:s5+s2] =	stream.linear.scatter [tilespmem:s9], [sflag:$0x1], $0x1390, $0x38;
	[tilespmem:$0x5000] =	vst v63  }
0x20: {  	_ =	swait.ge [sflag:s7], $0x1390  }
0x21: {  	[sflag:s7] =	ssyncset.done $0x0  }
0x22: {  	[sflag:s7] =	ssyncadd.s32 $0xFFFFEC70  }
0x23: {  	_ =	sfence.sel $0x180000  }
0x24: {  	[bflag:$0x0] =	sbarrier.arrive $0xFFFF  }
0x25: {  	p0 =	sne.s32 s0, $0x0;
	_ =	strace $0x9000004A  }
0x26: {  	s0 =	sadd.s32 @!p0 $0x100000, s1;
	[bflag:$0x2] =	sbarrier.arrive $0xFFFF  }
0x27: {  	[sflag:s0] =	ssyncadd.tile.s32 @!p0 $0x1;
	_ =	shalt  }
.Lfunc_end2:
_tile_overlayer_lowered:
.L_overlay_start_2:
0x28: {  	(tag) =	ssettag $0x2  }
0x29: {  	s0 =	rddreg [dreg:$0x0];
	s2 =	stileid.u32  }
0x2a: {  	s1 =	rddreg [dreg:$0x1];
	p0 =	sne.s32 s2, $0x0  }
0x2b: {  	s3 =	rddreg [dreg:$0x2];
	[bflag:$0x3] =	sbarrier.arrive $0xFFFF;
	s2 =	simm.s32 @!p0 $0x1C01  }
0x2c: {  	[timem:s3], [sflag:s2] =	dma.local @!p0 [hbm:s0], s1  }
0x2d: {  	s0 =	simm.s32 @!p0 $0x1  }
0x2e: {  	_ =	swait.ge @!p0 [sflag:s0], s1  }
0x2f: {  	s1 =	ssub.s32 @!p0 $0x0, s1;
	[sflag:s0] =	ssyncset.done @!p0 $0x0  }
0x30: {  	[sflag:s0] =	ssyncadd.s32 @!p0 s1  }
0x31: {  	[bflag:$0x3] =	sbarrier.arrive $0xFFFF  }
0x32: {  	_ =	shalt  }

// kernel: kernel.9.cloned.1.call-start
scs
__scs_entry_jumppad:
0x0: {  	(pc) =	sbr.rel $0x88, $3  }
0x1: {  	(tag) =	ssettag $0x0;
	lr =	simm.s32 $0x1  }
0x2: {  	[smem:$0x3F9E] =	sst lr;
	_ =	strace $0xD0000000  }
0x3: {  	_ = 	snop  }
0x4: {  	_ = 	snop  }
0x5: {  	_ = 	snop  }
0x6: {  	_ = 	snop  }
0x7: {  	_ = 	snop  }
__scs_overlays_trampoline_lowered:
0x8: {  	[smem:$0x3FAD] =	sst s0  }
0x9: {  	[smem:$0x3FAE] =	sst s1  }
0xa: {  	[smem:$0x3FAF] =	sst s2  }
0xb: {  	[smem:$0x3FB0] =	sst s3  }
0xc: {  	[smem:$0x3FB1] =	sst s4  }
0xd: {  	[smem:$0x3FB2] =	sst s5  }
0xe: {  	[smem:$0x3FB3] =	sst s6  }
0xf: {  	[smem:$0x3FB4] =	sst s7  }
0x10: {  	[smem:$0x3FB5] =	sst s8  }
0x11: {  	[smem:$0x3FB6] =	sst s9;
	s0 =	simm.s32 @!p0 $0x0  }
0x12: {  	s1 =	sld [smem:$0x3F9C];
	s0 =	simm.s32 @p0 $0x1  }
0x13: {  	[smem:$0x3FB7] =	sst s0;
	s0 =	simm.s32 @!p1 $0x0  }
0x14: {  	s2 =	sld [smem:$0x3F9B];
	s0 =	simm.s32 @p1 $0x1  }
0x15: {  	[smem:$0x3FB8] =	sst s0;
	s0 =	simm.s32 @!p2 $0x0  }
0x16: {  	s3 =	sld [smem:$0x3FDB];
	s0 =	simm.s32 @p2 $0x1  }
0x17: {  	s4 =	simm.s32 $0x1BF5;
	[smem:$0x3FBA] =	sst s0  }
0x18: {  	s0 =	sld [smem:$0x3F9D];
	_ =	swait.ge [sflag:s4], $0x0  }
0x19: {  	s7 =	sld [smem:$0x3F9E]  }
0x1a: {  	s8 =	sadd.s32 $0xFFFFE003, lr  }
0x1b: {  	s9 =	sadd.s32 $0xFFFFFEF7, lr;
	s5 =	simm.s32 $0xFFFFFFFF;
	p2 =	slt.u32 s8, $0xFFFFF086  }
0x1c: {  	p1 =	slt.u32 s9, $0xF7A;
	s5 =	simm.s32 @!p2 $0x0  }
0x1d: {  	s5 =	simm.s32 @p1 $0x1;
	p0 =	seq.s32 s7, s2  }
0x1e: {  	s7 =	smul.u32 @!p0 $0xF7A, s2;
	p2 =	seq.s32 @!p0 s5, $0x0  }
0x1f: {  	s9 =	smul.u32 $0xF7A, s1;
	s8 =	simm.s32 @!p0 $0x1BF5;
	p2 =	por !p2, p0  }
0x20: {  	[sflag:s8] =	ssyncset.s32 @!p0 $0xFFFFF086;
	s6 =	sadd.s32 @!p0 s3, s7;
	s7 =	simm.s32 @!p0 $0x108  }
0x21: {  	s3 =	sadd.s32 s3, s9;
	s6 =	sadd.s32 @!p0 $0x88, s6;
	s7 =	simm.s32 @p2 $0x1082  }
0x22: {  	[simem:s7], [sflag:s8] =	dma.local @!p0 [hbm:s6], $0xF7A  }
0x23: {  	s9 =	sor.u32 $0xD0000000, s2;
	s6 =	simm.s32 $0x108;
	_ =	swait.ge @!p0 [sflag:s8], $0x0  }
0x24: {  	s3 =	sadd.s32 $0x88, s3;
	s6 =	simm.s32 @!p1 $0x1082;
	[sflag:s4] =	ssyncset.s32 $0xFFFFF086  }
0x25: {  	[simem:s6], [sflag:s4] =	dma.local [hbm:s3], $0xF7A  }
0x26: {  	[smem:$0x3F9E] =	sst s1;
	(tag) =	ssettag s2;
	_ =	strace s9  }
0x27: {  	s1 =	sld [smem:$0x3FAE]  }
0x28: {  	s2 =	sld [smem:$0x3FAF]  }
0x29: {  	s4 =	sld [smem:$0x3FB1]  }
0x2a: {  	p0 =	seq.s32 s5, $0x0;
	s5 =	sld [smem:$0x3FB2]  }
0x2b: {  	s6 =	sld [smem:$0x3FB3]  }
0x2c: {  	s7 =	sld [smem:$0x3FB4]  }
0x2d: {  	s3 =	simm.s32 $0x108;
	s8 =	sld [smem:$0x3FB5]  }
0x2e: {  	s3 =	simm.s32 @!p0 $0x1082;
	s9 =	sld [smem:$0x3FB6]  }
0x2f: {  	lr =	sadd.s32 s0, s3;
	s0 =	sld [smem:$0x3FAD]  }
0x30: {  	s3 =	sld [smem:$0x3FB0]  }
0x31: {  	[smem:$0x3FB9] =	sst s10  }
0x32: {  	s10 =	sld [smem:$0x3FB7];
	_ =	sdelay $0x3  }
0x33: {  	p0 =	seq.s32 s10, $0x1;
	s10 =	sld [smem:$0x3FB9];
	_ =	sdelay $0x3  }
0x34: {  	[smem:$0x3FB9] =	sst s10  }
0x35: {  	s10 =	sld [smem:$0x3FB8];
	_ =	sdelay $0x3  }
0x36: {  	p1 =	seq.s32 s10, $0x1;
	s10 =	sld [smem:$0x3FB9];
	_ =	sdelay $0x3  }
0x37: {  	[smem:$0x3FB9] =	sst s10  }
0x38: {  	s10 =	sld [smem:$0x3FBA]  }
0x39: {  	_ = 	snop;
	(pc) =	sbr.ind lr, $3  }
0x3a: {  	_ = 	snop  }
0x3b: {  	_ = 	snop  }
0x3c: {  	p2 =	seq.s32 s10, $0x1;
	s10 =	sld [smem:$0x3FB9]  }
0x3d: {  	_ =	shalt  }
0x3e: {  	_ =	shalt  }
0x3f: {  	_ =	shalt  }
0x40: {  	_ =	shalt  }
0x41: {  	_ =	shalt  }
0x42: {  	_ =	shalt  }
0x43: {  	_ =	shalt  }
0x44: {  	_ =	shalt  }
0x45: {  	_ =	shalt  }
0x46: {  	_ =	shalt  }
0x47: {  	_ =	shalt  }
0x48: {  	_ =	shalt  }
0x49: {  	_ =	shalt  }
0x4a: {  	_ =	shalt  }
0x4b: {  	_ =	shalt  }
0x4c: {  	_ =	shalt  }
0x4d: {  	_ =	shalt  }
0x4e: {  	_ =	shalt  }
0x4f: {  	_ =	shalt  }
0x50: {  	_ =	shalt  }
0x51: {  	_ =	shalt  }
0x52: {  	_ =	shalt  }
0x53: {  	_ =	shalt  }
0x54: {  	_ =	shalt  }
0x55: {  	_ =	shalt  }
0x56: {  	_ =	shalt  }
0x57: {  	_ =	shalt  }
0x58: {  	_ =	shalt  }
0x59: {  	_ =	shalt  }
0x5a: {  	_ =	shalt  }
0x5b: {  	_ =	shalt  }
0x5c: {  	_ =	shalt  }
0x5d: {  	_ =	shalt  }
0x5e: {  	_ =	shalt  }
0x5f: {  	_ =	shalt  }
0x60: {  	_ =	shalt  }
0x61: {  	_ =	shalt  }
0x62: {  	_ =	shalt  }
0x63: {  	_ =	shalt  }
0x64: {  	_ =	shalt  }
0x65: {  	_ =	shalt  }
0x66: {  	_ =	shalt  }
0x67: {  	_ =	shalt  }
0x68: {  	_ =	shalt  }
0x69: {  	_ =	shalt  }
0x6a: {  	_ =	shalt  }
0x6b: {  	_ =	shalt  }
0x6c: {  	_ =	shalt  }
0x6d: {  	_ =	shalt  }
0x6e: {  	_ =	shalt  }
0x6f: {  	_ =	shalt  }
0x70: {  	_ =	shalt  }
0x71: {  	_ =	shalt  }
0x72: {  	_ =	shalt  }
0x73: {  	_ =	shalt  }
0x74: {  	_ =	shalt  }
0x75: {  	_ =	shalt  }
0x76: {  	_ =	shalt  }
0x77: {  	_ =	shalt  }
0x78: {  	_ =	shalt  }
0x79: {  	_ =	shalt  }
0x7a: {  	_ =	shalt  }
0x7b: {  	_ =	shalt  }
0x7c: {  	_ =	shalt  }
0x7d: {  	_ =	shalt  }
0x7e: {  	_ =	shalt  }
0x7f: {  	_ =	shalt  }
0x80: {  	_ =	shalt  }
0x81: {  	_ =	shalt  }
0x82: {  	_ =	shalt  }
0x83: {  	_ =	shalt  }
0x84: {  	_ =	shalt  }
0x85: {  	_ =	shalt  }
0x86: {  	_ =	shalt  }
0x87: {  	_ =	shalt  }
.Lfunc_end0:
.L_simem_size_0:
called_computation.2_lowered:
.L_overlay_start_0:
0x88: {  	s2 =	sld [smem:$0x3FD9]  }
0x89: {  	s3 =	sld [smem:$0x3FFE];
	_ =	sdelay $0x1  }
0x8a: {  	s1 =	srdreg.scid  }
0x8b: {  	s0 =	sand.u32 $0x1, s1  }
0x8c: {  	s17 =	sshll.u32 s0, $0xA;
	s2 =	sadd.s32 s3, s2  }
0x8d: {  	s2 =	sadd.s32 s2, s17  }
0x8e: {  	[smem:$0x3FC5] =	sst s2  }
0x8f: {  	_ = 	snop  }
0x90: {  	s2 =	sld [smem:$0x3FD0];
	(tm) =	ssettm $0x1  }
0x91: {  	s18 =	sld [smem:$0x3FFB];
	_ =	sdelay $0x3  }
0x92: {  	_ =	strace s18  }
0x93: {  	s3 =	sld [smem:$0x3FFC];
	_ =	sdelay $0x3  }
0x94: {  	_ =	strace s3  }
0x95: {  	s3 =	sld [smem:$0x3FFD];
	_ =	sdelay $0x3  }
0x96: {  	_ =	strace s3  }
0x97: {  	_ =	strace $0x8FFFFFFF  }
0x98: {  	s19 =	sld [smem:$0x3FDB];
	_ =	sdelay $0x1  }
0x99: {  	s4 =	simm.s32 $_scs_section_size  }
0x9a: {  	s5 =	simm.s32 $_size__tile_overlayer_lowered;
	s6 =	simm.s32 $_tile_overlayer_lowered  }
0x9b: {  	s22 =	simm.s32 $0x1BFF;
	s21 =	sshll.u32 s6, $0x1;
	s3 =	sadd.s32 s4, s19  }
0x9c: {  	s7 =	simm.s32 $0x0;
	s20 =	sshll.u32 s5, $0x1;
	s5 =	sadd.s32 s21, s3  }
0x9d: {  	[timem:s7], [sflag:s22] =	dma.local [hbm:s5], s20  }
0x9e: {  	_ =	swait.ge [sflag:s22], s20  }
0x9f: {  	s4 =	ssub.s32 $0x0, s20;
	[sflag:s22] =	ssyncset.done $0x0  }
0xa0: {  	[sflag:s22] =	ssyncadd.s32 s4;
	_ =	sdelay $0x1  }
0xa1: {  	s23 =	simm.s32 $0x1B8B  }
0xa2: {  	_ =	swait.ge [sflag:s23], $0x1  }
0xa3: {  	[sflag:s23] =	ssyncset.done $0x0  }
0xa4: {  	s25 =	simm.s32 $0x1B8E;
	s24 =	sld [smem:$0x3FFE];
	[sflag:s23] =	ssyncadd.s32 $0xFFFFFFFF  }
0xa5: {  	s26 =	simm.s32 $execute0_lowered;
	[smem:$0x3FD2] =	sst s25  }
0xa6: {  	s5 =	sshll.u32 s26, $0x1;
	_ =	strace $0x8000004C;
	[dreg:$0x1] =	wrdreg $0xFFFFFFFF  }
0xa7: {  	s28 =	simm.s32 $_size_execute0_lowered;
	s3 =	sadd.s32 s3, s5;
	[dreg:$0x0] =	wrdreg $0x0  }
0xa8: {  	s5 =	sshll.u32 s28, $0x1;
	[dreg:$0x2] =	wrdreg s3  }
0xa9: {  	[dreg:$0x3] =	wrdreg s5  }
0xaa: {  	[dreg:$0x4] =	wrdreg $0xC0  }
0xab: {  	_ =	task [dreg:s7], $0x5FFFF  }
0xac: {  	[dreg:$0x1] =	wrdreg $0xFFFFFFFF  }
0xad: {  	[dreg:$0x0] =	wrdreg $0x60  }
0xae: {  	[dreg:$0x2] =	wrdreg s2  }
0xaf: {  	[dreg:$0x3] =	wrdreg s24  }
0xb0: {  	[dreg:$0x4] =	wrdreg $0x9  }
0xb1: {  	_ =	task.clear_ibuf [dreg:s7], $0x5FFFF;
	_ =	strace $0x9000004C  }
0xb2: {  	s29 =	simm.s32 $0x9;
	_ =	strace $0x8000004E  }
0xb3: {  	_ =	swait.ge [sflag:s29], $0x1  }
0xb4: {  	[sflag:s29] =	ssyncadd.s32 $0xFFFFFFFF  }
0xb5: {  	_ =	strace $0x9000004E  }
0xb6: {  	_ =	sfence  }
0xb7: {  	s30 =	sld [smem:$0x0];
	_ =	sdelay $0x2  }
0xb8: {  	s31 =	sshll.u32 s1, $0xD;
	s1 =	sshrl.u32 s1, $0x2  }
0xb9: {  	s3 =	sand.u32 $0x4000, s31;
	s1 =	sadd.s32 s1, s30  }
0xba: {  	s0 =	sor.u32 s3, s0;
	s1 =	sshll.u32 s1, $0x11  }
0xbb: {  	s0 =	sor.u32 s1, s0  }
0xbc: {  	s0 =	sadd.s32 $0x8F2B, s0  }
0xbd: {  	[sflag:s0] =	ssyncadd.remote.s32 $0x1  }
0xbe: {  	_ =	sfence.sel $0xFFFF  }
0xbf: {  	[dreg:$0x0] =	wrdreg $0xFFFFFFFF;
	(pc) =	sbr.abs _section_cstart, $3  }
0xc0: {  	[dreg:$0x1] =	wrdreg $0xFFFFFFFF  }
0xc1: {  	_ =	task.clear_ibuf [dreg:s7], $0x2FFFF;
	_ =	strace $0x9FFFFFFF  }
0xc2: {  	(tm) =	ssettm $0x7FFFFFFF  }
0xc3: {  	_ =	shalt  }
tec
execute0_lowered:
.L_overlay_start_1:
0x0: {  	(tag) =	ssettag $0x1  }
0x1: {  	s0 =	rddreg [dreg:$0x1];
	s1 =	simm.s32 $0x0;
	s24 =	srdreg.scid  }
0x2: {  	s3 =	stileid.u32;
	s11 =	simm.s32 $0x1;
	s14 =	simm.s32 $0x2980  }
0x3: {  	s15 =	simm.s32 $0x3180;
	s16 =	simm.s32 $0x3980;
	s17 =	simm.s32 $0x4180  }
0x4: {  	s18 =	simm.s32 $0x4980;
	s19 =	simm.s32 $0x5180;
	s20 =	simm.s32 $0x5980  }
0x5: {  	s21 =	simm.s32 $0x6180;
	s22 =	simm.s32 $0x6980;
	s23 =	simm.s32 $0x7180  }
0x6: {  	s28 =	simm.s32 $0x9180;
	s29 =	simm.s32 $0x9980;
	[smem:$0x7FF] =	sst s1  }
0x7: {  	s1 =	sand.u32 $0x1, s24;
	s2 =	sadd.s32 $0xA19C00, s0;
	s6 =	sadd.s32 $0x600, s0  }
0x8: {  	s25 =	sadd.s32 $0xA1EC00, s0;
	s30 =	sshll.u32 s3, $0x1;
	_ =	strace $0x8000004D  }
.Ltmp0:
0x9: {  	[dreg:$0x3] =	wrdreg s1;
	s1 =	ssub.s32 $0x2, s1;
	(pc) =	sbr.rel .LBB2_1-.Ltmp0, $4  }
0xa: {  	s9 =	sadd.s32 $0x700, s0;
	[dreg:$0x4] =	wrdreg s2;
	s26 =	sshrl.u32 s1, $0x1  }
0xb: {  	v0 =	vlaneseq.u32;
	s24 =	simm.s32 $0x7980;
	[dreg:$0x5] =	wrdreg s25;
	s1 =	ssub.s32 s1, s26  }
0xc: {  	v1 =	vimm.f32 $0.0e+00;
	vm0 =	vmmov $0xffff;
	v3 =	vshrl.u32 v0, $0x3;
	[dreg:$0x6] =	wrdreg s30;
	s25 =	simm.s32 $0x8180;
	s31 =	smax.u32 s1, $0x1  }
0xd: {  	v2 =	vand.u32 $0x7, v0;
	v4 =	vor.u32 $0x8, v0;
	v3 =	vmul.u32 $0x8, v3;
	s26 =	simm.s32 $0x8980;
	s1 =	simm.s32 $0x0;
	[dreg:$0x7] =	wrdreg s31  }
.LBB2_20:
0xe: {  	s1 =	rddreg [dreg:$0x8]  }
0xf: {  	s0 =	rddreg [dreg:$0x7];
	s1 =	sadd.s32 $0x1, s1  }
0x10: {  	p0 =	sne.s32 s1, s0  }
.Ltmp1:
0x11: {  	_ = 	snop;
	(pc) =	sbr.rel @!p0 .LBB2_21-.Ltmp1, $1  }
0x12: {  	_ =	sdelay $0x3  }
.LBB2_1:
.Ltmp2:
0x13: {  	(pc) =	sbr.rel .LBB2_2-.Ltmp2, $2  }
0x14: {  	_ =	sdelay $0x2  }
0x15: {  	[dreg:$0x8] =	wrdreg s1;
	p1 =	por $0x1, $0x1;
	s0 =	simm.s32 $0x0  }
.LBB2_19:
0x16: {  	s0 =	rddreg [dreg:$0x9]  }
0x17: {  	s0 =	smul.u32 $0x2800, s0  }
0x18: {  	s1 =	rddreg [dreg:$0x5];
	s31 =	simm.s32 $0x0  }
.Ltmp3:
0x19: {  	s2 =	simm.s32 $0xA180;
	s0 =	sadd.s32 s1, s0;
	(pc) =	sbr.rel @!p0 .LBB2_20-.Ltmp3, $4  }
0x1a: {  	[hbm4b:s0+s31] =	stream.linear.scatter [tilespmem:s2], [sflag:$0x1], $0x14000, $0x38;
	[tilespmem:$0x1F180] =	vst v63  }
0x1b: {  	_ =	swait.ge [sflag:s11], $0x14000  }
0x1c: {  	[sflag:s11] =	ssyncset.done $0x0  }
0x1d: {  	p1 =	por $0x0, $0x0;
	s0 =	simm.s32 $0x20;
	[sflag:s11] =	ssyncadd.s32 $0xFFFEC000  }
.LBB2_2:
0x1e: {  	p0 =	por p1, p1;
	s1 =	simm.s32 $0x0;
	s2 =	simm.s32 $0x0  }
.LBB2_3:
0x1f: {  	s3 =	sshll.u32 s2, $0x9;
	s4 =	sshll.u32 s2, $0x7  }
0x20: {  	s3 =	sand.u32 $0x1F000, s3;
	s4 =	sand.u32 $0x380, s4  }
0x21: {  	s3 =	sor.u32 s4, s3  }
0x22: {  	s31 =	sand.u32 $0xC00, s1;
	s3 =	sadd.s32 $0xA180, s3  }
0x23: {  	s5 =	sand.u32 $0x70, s1;
	s7 =	sadd.s32 s31, s3  }
0x24: {  	s4 =	simm.s32 $0x10;
	s7 =	sadd.s32 s5, s7;
	s5 =	simm.s32 $0x0  }
.LBB2_4:
0x25: {  	p1 =	sne.s32 s4, $0x1F0  }
0x26: {  	[tilespmem:s7+$0x0] =	vst v1;
	s5 =	sadd.s32 $0x80, s5;
	s7 =	smov.u32 s4;
	s4 =	sadd.s32 $0x10, s4  }
.Ltmp4:
0x27: {  	(pc) =	sbr.rel @p1 .LBB2_4-.Ltmp4, $4  }
0x28: {  	_ = 	snop  }
0x29: {  	s8 =	sand.u32 $0xC00, s5  }
0x2a: {  	s7 =	sand.u32 $0x70, s7;
	s8 =	sadd.s32 s8, s3  }
0x2b: {  	s7 =	sadd.s32 s7, s8  }
0x2c: {  	s2 =	sadd.s32 $0x1, s2  }
0x2d: {  	p1 =	seq.s32 s2, $0xA8  }
.Ltmp5:
0x2e: {  	_ = 	snop;
	(pc) =	sbr.rel @!p1 .LBB2_3-.Ltmp5, $2  }
0x2f: {  	_ =	sdelay $0x2  }
0x30: {  	[tilespmem:s7+$0x0] =	vst v1  }
0x31: {  	s1 =	rddreg [dreg:$0x6]  }
.Ltmp6:
0x32: {  	s31 =	rddreg [dreg:$0x3];
	s0 =	sor.u32 s0, s1;
	(pc) =	sbr.rel .LBB2_7-.Ltmp6, $4  }
0x33: {  	s0 =	sor.u32 s31, s0  }
0x34: {  	[dreg:$0x9] =	wrdreg s0;
	s0 =	smul.u32 $0xFFFFFF60, s0  }
0x35: {  	_ = 	snop  }
0x36: {  	s4 =	simm.s32 $0x0;
	v5 =	vmov s0;
	s0 =	simm.s32 $0x0  }
.LBB2_14:
0x37: {  	s4 =	sadd.s32 $0x1, s4  }
0x38: {  	p1 =	sne.s32 s4, $0x28  }
.Ltmp7:
0x39: {  	_ = 	snop;
	(pc) =	sbr.rel @!p1 .LBB2_15-.Ltmp7, $1  }
0x3a: {  	_ =	sdelay $0x3  }
.LBB2_7:
0x3b: {  	s3 =	smul.u32 $0xFA0, s4;
	_ =	sdelay $0x1  }
0x3c: {  	s2 =	rddreg [dreg:$0x0];
	s1 =	sshrl.u32 s3, $0x3  }
0x3d: {  	s5 =	simm.s32 $0x0;
	s2 =	sadd.s32 s2, s1  }
0x3e: {  	[tilespmem:s5], [sflag:$0x1] =	stream.linear.gather [hbm4b:s2+s5], $0xFA0, $0x38;
	[tilespmem:$0x1F180] =	vst v63  }
0x3f: {  	_ =	swait.ge [sflag:s11], $0xFA0  }
0x40: {  	s31 =	simm.s32 $0x1000;
	[sflag:s11] =	ssyncset.done $0x0;
	s30 =	rddreg [dreg:$0x4]  }
.Ltmp8:
0x41: {  	[sflag:s11] =	ssyncadd.s32 $0xFFFFF060;
	s1 =	sadd.s32 s30, s1;
	(pc) =	sbr.rel .LBB2_8-.Ltmp8, $4  }
0x42: {  	[tilespmem:s31], [sflag:$0x1] =	stream.linear.gather [hbm4b:s1+s5], $0xFA0, $0x38;
	[tilespmem:$0x1F180] =	vst v63  }
0x43: {  	_ =	swait.ge [sflag:s11], $0xFA0  }
0x44: {  	[sflag:s11] =	ssyncset.done $0x0  }
0x45: {  	s7 =	simm.s32 $0x0;
	[sflag:s11] =	ssyncadd.s32 $0xFFFFF060  }
.LBB2_9:
0x46: {  	s8 =	smov.u32 @p1 s0  }
0x47: {  	s0 =	smov.u32 s8  }
.LBB2_13:
0x48: {  	s7 =	sadd.s32 $0x1, s7  }
0x49: {  	p1 =	sne.s32 s7, $0xFA  }
.Ltmp9:
0x4a: {  	_ = 	snop;
	(pc) =	sbr.rel @!p1 .LBB2_14-.Ltmp9, $1  }
0x4b: {  	_ =	sdelay $0x3  }
.LBB2_8:
0x4c: {  	s1 =	sshll.u32 s7, $0x4  }
0x4d: {  	v6 =	vld [tilespmem:s1+$0x0];
	_ =	sdelay $0x4  }
0x4e: {  	v6 =	vadd.s32 v5, v6  }
0x4f: {  	vm1 =	vlt.u32 v6, $0xA0  }
0x50: {  	v7 =	vmpcnt.ones.xlane vm1;
	_ =	sdelay $0x1  }
0x51: {  	v7 =	vxor.u32 $0x80000000, v7  }
0x52: {  	(xrf0) =	vmax.scan.msk.u32 $0xffff, v7;
	_ =	sdelay $0x5  }
0x53: {  	v7, _, _ =	vpop (xrf0)  }
0x54: {  	(v2sf) =	vpush v7, $0xF;
	_ =	sdelay $0xe  }
0x55: {  	s2 =	spop (v2sf)  }
0x56: {  	s2 =	sxor.u32 $0x80000000, s2  }
0x57: {  	p1 =	slt.s32 s2, $0x1  }
0x58: {  	vm1 =	vlt.u32 @!p1 v6, $0xA0;
	v7 =	vimm.s32 @!p1 $0x0  }
0x59: {  	v7 =	vsel @!p1 vm1, $0x1, v7  }
0x5a: {  	(xrf0) =	vadd.scan.msk.s32 @!p1 $0xffff, v7;
	_ =	sdelay $0x2  }
0x5b: {  	v7 =	vmov @!p1 s0  }
0x5c: {  	v7 =	vadd.s32 @!p1 $0xFFFFFFFF, v7  }
0x5d: {  	v7 =	vbroadcast @!p1 v7, $0x0  }
0x5e: {  	v8, _, _ =	vpop @!p1 (xrf0)  }
0x5f: {  	s8 =	sadd.s32 @!p1 s0, s2;
	v7 =	vadd.s32 @!p1 v8, v7  }
0x60: {  	p2 =	slt.s32 @!p1 s8, $0x40  }
0x61: {  	p2 =	por p1, p2;
	v8 =	vld @!p1 [tilespmem:s1+$0x1000]  }
.Ltmp10:
0x62: {  	v9 =	vlaneseq.u32 @!p1;
	s1 =	sadd.s32 @!p1 s3, s1;
	(pc) =	sbr.rel @p2 .LBB2_9-.Ltmp10, $4  }
0x63: {  	v9 =	vor.u32 @!p1 s1, v9;
	s1 =	simm.s32 @!p1 $0x2000  }
0x64: {  	[tilespmem:v7+s1+$0x0] =	vst.idx.msk @!p1 vm1, v9;
	s1 =	simm.s32 @!p1 $0x2080  }
0x65: {  	[tilespmem:v7+s1+$0x0] =	vst.idx.msk @!p1 vm1, v6;
	s1 =	simm.s32 @!p1 $0x2100  }
0x66: {  	[tilespmem:v7+s1+$0x0] =	vst.idx.msk @!p1 vm1, v8  }
0x67: {  	v6 =	vld [tilespmem:$0x2000];
	_ =	sdelay $0x4  }
0x68: {  	v7 =	vshll.u32 v6, $0x2  }
0x69: {  	v6 =	vand.u32 $0x7, v6;
	v7 =	vand.u32 $0xFFFFFFE0, v7  }
0x6a: {  	v6 =	vor.u32 v6, v7  }
0x6b: {  	v7 =	vperm.xlane v6, v2;
	_ =	sdelay $0x1  }
0x6c: {  	v7 =	vadd.s32 v3, v7;
	_ =	sdelay $0x1  }
0x6d: {  	v6 =	vperm.xlane v6, v4;
	_ =	sdelay $0x1  }
0x6e: {  	s30 =	simm.s32 $0x0;
	s0 =	simm.s32 $0x2180;
	v6 =	vadd.s32 v3, v6  }
0x6f: {  	[tilespmem:s0], [sflag:$0x1] =	stream.indirect_vreg.gather [hbm4b:s6+s30], $0x80, v7, vm0, $0xb8;
	[tilespmem:$0x1F180] =	vst v63  }
0x70: {  	_ = 	snop  }
0x71: {  	[tilespmem:s14], [sflag:$0x1] =	stream.indirect_vreg.gather [hbm4b:s9+s30], $0x80, v7, vm0, $0xb8;
	[tilespmem:$0x1F180] =	vst v63  }
0x72: {  	_ = 	snop  }
0x73: {  	[tilespmem:s15], [sflag:$0x1] =	stream.indirect_vreg.gather [hbm4b:s6+s30], $0x80, v6, vm0, $0xb8;
	[tilespmem:$0x1F180] =	vst v63  }
0x74: {  	_ = 	snop  }
0x75: {  	[tilespmem:s16], [sflag:$0x1] =	stream.indirect_vreg.gather [hbm4b:s9+s30], $0x80, v6, vm0, $0xb8;
	[tilespmem:$0x1F180] =	vst v63  }
0x76: {  	v6 =	vld [tilespmem:$0x2010];
	_ =	sdelay $0x4  }
0x77: {  	v7 =	vshll.u32 v6, $0x2  }
0x78: {  	v6 =	vand.u32 $0x7, v6;
	v7 =	vand.u32 $0xFFFFFFE0, v7  }
0x79: {  	v6 =	vor.u32 v6, v7  }
0x7a: {  	v7 =	vperm.xlane v6, v2;
	_ =	sdelay $0x1  }
0x7b: {  	v7 =	vadd.s32 v3, v7;
	_ =	sdelay $0x1  }
0x7c: {  	v6 =	vperm.xlane v6, v4;
	_ =	sdelay $0x1  }
0x7d: {  	v6 =	vadd.s32 v3, v6  }
0x7e: {  	[tilespmem:s17], [sflag:$0x1] =	stream.indirect_vreg.gather [hbm4b:s6+s30], $0x80, v7, vm0, $0xb8;
	[tilespmem:$0x1F180] =	vst v63  }
0x7f: {  	_ = 	snop  }
0x80: {  	[tilespmem:s18], [sflag:$0x1] =	stream.indirect_vreg.gather [hbm4b:s9+s30], $0x80, v7, vm0, $0xb8;
	[tilespmem:$0x1F180] =	vst v63  }
0x81: {  	_ = 	snop  }
0x82: {  	[tilespmem:s19], [sflag:$0x1] =	stream.indirect_vreg.gather [hbm4b:s6+s30], $0x80, v6, vm0, $0xb8;
	[tilespmem:$0x1F180] =	vst v63  }
0x83: {  	_ = 	snop  }
0x84: {  	[tilespmem:s20], [sflag:$0x1] =	stream.indirect_vreg.gather [hbm4b:s9+s30], $0x80, v6, vm0, $0xb8;
	[tilespmem:$0x1F180] =	vst v63  }
0x85: {  	v6 =	vld [tilespmem:$0x2020];
	_ =	sdelay $0x4  }
0x86: {  	v7 =	vshll.u32 v6, $0x2  }
0x87: {  	v6 =	vand.u32 $0x7, v6;
	v7 =	vand.u32 $0xFFFFFFE0, v7  }
0x88: {  	v6 =	vor.u32 v6, v7  }
0x89: {  	v7 =	vperm.xlane v6, v2;
	_ =	sdelay $0x1  }
0x8a: {  	v7 =	vadd.s32 v3, v7;
	_ =	sdelay $0x1  }
0x8b: {  	v6 =	vperm.xlane v6, v4;
	_ =	sdelay $0x1  }
0x8c: {  	v6 =	vadd.s32 v3, v6  }
0x8d: {  	[tilespmem:s21], [sflag:$0x1] =	stream.indirect_vreg.gather [hbm4b:s6+s30], $0x80, v7, vm0, $0xb8;
	[tilespmem:$0x1F180] =	vst v63  }
0x8e: {  	_ = 	snop  }
0x8f: {  	[tilespmem:s22], [sflag:$0x1] =	stream.indirect_vreg.gather [hbm4b:s9+s30], $0x80, v7, vm0, $0xb8;
	[tilespmem:$0x1F180] =	vst v63  }
0x90: {  	_ = 	snop  }
0x91: {  	[tilespmem:s23], [sflag:$0x1] =	stream.indirect_vreg.gather [hbm4b:s6+s30], $0x80, v6, vm0, $0xb8;
	[tilespmem:$0x1F180] =	vst v63  }
0x92: {  	_ = 	snop  }
0x93: {  	[tilespmem:s24], [sflag:$0x1] =	stream.indirect_vreg.gather [hbm4b:s9+s30], $0x80, v6, vm0, $0xb8;
	[tilespmem:$0x1F180] =	vst v63  }
0x94: {  	v6 =	vld [tilespmem:$0x2030];
	_ =	sdelay $0x4  }
0x95: {  	v7 =	vshll.u32 v6, $0x2  }
0x96: {  	v6 =	vand.u32 $0x7, v6;
	v7 =	vand.u32 $0xFFFFFFE0, v7  }
0x97: {  	v6 =	vor.u32 v6, v7  }
0x98: {  	v7 =	vperm.xlane v6, v2;
	_ =	sdelay $0x1  }
0x99: {  	v7 =	vadd.s32 v3, v7;
	_ =	sdelay $0x1  }
0x9a: {  	v6 =	vperm.xlane v6, v4;
	_ =	sdelay $0x1  }
0x9b: {  	v6 =	vadd.s32 v3, v6  }
0x9c: {  	[tilespmem:s25], [sflag:$0x1] =	stream.indirect_vreg.gather [hbm4b:s6+s30], $0x80, v7, vm0, $0xb8;
	[tilespmem:$0x1F180] =	vst v63  }
0x9d: {  	_ = 	snop  }
0x9e: {  	[tilespmem:s26], [sflag:$0x1] =	stream.indirect_vreg.gather [hbm4b:s9+s30], $0x80, v7, vm0, $0xb8;
	[tilespmem:$0x1F180] =	vst v63  }
0x9f: {  	_ = 	snop  }
0xa0: {  	[tilespmem:s28], [sflag:$0x1] =	stream.indirect_vreg.gather [hbm4b:s6+s30], $0x80, v6, vm0, $0xb8;
	[tilespmem:$0x1F180] =	vst v63  }
0xa1: {  	_ = 	snop  }
0xa2: {  	[tilespmem:s29], [sflag:$0x1] =	stream.indirect_vreg.gather [hbm4b:s9+s30], $0x80, v6, vm0, $0xb8;
	[tilespmem:$0x1F180] =	vst v63  }
0xa3: {  	_ =	swait.ge [sflag:s11], $0x8000  }
0xa4: {  	[sflag:s11] =	ssyncset.done $0x0  }
0xa5: {  	[sflag:s11] =	ssyncadd.s32 $0xFFFF8000  }
.LBB2_11:
0xa6: {  	s1 =	sand.u32 $0x30, s30  }
0xa7: {  	v10 =	vld [tilespmem:s1+$0x2080];
	_ =	sdelay $0x2  }
0xa8: {  	s10 =	sand.u32 $0x8, s30  }
0xa9: {  	v7 =	vmov s10  }
0xaa: {  	v6 =	vperm.xlane v10, v7;
	_ =	sdelay $0x1  }
0xab: {  	v6 =	vxor.u32 $0x80000000, v6  }
0xac: {  	(xrf0) =	vmax.scan.msk.u32 $0xffff, v6;
	_ =	sdelay $0x5  }
0xad: {  	v6, _, _ =	vpop (xrf0)  }
0xae: {  	(v2sf) =	vpush v6, $0xF;
	_ =	sdelay $0x7  }
0xaf: {  	s0 =	sshll.u32 s30, $0x9;
	v6 =	vld [tilespmem:s1+$0x2100]  }
0xb0: {  	s31 =	sand.u32 $0x3FFFFE00, s0  }
0xb1: {  	v8 =	vld [tilespmem:s31+$0x2980];
	_ =	sdelay $0x1  }
0xb2: {  	v9 =	vld [tilespmem:s31+$0x2180]  }
0xb3: {  	v7 =	vperm.xlane v6, v7;
	_ =	sdelay $0x1  }
0xb4: {  	v11 =	vmul.f32 v8, v7;
	s13 =	spop (v2sf)  }
0xb5: {  	s2 =	sshll.u32 s13, $0x9;
	s0 =	sshll.u32 s13, $0x7  }
0xb6: {  	v9 =	vadd.f32 v11, v9;
	s2 =	sand.u32 $0xFFFFF000, s2;
	s0 =	sand.u32 $0x380, s0  }
0xb7: {  	s2 =	sor.u32 s0, s2  }
0xb8: {  	[tilespmem:s2+$0xA180] =	vst.add.f32.msk $0xffff, v9  }
0xb9: {  	[tilespmem:s2+$0xA980] =	vst.add.f32.msk $0xffff, v8  }
0xba: {  	v8 =	vld [tilespmem:s31+$0x2990];
	_ =	sdelay $0x1  }
0xbb: {  	v9 =	vld [tilespmem:s31+$0x2190];
	_ =	sdelay $0x2  }
0xbc: {  	v16 =	vmul.f32 v8, v7;
	_ =	sdelay $0x1  }
0xbd: {  	v9 =	vadd.f32 v16, v9  }
0xbe: {  	[tilespmem:s2+$0xA990] =	vst.add.f32.msk $0xffff, v8  }
0xbf: {  	[tilespmem:s2+$0xA190] =	vst.add.f32.msk $0xffff, v9  }
0xc0: {  	v8 =	vld [tilespmem:s31+$0x29A0];
	_ =	sdelay $0x1  }
0xc1: {  	v9 =	vld [tilespmem:s31+$0x21A0];
	_ =	sdelay $0x2  }
0xc2: {  	v17 =	vmul.f32 v8, v7;
	_ =	sdelay $0x1  }
0xc3: {  	v9 =	vadd.f32 v17, v9  }
0xc4: {  	[tilespmem:s2+$0xA9A0] =	vst.add.f32.msk $0xffff, v8  }
0xc5: {  	[tilespmem:s2+$0xA1A0] =	vst.add.f32.msk $0xffff, v9  }
0xc6: {  	v8 =	vld [tilespmem:s31+$0x29B0];
	_ =	sdelay $0x1  }
0xc7: {  	v9 =	vld [tilespmem:s31+$0x21B0];
	_ =	sdelay $0x2  }
0xc8: {  	v18 =	vmul.f32 v8, v7;
	_ =	sdelay $0x1  }
0xc9: {  	v9 =	vadd.f32 v18, v9  }
0xca: {  	[tilespmem:s2+$0xA9B0] =	vst.add.f32.msk $0xffff, v8  }
0xcb: {  	[tilespmem:s2+$0xA1B0] =	vst.add.f32.msk $0xffff, v9  }
0xcc: {  	v8 =	vld [tilespmem:s31+$0x29C0];
	_ =	sdelay $0x1  }
0xcd: {  	v9 =	vld [tilespmem:s31+$0x21C0];
	_ =	sdelay $0x2  }
0xce: {  	v19 =	vmul.f32 v8, v7;
	_ =	sdelay $0x1  }
0xcf: {  	v9 =	vadd.f32 v19, v9  }
0xd0: {  	[tilespmem:s2+$0xA9C0] =	vst.add.f32.msk $0xffff, v8  }
0xd1: {  	[tilespmem:s2+$0xA1C0] =	vst.add.f32.msk $0xffff, v9  }
0xd2: {  	v8 =	vld [tilespmem:s31+$0x29D0];
	_ =	sdelay $0x1  }
0xd3: {  	v9 =	vld [tilespmem:s31+$0x21D0];
	_ =	sdelay $0x2  }
0xd4: {  	v20 =	vmul.f32 v8, v7;
	_ =	sdelay $0x1  }
0xd5: {  	v9 =	vadd.f32 v20, v9  }
0xd6: {  	[tilespmem:s2+$0xA9D0] =	vst.add.f32.msk $0xffff, v8  }
0xd7: {  	[tilespmem:s2+$0xA1D0] =	vst.add.f32.msk $0xffff, v9  }
0xd8: {  	v8 =	vld [tilespmem:s31+$0x29E0];
	_ =	sdelay $0x1  }
0xd9: {  	v9 =	vld [tilespmem:s31+$0x21E0];
	_ =	sdelay $0x2  }
0xda: {  	v21 =	vmul.f32 v8, v7;
	_ =	sdelay $0x1  }
0xdb: {  	v9 =	vadd.f32 v21, v9  }
0xdc: {  	[tilespmem:s2+$0xA9E0] =	vst.add.f32.msk $0xffff, v8  }
0xdd: {  	[tilespmem:s2+$0xA1E0] =	vst.add.f32.msk $0xffff, v9  }
0xde: {  	v8 =	vld [tilespmem:s31+$0x29F0];
	_ =	sdelay $0x1  }
0xdf: {  	v9 =	vld [tilespmem:s31+$0x21F0];
	_ =	sdelay $0x2  }
0xe0: {  	v22 =	vmul.f32 v8, v7;
	_ =	sdelay $0x1  }
0xe1: {  	v9 =	vadd.f32 v22, v9  }
0xe2: {  	[tilespmem:s2+$0xA9F0] =	vst.add.f32.msk $0xffff, v8  }
0xe3: {  	[tilespmem:s2+$0xA1F0] =	vst.add.f32.msk $0xffff, v9  }
0xe4: {  	v8 =	vld [tilespmem:s31+$0x2D80];
	_ =	sdelay $0x1  }
0xe5: {  	v9 =	vld [tilespmem:s31+$0x2580];
	_ =	sdelay $0x2  }
0xe6: {  	v23 =	vmul.f32 v8, v7;
	_ =	sdelay $0x1  }
0xe7: {  	v9 =	vadd.f32 v23, v9  }
0xe8: {  	[tilespmem:s2+$0xAD80] =	vst.add.f32.msk $0xffff, v8  }
0xe9: {  	[tilespmem:s2+$0xA580] =	vst.add.f32.msk $0xffff, v9  }
0xea: {  	v8 =	vld [tilespmem:s31+$0x2D90];
	_ =	sdelay $0x1  }
0xeb: {  	v9 =	vld [tilespmem:s31+$0x2590];
	_ =	sdelay $0x2  }
0xec: {  	v24 =	vmul.f32 v8, v7;
	_ =	sdelay $0x1  }
0xed: {  	v9 =	vadd.f32 v24, v9  }
0xee: {  	[tilespmem:s2+$0xAD90] =	vst.add.f32.msk $0xffff, v8  }
0xef: {  	[tilespmem:s2+$0xA590] =	vst.add.f32.msk $0xffff, v9  }
0xf0: {  	v9 =	vld [tilespmem:s31+$0x2DA0];
	_ =	sdelay $0x1  }
0xf1: {  	v8 =	vld [tilespmem:s31+$0x25A0];
	_ =	sdelay $0x2  }
0xf2: {  	s5 =	sor.u32 $0x1, s10;
	v25 =	vmul.f32 v9, v7  }
0xf3: {  	v12 =	vmov s5  }
0xf4: {  	v26 =	vperm.xlane v10, v12;
	v8 =	vadd.f32 v25, v8;
	_ =	sdelay $0x1  }
0xf5: {  	v27 =	vxor.u32 $0x80000000, v26;
	[tilespmem:s2+$0xA5A0] =	vst.add.f32.msk $0xffff, v8  }
0xf6: {  	(xrf0) =	vmax.scan.msk.u32 $0xffff, v27;
	_ =	sdelay $0x5  }
0xf7: {  	v8, _, _ =	vpop (xrf0)  }
0xf8: {  	(v2sf) =	vpush v8, $0xF;
	_ =	sdelay $0x9  }
0xf9: {  	v28 =	vld [tilespmem:s31+$0x2A00];
	_ =	sdelay $0x1  }
0xfa: {  	v13 =	vld [tilespmem:s31+$0x2200]  }
0xfb: {  	v8 =	vperm.xlane v6, v12;
	_ =	sdelay $0x1  }
0xfc: {  	v12 =	vmul.f32 v28, v8;
	s12 =	spop (v2sf)  }
0xfd: {  	s5 =	sshll.u32 s12, $0x9;
	s0 =	sshll.u32 s12, $0x7  }
0xfe: {  	v12 =	vadd.f32 v12, v13;
	s5 =	sand.u32 $0xFFFFF000, s5;
	s0 =	sand.u32 $0x380, s0  }
0xff: {  	s12 =	sor.u32 s0, s5  }
0x100: {  	[tilespmem:s12+$0xA180] =	vst.add.f32.msk $0xffff, v12  }
0x101: {  	[tilespmem:s12+$0xA980] =	vst.add.f32.msk $0xffff, v28  }
0x102: {  	v11 =	vld [tilespmem:s31+$0x2A10];
	_ =	sdelay $0x1  }
0x103: {  	v12 =	vld [tilespmem:s31+$0x2210];
	_ =	sdelay $0x2  }
0x104: {  	v29 =	vmul.f32 v11, v8  }
0x105: {  	s13 =	sor.u32 $0x2, s10  }
0x106: {  	v14 =	vmov s13;
	v12 =	vadd.f32 v29, v12  }
0x107: {  	v32 =	vperm.xlane v10, v14;
	[tilespmem:s12+$0xA990] =	vst.add.f32.msk $0xffff, v11  }
0x108: {  	[tilespmem:s12+$0xA190] =	vst.add.f32.msk $0xffff, v12  }
0x109: {  	v33 =	vxor.u32 $0x80000000, v32;
	v11 =	vld [tilespmem:s31+$0x2A20]  }
0x10a: {  	(xrf0) =	vmax.scan.msk.u32 $0xffff, v33  }
0x10b: {  	v12 =	vld [tilespmem:s31+$0x2220];
	_ =	sdelay $0x2  }
0x10c: {  	v30 =	vmul.f32 v11, v8;
	_ =	sdelay $0x1  }
0x10d: {  	v36, _, _ =	vpop (xrf0);
	v12 =	vadd.f32 v30, v12  }
0x10e: {  	(v2sf) =	vpush v36, $0xF;
	[tilespmem:s12+$0xA9A0] =	vst.add.f32.msk $0xffff, v11  }
0x10f: {  	[tilespmem:s12+$0xA1A0] =	vst.add.f32.msk $0xffff, v12  }
0x110: {  	v11 =	vld [tilespmem:s31+$0x2A30];
	_ =	sdelay $0x1  }
0x111: {  	v12 =	vld [tilespmem:s31+$0x2230];
	_ =	sdelay $0x2  }
0x112: {  	v31 =	vmul.f32 v11, v8  }
0x113: {  	[tilespmem:s2+$0xADA0] =	vst.add.f32.msk $0xffff, v9  }
0x114: {  	v41 =	vld [tilespmem:s31+$0x2A80];
	v12 =	vadd.f32 v31, v12  }
0x115: {  	[tilespmem:s12+$0xA9B0] =	vst.add.f32.msk $0xffff, v11  }
0x116: {  	[tilespmem:s12+$0xA1B0] =	vst.add.f32.msk $0xffff, v12  }
0x117: {  	v11 =	vld [tilespmem:s31+$0x2A40]  }
0x118: {  	v15 =	vld [tilespmem:s31+$0x2DB0]  }
0x119: {  	v34 =	vld [tilespmem:s31+$0x2240]  }
0x11a: {  	s5 =	spop (v2sf)  }
0x11b: {  	v37 =	vld [tilespmem:s31+$0x25B0];
	s13 =	sshll.u32 s5, $0x9;
	s0 =	sshll.u32 s5, $0x7  }
0x11c: {  	v42 =	vld [tilespmem:s31+$0x2280];
	s5 =	sand.u32 $0xFFFFF000, s13;
	s0 =	sand.u32 $0x380, s0;
	v35 =	vmul.f32 v11, v8  }
0x11d: {  	[tilespmem:s2+$0xADB0] =	vst.add.f32.msk $0xffff, v15;
	s13 =	sor.u32 $0x3, s10;
	s5 =	sor.u32 s0, s5  }
0x11e: {  	v38 =	vmul.f32 v15, v7;
	v27 =	vmov s13;
	[tilespmem:s5+$0xA980] =	vst.add.f32.msk $0xffff, v41;
	v9 =	vadd.f32 v35, v34  }
0x11f: {  	v10 =	vperm.xlane v10, v27;
	[tilespmem:s12+$0xA9C0] =	vst.add.f32.msk $0xffff, v11  }
0x120: {  	[tilespmem:s12+$0xA1C0] =	vst.add.f32.msk $0xffff, v9;
	v9 =	vadd.f32 v38, v37  }
0x121: {  	v10 =	vxor.u32 $0x80000000, v10;
	v11 =	vld [tilespmem:s31+$0x2A50]  }
0x122: {  	(xrf0) =	vmax.scan.msk.u32 $0xffff, v10;
	[tilespmem:s2+$0xA5B0] =	vst.add.f32.msk $0xffff, v9;
	v9 =	vperm.xlane v6, v14  }
0x123: {  	v39 =	vld [tilespmem:s31+$0x2250]  }
0x124: {  	v16 =	vld [tilespmem:s31+$0x2DC0];
	v43 =	vmul.f32 v41, v9  }
0x125: {  	v44 =	vld [tilespmem:s31+$0x25C0]  }
0x126: {  	v40 =	vmul.f32 v11, v8;
	[tilespmem:s12+$0xA9D0] =	vst.add.f32.msk $0xffff, v11;
	v11 =	vadd.f32 v43, v42  }
0x127: {  	v43 =	vld [tilespmem:s31+$0x2B00]  }
0x128: {  	v35, _, _ =	vpop (xrf0);
	[tilespmem:s5+$0xA180] =	vst.add.f32.msk $0xffff, v11  }
0x129: {  	(v2sf) =	vpush v35, $0xF;
	[tilespmem:s2+$0xADC0] =	vst.add.f32.msk $0xffff, v16  }
0x12a: {  	v12 =	vadd.f32 v40, v39;
	v13 =	vld [tilespmem:s31+$0x2A90]  }
0x12b: {  	v17 =	vmul.f32 v16, v7;
	v47 =	vld [tilespmem:s31+$0x2290]  }
0x12c: {  	[tilespmem:s12+$0xA1D0] =	vst.add.f32.msk $0xffff, v12  }
0x12d: {  	v48 =	vadd.f32 v17, v44;
	v44 =	vld [tilespmem:s31+$0x2300]  }
0x12e: {  	v12 =	vld [tilespmem:s31+$0x2A60]  }
0x12f: {  	v45 =	vld [tilespmem:s31+$0x2260]  }
0x130: {  	[tilespmem:s2+$0xA5C0] =	vst.add.f32.msk $0xffff, v48  }
0x131: {  	v55 =	vld [tilespmem:s31+$0x2DD0];
	v49 =	vmul.f32 v13, v9  }
0x132: {  	v16 =	vld [tilespmem:s31+$0x25D0]  }
0x133: {  	[tilespmem:s5+$0xA990] =	vst.add.f32.msk $0xffff, v13;
	v51 =	vadd.f32 v49, v47  }
0x134: {  	v46 =	vmul.f32 v12, v8;
	[tilespmem:s12+$0xA9E0] =	vst.add.f32.msk $0xffff, v12  }
0x135: {  	[tilespmem:s5+$0xA190] =	vst.add.f32.msk $0xffff, v51  }
0x136: {  	v11 =	vadd.f32 v46, v45;
	[tilespmem:s2+$0xADD0] =	vst.add.f32.msk $0xffff, v55  }
0x137: {  	v13 =	vld [tilespmem:s31+$0x2AA0]  }
0x138: {  	s0 =	spop (v2sf);
	[tilespmem:s12+$0xA1E0] =	vst.add.f32.msk $0xffff, v11  }
0x139: {  	s13 =	sshll.u32 s0, $0x9;
	s0 =	sshll.u32 s0, $0x7;
	v60 =	vmul.f32 v55, v7;
	v50 =	vld [tilespmem:s31+$0x2A70]  }
0x13a: {  	s13 =	sand.u32 $0xFFFFF000, s13;
	s0 =	sand.u32 $0x380, s0;
	v54 =	vld [tilespmem:s31+$0x22A0]  }
0x13b: {  	s0 =	sor.u32 s0, s13;
	v61 =	vadd.f32 v60, v16;
	v52 =	vld [tilespmem:s31+$0x2270]  }
0x13c: {  	[tilespmem:s0+$0xA980] =	vst.add.f32.msk $0xffff, v43  }
0x13d: {  	[tilespmem:s2+$0xA5D0] =	vst.add.f32.msk $0xffff, v61  }
0x13e: {  	v24 =	vld [tilespmem:s31+$0x2DE0];
	v53 =	vmul.f32 v50, v8  }
0x13f: {  	v28 =	vld [tilespmem:s31+$0x25E0]  }
0x140: {  	[tilespmem:s5+$0xA9A0] =	vst.add.f32.msk $0xffff, v13;
	v11 =	vadd.f32 v53, v52  }
0x141: {  	v56 =	vmul.f32 v13, v9;
	[tilespmem:s12+$0xA9F0] =	vst.add.f32.msk $0xffff, v50  }
0x142: {  	[tilespmem:s12+$0xA1F0] =	vst.add.f32.msk $0xffff, v11  }
0x143: {  	v11 =	vadd.f32 v56, v54;
	v14 =	vld [tilespmem:s31+$0x2E00]  }
0x144: {  	v57 =	vld [tilespmem:s31+$0x2600]  }
0x145: {  	v32 =	vmul.f32 v24, v7;
	[tilespmem:s5+$0xA1A0] =	vst.add.f32.msk $0xffff, v11  }
0x146: {  	v13 =	vld [tilespmem:s31+$0x2AB0]  }
0x147: {  	[tilespmem:s2+$0xADE0] =	vst.add.f32.msk $0xffff, v24;
	v33 =	vadd.f32 v32, v28  }
0x148: {  	v59 =	vld [tilespmem:s31+$0x22B0];
	v58 =	vmul.f32 v14, v8  }
0x149: {  	[tilespmem:s2+$0xA5E0] =	vst.add.f32.msk $0xffff, v33  }
0x14a: {  	[tilespmem:s12+$0xAD80] =	vst.add.f32.msk $0xffff, v14;
	v11 =	vadd.f32 v58, v57  }
0x14b: {  	v62 =	vmul.f32 v13, v9;
	[tilespmem:s5+$0xA9B0] =	vst.add.f32.msk $0xffff, v13  }
0x14c: {  	[tilespmem:s12+$0xA580] =	vst.add.f32.msk $0xffff, v11  }
0x14d: {  	v20 =	vadd.f32 v62, v59;
	v63 =	vld [tilespmem:s31+$0x2E10]  }
0x14e: {  	v21 =	vld [tilespmem:s31+$0x2610]  }
0x14f: {  	[tilespmem:s5+$0xA1B0] =	vst.add.f32.msk $0xffff, v20  }
0x150: {  	v13 =	vld [tilespmem:s31+$0x2AC0]  }
0x151: {  	v41 =	vld [tilespmem:s31+$0x2DF0]  }
0x152: {  	v23 =	vld [tilespmem:s31+$0x22C0];
	v22 =	vmul.f32 v63, v8  }
0x153: {  	v18 =	vld [tilespmem:s31+$0x25F0]  }
0x154: {  	[tilespmem:s12+$0xAD90] =	vst.add.f32.msk $0xffff, v63;
	v11 =	vadd.f32 v22, v21  }
0x155: {  	v25 =	vmul.f32 v13, v9;
	[tilespmem:s5+$0xA9C0] =	vst.add.f32.msk $0xffff, v13  }
0x156: {  	[tilespmem:s12+$0xA590] =	vst.add.f32.msk $0xffff, v11  }
0x157: {  	v11 =	vadd.f32 v25, v23;
	v26 =	vld [tilespmem:s31+$0x2E20]  }
0x158: {  	v29 =	vld [tilespmem:s31+$0x2620]  }
0x159: {  	v7 =	vmul.f32 v41, v7;
	[tilespmem:s5+$0xA1C0] =	vst.add.f32.msk $0xffff, v11  }
0x15a: {  	v11 =	vld [tilespmem:s31+$0x2AD0]  }
0x15b: {  	[tilespmem:s2+$0xADF0] =	vst.add.f32.msk $0xffff, v41;
	v7 =	vadd.f32 v7, v18  }
0x15c: {  	v31 =	vld [tilespmem:s31+$0x22D0];
	v30 =	vmul.f32 v26, v8  }
0x15d: {  	[tilespmem:s2+$0xA5F0] =	vst.add.f32.msk $0xffff, v7  }
0x15e: {  	[tilespmem:s12+$0xADA0] =	vst.add.f32.msk $0xffff, v26;
	v10 =	vadd.f32 v30, v29  }
0x15f: {  	v34 =	vmul.f32 v11, v9;
	[tilespmem:s5+$0xA9D0] =	vst.add.f32.msk $0xffff, v11  }
0x160: {  	[tilespmem:s12+$0xA5A0] =	vst.add.f32.msk $0xffff, v10  }
0x161: {  	v37 =	vadd.f32 v34, v31;
	v36 =	vld [tilespmem:s31+$0x2E30]  }
0x162: {  	v38 =	vld [tilespmem:s31+$0x2630]  }
0x163: {  	[tilespmem:s5+$0xA1D0] =	vst.add.f32.msk $0xffff, v37  }
0x164: {  	v11 =	vld [tilespmem:s31+$0x2AE0]  }
0x165: {  	v25 =	vld [tilespmem:s31+$0x2B80]  }
0x166: {  	v40 =	vld [tilespmem:s31+$0x22E0];
	v39 =	vmul.f32 v36, v8  }
0x167: {  	v26 =	vld [tilespmem:s31+$0x2380]  }
0x168: {  	[tilespmem:s12+$0xADB0] =	vst.add.f32.msk $0xffff, v36;
	v10 =	vadd.f32 v39, v38  }
0x169: {  	v42 =	vmul.f32 v11, v9;
	[tilespmem:s5+$0xA9E0] =	vst.add.f32.msk $0xffff, v11  }
0x16a: {  	v6 =	vperm.xlane v6, v27;
	[tilespmem:s12+$0xA5B0] =	vst.add.f32.msk $0xffff, v10  }
0x16b: {  	v10 =	vadd.f32 v42, v40;
	v45 =	vld [tilespmem:s31+$0x2E40]  }
0x16c: {  	v46 =	vmul.f32 v43, v6;
	v47 =	vld [tilespmem:s31+$0x2640]  }
0x16d: {  	[tilespmem:s5+$0xA1E0] =	vst.add.f32.msk $0xffff, v10  }
0x16e: {  	v10 =	vadd.f32 v46, v44;
	v11 =	vld [tilespmem:s31+$0x2AF0]  }
0x16f: {  	v48 =	vld [tilespmem:s31+$0x22F0]  }
0x170: {  	[tilespmem:s0+$0xA180] =	vst.add.f32.msk $0xffff, v10  }
0x171: {  	v51 =	vld [tilespmem:s31+$0x2B10];
	v49 =	vmul.f32 v45, v8  }
0x172: {  	v52 =	vld [tilespmem:s31+$0x2310]  }
0x173: {  	[tilespmem:s12+$0xADC0] =	vst.add.f32.msk $0xffff, v45;
	v10 =	vadd.f32 v49, v47  }
0x174: {  	v50 =	vmul.f32 v11, v9;
	[tilespmem:s5+$0xA9F0] =	vst.add.f32.msk $0xffff, v11  }
0x175: {  	[tilespmem:s12+$0xA5C0] =	vst.add.f32.msk $0xffff, v10  }
0x176: {  	v12 =	vadd.f32 v50, v48;
	[tilespmem:s0+$0xA990] =	vst.add.f32.msk $0xffff, v51  }
0x177: {  	v53 =	vmul.f32 v51, v6;
	v57 =	vld [tilespmem:s31+$0x2E50]  }
0x178: {  	[tilespmem:s5+$0xA1F0] =	vst.add.f32.msk $0xffff, v12  }
0x179: {  	v10 =	vadd.f32 v53, v52;
	v11 =	vld [tilespmem:s31+$0x2E80]  }
0x17a: {  	v12 =	vld [tilespmem:s31+$0x2680]  }
0x17b: {  	[tilespmem:s0+$0xA190] =	vst.add.f32.msk $0xffff, v10  }
0x17c: {  	v55 =	vld [tilespmem:s31+$0x2B20]  }
0x17d: {  	v19 =	vld [tilespmem:s31+$0x2650]  }
0x17e: {  	v56 =	vld [tilespmem:s31+$0x2320];
	v54 =	vmul.f32 v11, v9  }
0x17f: {  	v10 =	vld [tilespmem:s1+$0x2080]  }
0x180: {  	[tilespmem:s5+$0xAD80] =	vst.add.f32.msk $0xffff, v11;
	v12 =	vadd.f32 v54, v12  }
0x181: {  	v58 =	vmul.f32 v55, v6;
	[tilespmem:s0+$0xA9A0] =	vst.add.f32.msk $0xffff, v55  }
0x182: {  	[tilespmem:s5+$0xA580] =	vst.add.f32.msk $0xffff, v12  }
0x183: {  	s13 =	sor.u32 $0x4, s10;
	v11 =	vadd.f32 v58, v56;
	v12 =	vld [tilespmem:s31+$0x2E90]  }
0x184: {  	v59 =	vmov s13;
	v20 =	vld [tilespmem:s31+$0x2690]  }
0x185: {  	v60 =	vperm.xlane v10, v59;
	[tilespmem:s0+$0xA1A0] =	vst.add.f32.msk $0xffff, v11  }
0x186: {  	v14 =	vld [tilespmem:s31+$0x2B30]  }
0x187: {  	[tilespmem:s12+$0xADD0] =	vst.add.f32.msk $0xffff, v57;
	v61 =	vxor.u32 $0x80000000, v60  }
0x188: {  	(xrf0) =	vmax.scan.msk.u32 $0xffff, v61;
	v11 =	vld [tilespmem:s1+$0x2100];
	v62 =	vmul.f32 v12, v9  }
0x189: {  	v63 =	vld [tilespmem:s31+$0x2330]  }
0x18a: {  	[tilespmem:s5+$0xAD90] =	vst.add.f32.msk $0xffff, v12;
	v7 =	vadd.f32 v62, v20  }
0x18b: {  	v18 =	vmul.f32 v57, v8;
	[tilespmem:s0+$0xA9B0] =	vst.add.f32.msk $0xffff, v14  }
0x18c: {  	[tilespmem:s5+$0xA590] =	vst.add.f32.msk $0xffff, v7  }
0x18d: {  	v7 =	vadd.f32 v18, v19;
	v21 =	vld [tilespmem:s31+$0x2EA0]  }
0x18e: {  	v20, _, _ =	vpop (xrf0);
	v19 =	vmul.f32 v14, v6;
	v22 =	vld [tilespmem:s31+$0x26A0]  }
0x18f: {  	(v2sf) =	vpush v20, $0xF;
	[tilespmem:s12+$0xA5D0] =	vst.add.f32.msk $0xffff, v7  }
0x190: {  	v7 =	vadd.f32 v19, v63;
	v32 =	vld [tilespmem:s31+$0x2E60]  }
0x191: {  	v34 =	vld [tilespmem:s31+$0x2660]  }
0x192: {  	[tilespmem:s0+$0xA1B0] =	vst.add.f32.msk $0xffff, v7  }
0x193: {  	v23 =	vld [tilespmem:s31+$0x2B40];
	v7 =	vmul.f32 v21, v9  }
0x194: {  	v24 =	vld [tilespmem:s31+$0x2340]  }
0x195: {  	[tilespmem:s5+$0xADA0] =	vst.add.f32.msk $0xffff, v21;
	v7 =	vadd.f32 v7, v22  }
0x196: {  	[tilespmem:s12+$0xADE0] =	vst.add.f32.msk $0xffff, v32  }
0x197: {  	v47 =	vmul.f32 v32, v8;
	[tilespmem:s5+$0xA5A0] =	vst.add.f32.msk $0xffff, v7  }
0x198: {  	v7 =	vmul.f32 v23, v6;
	[tilespmem:s0+$0xA9C0] =	vst.add.f32.msk $0xffff, v23  }
0x199: {  	v49 =	vadd.f32 v47, v34;
	v27 =	vld [tilespmem:s31+$0x2EB0]  }
0x19a: {  	v29 =	vld [tilespmem:s31+$0x26B0];
	v13 =	vadd.f32 v7, v24  }
0x19b: {  	[tilespmem:s12+$0xA5E0] =	vst.add.f32.msk $0xffff, v49  }
0x19c: {  	v7 =	vperm.xlane v11, v59;
	[tilespmem:s0+$0xA1C0] =	vst.add.f32.msk $0xffff, v13  }
0x19d: {  	v13 =	vld [tilespmem:s31+$0x2B50]  }
0x19e: {  	s2 =	spop (v2sf);
	v28 =	vmul.f32 v25, v7;
	v30 =	vld [tilespmem:s31+$0x2350]  }
0x19f: {  	s13 =	sshll.u32 s2, $0x9;
	s1 =	sshll.u32 s2, $0x7;
	[tilespmem:s5+$0xADB0] =	vst.add.f32.msk $0xffff, v27  }
0x1a0: {  	v12 =	vadd.f32 v28, v26;
	s2 =	sand.u32 $0xFFFFF000, s13;
	s1 =	sand.u32 $0x380, s1;
	v26 =	vld [tilespmem:s31+$0x2E70]  }
0x1a1: {  	v28 =	vld [tilespmem:s31+$0x2670];
	s1 =	sor.u32 s1, s2  }
0x1a2: {  	[tilespmem:s1+$0xA180] =	vst.add.f32.msk $0xffff, v12  }
0x1a3: {  	v35 =	vmul.f32 v27, v9;
	[tilespmem:s1+$0xA980] =	vst.add.f32.msk $0xffff, v25  }
0x1a4: {  	v14 =	vld [tilespmem:s31+$0x2B90]  }
0x1a5: {  	v36 =	vadd.f32 v35, v29;
	v33 =	vld [tilespmem:s31+$0x2390]  }
0x1a6: {  	[tilespmem:s0+$0xA9D0] =	vst.add.f32.msk $0xffff, v13  }
0x1a7: {  	v31 =	vmul.f32 v13, v6;
	[tilespmem:s5+$0xA5B0] =	vst.add.f32.msk $0xffff, v36  }
0x1a8: {  	v43 =	vld [tilespmem:s31+$0x2EC0]  }
0x1a9: {  	v46 =	vld [tilespmem:s31+$0x26C0];
	v12 =	vadd.f32 v31, v30  }
0x1aa: {  	[tilespmem:s12+$0xADF0] =	vst.add.f32.msk $0xffff, v26  }
0x1ab: {  	v8 =	vmul.f32 v26, v8;
	[tilespmem:s0+$0xA1D0] =	vst.add.f32.msk $0xffff, v12  }
0x1ac: {  	[tilespmem:s1+$0xA990] =	vst.add.f32.msk $0xffff, v14  }
0x1ad: {  	v8 =	vadd.f32 v8, v28;
	v37 =	vmul.f32 v14, v7;
	v38 =	vld [tilespmem:s31+$0x2B60]  }
0x1ae: {  	v40 =	vld [tilespmem:s31+$0x2360]  }
0x1af: {  	[tilespmem:s12+$0xA5F0] =	vst.add.f32.msk $0xffff, v8;
	v39 =	vadd.f32 v37, v33  }
0x1b0: {  	[tilespmem:s5+$0xADC0] =	vst.add.f32.msk $0xffff, v43  }
0x1b1: {  	v53 =	vmul.f32 v43, v9;
	[tilespmem:s1+$0xA190] =	vst.add.f32.msk $0xffff, v39  }
0x1b2: {  	v14 =	vld [tilespmem:s31+$0x2BA0]  }
0x1b3: {  	v54 =	vadd.f32 v53, v46;
	v42 =	vld [tilespmem:s31+$0x23A0]  }
0x1b4: {  	v41 =	vmul.f32 v38, v6;
	[tilespmem:s0+$0xA9E0] =	vst.add.f32.msk $0xffff, v38  }
0x1b5: {  	[tilespmem:s5+$0xA5C0] =	vst.add.f32.msk $0xffff, v54  }
0x1b6: {  	v15 =	vld [tilespmem:s31+$0x2ED0];
	v12 =	vadd.f32 v41, v40  }
0x1b7: {  	v63 =	vld [tilespmem:s31+$0x26D0]  }
0x1b8: {  	[tilespmem:s0+$0xA1E0] =	vst.add.f32.msk $0xffff, v12  }
0x1b9: {  	v44 =	vmul.f32 v14, v7;
	[tilespmem:s1+$0xA9A0] =	vst.add.f32.msk $0xffff, v14  }
0x1ba: {  	v45 =	vld [tilespmem:s31+$0x2B70]  }
0x1bb: {  	v48 =	vld [tilespmem:s31+$0x2370];
	v12 =	vadd.f32 v44, v42  }
0x1bc: {  	[tilespmem:s5+$0xADD0] =	vst.add.f32.msk $0xffff, v15  }
0x1bd: {  	v29 =	vmul.f32 v15, v9;
	[tilespmem:s1+$0xA1A0] =	vst.add.f32.msk $0xffff, v12  }
0x1be: {  	v14 =	vld [tilespmem:s31+$0x2BB0]  }
0x1bf: {  	v30 =	vadd.f32 v29, v63;
	v52 =	vld [tilespmem:s31+$0x23B0]  }
0x1c0: {  	v50 =	vmul.f32 v45, v6;
	[tilespmem:s0+$0xA9F0] =	vst.add.f32.msk $0xffff, v45  }
0x1c1: {  	[tilespmem:s5+$0xA5D0] =	vst.add.f32.msk $0xffff, v30  }
0x1c2: {  	v15 =	vld [tilespmem:s31+$0x2EE0];
	v51 =	vadd.f32 v50, v48  }
0x1c3: {  	v40 =	vld [tilespmem:s31+$0x26E0]  }
0x1c4: {  	[tilespmem:s0+$0xA1F0] =	vst.add.f32.msk $0xffff, v51  }
0x1c5: {  	[tilespmem:s1+$0xA9B0] =	vst.add.f32.msk $0xffff, v14  }
0x1c6: {  	s13 =	sor.u32 $0x5, s10;
	v55 =	vmul.f32 v14, v7;
	v56 =	vld [tilespmem:s31+$0x2F00]  }
0x1c7: {  	v39 =	vmov s13;
	v58 =	vld [tilespmem:s31+$0x2700]  }
0x1c8: {  	v41 =	vperm.xlane v10, v39;
	v57 =	vadd.f32 v55, v52;
	[tilespmem:s5+$0xADE0] =	vst.add.f32.msk $0xffff, v15  }
0x1c9: {  	v55 =	vld [tilespmem:s31+$0x2C00]  }
0x1ca: {  	v42 =	vxor.u32 $0x80000000, v41;
	v43 =	vmul.f32 v15, v9;
	[tilespmem:s1+$0xA1B0] =	vst.add.f32.msk $0xffff, v57  }
0x1cb: {  	(xrf0) =	vmax.scan.msk.u32 $0xffff, v42;
	v14 =	vld [tilespmem:s31+$0x2BC0]  }
0x1cc: {  	v45 =	vadd.f32 v43, v40;
	v60 =	vld [tilespmem:s31+$0x23C0];
	v59 =	vmul.f32 v56, v6  }
0x1cd: {  	[tilespmem:s0+$0xAD80] =	vst.add.f32.msk $0xffff, v56  }
0x1ce: {  	[tilespmem:s5+$0xA5E0] =	vst.add.f32.msk $0xffff, v45;
	v12 =	vadd.f32 v59, v58  }
0x1cf: {  	v56 =	vld [tilespmem:s31+$0x2400]  }
0x1d0: {  	[tilespmem:s0+$0xA580] =	vst.add.f32.msk $0xffff, v12  }
0x1d1: {  	v48, _, _ =	vpop (xrf0);
	v61 =	vmul.f32 v14, v7;
	v62 =	vld [tilespmem:s31+$0x2F10]  }
0x1d2: {  	(v2sf) =	vpush v48, $0xF;
	v45 =	vld [tilespmem:s31+$0x2C80]  }
0x1d3: {  	v24 =	vld [tilespmem:s31+$0x2710];
	v12 =	vadd.f32 v61, v60  }
0x1d4: {  	[tilespmem:s1+$0xA9C0] =	vst.add.f32.msk $0xffff, v14  }
0x1d5: {  	[tilespmem:s1+$0xA1C0] =	vst.add.f32.msk $0xffff, v12  }
0x1d6: {  	v14 =	vld [tilespmem:s31+$0x2BD0];
	v25 =	vmul.f32 v62, v6  }
0x1d7: {  	v52 =	vld [tilespmem:s31+$0x2EF0]  }
0x1d8: {  	v27 =	vld [tilespmem:s31+$0x23D0];
	v12 =	vadd.f32 v25, v24  }
0x1d9: {  	[tilespmem:s0+$0xAD90] =	vst.add.f32.msk $0xffff, v62  }
0x1da: {  	[tilespmem:s0+$0xA590] =	vst.add.f32.msk $0xffff, v12  }
0x1db: {  	v31 =	vmul.f32 v14, v7;
	v32 =	vld [tilespmem:s31+$0x2F20]  }
0x1dc: {  	v15 =	vld [tilespmem:s31+$0x26F0]  }
0x1dd: {  	v34 =	vld [tilespmem:s31+$0x2720];
	v33 =	vadd.f32 v31, v27  }
0x1de: {  	[tilespmem:s1+$0xA9D0] =	vst.add.f32.msk $0xffff, v14  }
0x1df: {  	[tilespmem:s1+$0xA1D0] =	vst.add.f32.msk $0xffff, v33  }
0x1e0: {  	v14 =	vld [tilespmem:s31+$0x2BE0];
	v35 =	vmul.f32 v32, v6  }
0x1e1: {  	[tilespmem:s5+$0xADF0] =	vst.add.f32.msk $0xffff, v52;
	s2 =	spop (v2sf)  }
0x1e2: {  	v9 =	vmul.f32 v52, v9;
	s13 =	sshll.u32 s2, $0x9;
	s2 =	sshll.u32 s2, $0x7;
	v36 =	vld [tilespmem:s31+$0x23E0];
	v12 =	vadd.f32 v35, v34  }
0x1e3: {  	s13 =	sand.u32 $0xFFFFF000, s13;
	s2 =	sand.u32 $0x380, s2;
	[tilespmem:s0+$0xADA0] =	vst.add.f32.msk $0xffff, v32  }
0x1e4: {  	v9 =	vadd.f32 v9, v15;
	s2 =	sor.u32 s2, s13;
	s13 =	sor.u32 $0x6, s10;
	[tilespmem:s0+$0xA5A0] =	vst.add.f32.msk $0xffff, v12  }
0x1e5: {  	v27 =	vmov s13;
	v37 =	vmul.f32 v14, v7;
	v38 =	vld [tilespmem:s31+$0x2F30]  }
0x1e6: {  	[tilespmem:s5+$0xA5F0] =	vst.add.f32.msk $0xffff, v9;
	v29 =	vperm.xlane v10, v27  }
0x1e7: {  	v21 =	vld [tilespmem:s31+$0x2730];
	v12 =	vadd.f32 v37, v36  }
0x1e8: {  	v31 =	vxor.u32 $0x80000000, v29;
	[tilespmem:s1+$0xA9E0] =	vst.add.f32.msk $0xffff, v14  }
0x1e9: {  	(xrf0) =	vmax.scan.msk.u32 $0xffff, v31;
	[tilespmem:s1+$0xA1E0] =	vst.add.f32.msk $0xffff, v12  }
0x1ea: {  	v14 =	vld [tilespmem:s31+$0x2BF0];
	v44 =	vmul.f32 v38, v6  }
0x1eb: {  	[tilespmem:s2+$0xA980] =	vst.add.f32.msk $0xffff, v55  }
0x1ec: {  	v46 =	vld [tilespmem:s31+$0x23F0];
	v12 =	vadd.f32 v44, v21  }
0x1ed: {  	[tilespmem:s0+$0xADB0] =	vst.add.f32.msk $0xffff, v38  }
0x1ee: {  	[tilespmem:s0+$0xA5B0] =	vst.add.f32.msk $0xffff, v12  }
0x1ef: {  	v38, _, _ =	vpop (xrf0);
	v47 =	vmul.f32 v14, v7;
	[tilespmem:s1+$0xA9F0] =	vst.add.f32.msk $0xffff, v14  }
0x1f0: {  	(v2sf) =	vpush v38, $0xF;
	v16 =	vld [tilespmem:s31+$0x2F40]  }
0x1f1: {  	v49 =	vld [tilespmem:s31+$0x2740];
	v8 =	vadd.f32 v47, v46  }
0x1f2: {  	v46 =	vld [tilespmem:s31+$0x2480]  }
0x1f3: {  	[tilespmem:s1+$0xA1F0] =	vst.add.f32.msk $0xffff, v8  }
0x1f4: {  	v51 =	vld [tilespmem:s31+$0x2F80]  }
0x1f5: {  	v47 =	vld [tilespmem:s31+$0x2D00];
	v50 =	vmul.f32 v16, v6  }
0x1f6: {  	v53 =	vld [tilespmem:s31+$0x2780]  }
0x1f7: {  	[tilespmem:s0+$0xADC0] =	vst.add.f32.msk $0xffff, v16;
	v8 =	vadd.f32 v50, v49  }
0x1f8: {  	v49 =	vld [tilespmem:s31+$0x2500]  }
0x1f9: {  	[tilespmem:s0+$0xA5C0] =	vst.add.f32.msk $0xffff, v8;
	v54 =	vmul.f32 v51, v7  }
0x1fa: {  	v8 =	vperm.xlane v11, v39;
	[tilespmem:s1+$0xAD80] =	vst.add.f32.msk $0xffff, v51  }
0x1fb: {  	v57 =	vld [tilespmem:s31+$0x2F50];
	v12 =	vadd.f32 v54, v53  }
0x1fc: {  	v59 =	vld [tilespmem:s31+$0x2750];
	v58 =	vmul.f32 v55, v8  }
0x1fd: {  	[tilespmem:s1+$0xA580] =	vst.add.f32.msk $0xffff, v12  }
0x1fe: {  	v12 =	vadd.f32 v58, v56;
	v13 =	vld [tilespmem:s31+$0x2F90]  }
0x1ff: {  	s12 =	spop (v2sf);
	v60 =	vld [tilespmem:s31+$0x2790]  }
0x200: {  	s10 =	sor.u32 $0x7, s10;
	s13 =	sshll.u32 s12, $0x9;
	s5 =	sshll.u32 s12, $0x7;
	[tilespmem:s2+$0xA180] =	vst.add.f32.msk $0xffff, v12  }
0x201: {  	v34 =	vmov s10;
	s10 =	sand.u32 $0xFFFFF000, s13;
	s5 =	sand.u32 $0x380, s5;
	[tilespmem:s0+$0xADD0] =	vst.add.f32.msk $0xffff, v57  }
0x202: {  	s5 =	sor.u32 s5, s10;
	v63 =	vmul.f32 v57, v6;
	v19 =	vld [tilespmem:s31+$0x2C10]  }
0x203: {  	[tilespmem:s5+$0xA980] =	vst.add.f32.msk $0xffff, v45  }
0x204: {  	v62 =	vld [tilespmem:s31+$0x2410];
	v9 =	vadd.f32 v63, v59;
	v61 =	vmul.f32 v13, v7  }
0x205: {  	v10 =	vperm.xlane v10, v34;
	[tilespmem:s1+$0xAD90] =	vst.add.f32.msk $0xffff, v13  }
0x206: {  	[tilespmem:s0+$0xA5D0] =	vst.add.f32.msk $0xffff, v9;
	v12 =	vadd.f32 v61, v60  }
0x207: {  	v36 =	vxor.u32 $0x80000000, v10;
	v16 =	vmul.f32 v19, v8;
	[tilespmem:s2+$0xA990] =	vst.add.f32.msk $0xffff, v19  }
0x208: {  	(xrf0) =	vmax.scan.msk.u32 $0xffff, v36;
	[tilespmem:s1+$0xA590] =	vst.add.f32.msk $0xffff, v12  }
0x209: {  	v17 =	vadd.f32 v16, v62;
	v13 =	vld [tilespmem:s31+$0x2FA0]  }
0x20a: {  	v18 =	vld [tilespmem:s31+$0x27A0]  }
0x20b: {  	[tilespmem:s2+$0xA190] =	vst.add.f32.msk $0xffff, v17  }
0x20c: {  	v22 =	vld [tilespmem:s31+$0x2C20]  }
0x20d: {  	v24 =	vld [tilespmem:s31+$0x2F60]  }
0x20e: {  	v40, _, _ =	vpop (xrf0);
	v23 =	vld [tilespmem:s31+$0x2420];
	v21 =	vmul.f32 v13, v7  }
0x20f: {  	(v2sf) =	vpush v40, $0xF;
	v26 =	vld [tilespmem:s31+$0x2760]  }
0x210: {  	[tilespmem:s1+$0xADA0] =	vst.add.f32.msk $0xffff, v13;
	v9 =	vadd.f32 v21, v18  }
0x211: {  	v25 =	vmul.f32 v22, v8;
	[tilespmem:s2+$0xA9A0] =	vst.add.f32.msk $0xffff, v22  }
0x212: {  	[tilespmem:s1+$0xA5A0] =	vst.add.f32.msk $0xffff, v9  }
0x213: {  	v9 =	vadd.f32 v25, v23;
	v13 =	vld [tilespmem:s31+$0x2FB0]  }
0x214: {  	v28 =	vld [tilespmem:s31+$0x27B0]  }
0x215: {  	v30 =	vmul.f32 v24, v6;
	[tilespmem:s2+$0xA1A0] =	vst.add.f32.msk $0xffff, v9  }
0x216: {  	v33 =	vld [tilespmem:s31+$0x2C30]  }
0x217: {  	[tilespmem:s0+$0xADE0] =	vst.add.f32.msk $0xffff, v24;
	v9 =	vadd.f32 v30, v26  }
0x218: {  	v35 =	vld [tilespmem:s31+$0x2430];
	v32 =	vmul.f32 v13, v7  }
0x219: {  	[tilespmem:s0+$0xA5E0] =	vst.add.f32.msk $0xffff, v9  }
0x21a: {  	[tilespmem:s1+$0xADB0] =	vst.add.f32.msk $0xffff, v13;
	v12 =	vadd.f32 v32, v28  }
0x21b: {  	v37 =	vmul.f32 v33, v8;
	[tilespmem:s2+$0xA9B0] =	vst.add.f32.msk $0xffff, v33  }
0x21c: {  	[tilespmem:s1+$0xA5B0] =	vst.add.f32.msk $0xffff, v12  }
0x21d: {  	v9 =	vadd.f32 v37, v35;
	v13 =	vld [tilespmem:s31+$0x2FC0]  }
0x21e: {  	s12 =	spop (v2sf);
	v39 =	vld [tilespmem:s31+$0x27C0]  }
0x21f: {  	s13 =	sshll.u32 s12, $0x9;
	s10 =	sshll.u32 s12, $0x7;
	[tilespmem:s2+$0xA1B0] =	vst.add.f32.msk $0xffff, v9  }
0x220: {  	s12 =	sand.u32 $0xFFFFF000, s13;
	s10 =	sand.u32 $0x380, s10;
	v9 =	vld [tilespmem:s31+$0x2F70]  }
0x221: {  	s10 =	sor.u32 s10, s12;
	v42 =	vld [tilespmem:s31+$0x2C40]  }
0x222: {  	[tilespmem:s10+$0xA980] =	vst.add.f32.msk $0xffff, v47  }
0x223: {  	v43 =	vld [tilespmem:s31+$0x2440]  }
0x224: {  	v12 =	vld [tilespmem:s31+$0x2770];
	v41 =	vmul.f32 v13, v7  }
0x225: {  	[tilespmem:s1+$0xADC0] =	vst.add.f32.msk $0xffff, v13  }
0x226: {  	[tilespmem:s0+$0xADF0] =	vst.add.f32.msk $0xffff, v9;
	v10 =	vadd.f32 v41, v39;
	v44 =	vmul.f32 v42, v8  }
0x227: {  	[tilespmem:s2+$0xA9C0] =	vst.add.f32.msk $0xffff, v42  }
0x228: {  	[tilespmem:s1+$0xA5C0] =	vst.add.f32.msk $0xffff, v10;
	v10 =	vadd.f32 v44, v43  }
0x229: {  	v6 =	vmul.f32 v9, v6;
	v13 =	vld [tilespmem:s31+$0x2FD0]  }
0x22a: {  	[tilespmem:s2+$0xA1C0] =	vst.add.f32.msk $0xffff, v10;
	v10 =	vperm.xlane v11, v27  }
0x22b: {  	v6 =	vadd.f32 v6, v12;
	v14 =	vld [tilespmem:s31+$0x27D0]  }
0x22c: {  	v50 =	vld [tilespmem:s31+$0x2C50];
	v48 =	vmul.f32 v45, v10  }
0x22d: {  	[tilespmem:s0+$0xA5F0] =	vst.add.f32.msk $0xffff, v6  }
0x22e: {  	v11 =	vperm.xlane v11, v34;
	v52 =	vld [tilespmem:s31+$0x2450];
	v16 =	vadd.f32 v48, v46  }
0x22f: {  	[tilespmem:s1+$0xADD0] =	vst.add.f32.msk $0xffff, v13  }
0x230: {  	v51 =	vmul.f32 v47, v11;
	[tilespmem:s5+$0xA180] =	vst.add.f32.msk $0xffff, v16  }
0x231: {  	[tilespmem:s2+$0xA9D0] =	vst.add.f32.msk $0xffff, v50  }
0x232: {  	v16 =	vadd.f32 v51, v49;
	v17 =	vld [tilespmem:s31+$0x2C90]  }
0x233: {  	v53 =	vmul.f32 v50, v8;
	v54 =	vld [tilespmem:s31+$0x2490]  }
0x234: {  	v51 =	vmul.f32 v13, v7;
	[tilespmem:s10+$0xA180] =	vst.add.f32.msk $0xffff, v16  }
0x235: {  	v19 =	vadd.f32 v53, v52;
	v18 =	vld [tilespmem:s31+$0x2D10]  }
0x236: {  	v14 =	vadd.f32 v51, v14;
	v56 =	vld [tilespmem:s31+$0x2510]  }
0x237: {  	[tilespmem:s2+$0xA1D0] =	vst.add.f32.msk $0xffff, v19  }
0x238: {  	[tilespmem:s1+$0xA5D0] =	vst.add.f32.msk $0xffff, v14  }
0x239: {  	v58 =	vld [tilespmem:s31+$0x2C60];
	v55 =	vmul.f32 v17, v10  }
0x23a: {  	v60 =	vld [tilespmem:s31+$0x2460]  }
0x23b: {  	[tilespmem:s5+$0xA990] =	vst.add.f32.msk $0xffff, v17;
	v57 =	vadd.f32 v55, v54  }
0x23c: {  	[tilespmem:s10+$0xA990] =	vst.add.f32.msk $0xffff, v18  }
0x23d: {  	v59 =	vmul.f32 v18, v11;
	[tilespmem:s5+$0xA190] =	vst.add.f32.msk $0xffff, v57  }
0x23e: {  	[tilespmem:s2+$0xA9E0] =	vst.add.f32.msk $0xffff, v58  }
0x23f: {  	v15 =	vadd.f32 v59, v56;
	v17 =	vld [tilespmem:s31+$0x2CA0]  }
0x240: {  	v61 =	vmul.f32 v58, v8;
	v62 =	vld [tilespmem:s31+$0x24A0]  }
0x241: {  	[tilespmem:s10+$0xA190] =	vst.add.f32.msk $0xffff, v15  }
0x242: {  	v19 =	vadd.f32 v61, v60;
	v18 =	vld [tilespmem:s31+$0x2D20]  }
0x243: {  	v24 =	vld [tilespmem:s31+$0x2520]  }
0x244: {  	[tilespmem:s2+$0xA1E0] =	vst.add.f32.msk $0xffff, v19  }
0x245: {  	v16 =	vld [tilespmem:s31+$0x2C70];
	v63 =	vmul.f32 v17, v10  }
0x246: {  	v26 =	vld [tilespmem:s31+$0x2470]  }
0x247: {  	[tilespmem:s5+$0xA9A0] =	vst.add.f32.msk $0xffff, v17;
	v15 =	vadd.f32 v63, v62  }
0x248: {  	[tilespmem:s10+$0xA9A0] =	vst.add.f32.msk $0xffff, v18  }
0x249: {  	v25 =	vmul.f32 v18, v11;
	[tilespmem:s5+$0xA1A0] =	vst.add.f32.msk $0xffff, v15  }
0x24a: {  	[tilespmem:s2+$0xA9F0] =	vst.add.f32.msk $0xffff, v16  }
0x24b: {  	v15 =	vadd.f32 v25, v24;
	v17 =	vld [tilespmem:s31+$0x2CB0]  }
0x24c: {  	v27 =	vmul.f32 v16, v8;
	v28 =	vld [tilespmem:s31+$0x24B0]  }
0x24d: {  	[tilespmem:s10+$0xA1A0] =	vst.add.f32.msk $0xffff, v15  }
0x24e: {  	v19 =	vadd.f32 v27, v26;
	v27 =	vld [tilespmem:s31+$0x2FE0]  }
0x24f: {  	v18 =	vld [tilespmem:s31+$0x2D30]  }
0x250: {  	v30 =	vld [tilespmem:s31+$0x2530]  }
0x251: {  	[tilespmem:s2+$0xA1F0] =	vst.add.f32.msk $0xffff, v19  }
0x252: {  	v16 =	vld [tilespmem:s31+$0x3000];
	v29 =	vmul.f32 v17, v10  }
0x253: {  	v32 =	vld [tilespmem:s31+$0x2800]  }
0x254: {  	[tilespmem:s5+$0xA9B0] =	vst.add.f32.msk $0xffff, v17;
	v15 =	vadd.f32 v29, v28  }
0x255: {  	[tilespmem:s10+$0xA9B0] =	vst.add.f32.msk $0xffff, v18  }
0x256: {  	v31 =	vmul.f32 v18, v11;
	[tilespmem:s5+$0xA1B0] =	vst.add.f32.msk $0xffff, v15  }
0x257: {  	[tilespmem:s2+$0xAD80] =	vst.add.f32.msk $0xffff, v16  }
0x258: {  	v15 =	vadd.f32 v31, v30;
	v30 =	vld [tilespmem:s31+$0x27E0]  }
0x259: {  	[tilespmem:s1+$0xADE0] =	vst.add.f32.msk $0xffff, v27  }
0x25a: {  	v17 =	vld [tilespmem:s31+$0x2CC0]  }
0x25b: {  	v33 =	vmul.f32 v16, v8;
	v34 =	vld [tilespmem:s31+$0x24C0]  }
0x25c: {  	[tilespmem:s10+$0xA1B0] =	vst.add.f32.msk $0xffff, v15  }
0x25d: {  	v19 =	vadd.f32 v33, v32;
	v18 =	vld [tilespmem:s31+$0x2D40]  }
0x25e: {  	v36 =	vld [tilespmem:s31+$0x2540]  }
0x25f: {  	[tilespmem:s2+$0xA580] =	vst.add.f32.msk $0xffff, v19  }
0x260: {  	v16 =	vld [tilespmem:s31+$0x3010];
	v35 =	vmul.f32 v17, v10  }
0x261: {  	v38 =	vld [tilespmem:s31+$0x2810]  }
0x262: {  	[tilespmem:s5+$0xA9C0] =	vst.add.f32.msk $0xffff, v17;
	v15 =	vadd.f32 v35, v34  }
0x263: {  	[tilespmem:s10+$0xA9C0] =	vst.add.f32.msk $0xffff, v18  }
0x264: {  	v37 =	vmul.f32 v18, v11;
	[tilespmem:s5+$0xA1C0] =	vst.add.f32.msk $0xffff, v15  }
0x265: {  	[tilespmem:s2+$0xAD90] =	vst.add.f32.msk $0xffff, v16  }
0x266: {  	v15 =	vadd.f32 v37, v36;
	v17 =	vld [tilespmem:s31+$0x2CD0]  }
0x267: {  	v39 =	vmul.f32 v16, v8;
	v40 =	vld [tilespmem:s31+$0x24D0]  }
0x268: {  	[tilespmem:s10+$0xA1C0] =	vst.add.f32.msk $0xffff, v15  }
0x269: {  	v19 =	vadd.f32 v39, v38;
	v18 =	vld [tilespmem:s31+$0x2D50]  }
0x26a: {  	v42 =	vld [tilespmem:s31+$0x2550]  }
0x26b: {  	v38 =	vmul.f32 v27, v7;
	[tilespmem:s2+$0xA590] =	vst.add.f32.msk $0xffff, v19  }
0x26c: {  	v16 =	vld [tilespmem:s31+$0x3020]  }
0x26d: {  	v6 =	vadd.f32 v38, v30;
	v44 =	vld [tilespmem:s31+$0x2820]  }
0x26e: {  	v41 =	vmul.f32 v17, v10;
	[tilespmem:s5+$0xA9D0] =	vst.add.f32.msk $0xffff, v17  }
0x26f: {  	[tilespmem:s1+$0xA5E0] =	vst.add.f32.msk $0xffff, v6  }
0x270: {  	v51 =	vld [tilespmem:s31+$0x2FF0];
	v15 =	vadd.f32 v41, v40  }
0x271: {  	[tilespmem:s10+$0xA9D0] =	vst.add.f32.msk $0xffff, v18  }
0x272: {  	v43 =	vmul.f32 v18, v11;
	[tilespmem:s5+$0xA1D0] =	vst.add.f32.msk $0xffff, v15  }
0x273: {  	[tilespmem:s2+$0xADA0] =	vst.add.f32.msk $0xffff, v16  }
0x274: {  	v15 =	vadd.f32 v43, v42;
	v17 =	vld [tilespmem:s31+$0x2CE0]  }
0x275: {  	v45 =	vmul.f32 v16, v8;
	v46 =	vld [tilespmem:s31+$0x24E0]  }
0x276: {  	[tilespmem:s10+$0xA1D0] =	vst.add.f32.msk $0xffff, v15  }
0x277: {  	v19 =	vadd.f32 v45, v44;
	v18 =	vld [tilespmem:s31+$0x2D60]  }
0x278: {  	v48 =	vld [tilespmem:s31+$0x2560]  }
0x279: {  	[tilespmem:s2+$0xA5A0] =	vst.add.f32.msk $0xffff, v19  }
0x27a: {  	v16 =	vld [tilespmem:s31+$0x3030];
	v47 =	vmul.f32 v17, v10  }
0x27b: {  	v50 =	vld [tilespmem:s31+$0x2830]  }
0x27c: {  	[tilespmem:s5+$0xA9E0] =	vst.add.f32.msk $0xffff, v17;
	v15 =	vadd.f32 v47, v46  }
0x27d: {  	[tilespmem:s10+$0xA9E0] =	vst.add.f32.msk $0xffff, v18  }
0x27e: {  	v49 =	vmul.f32 v18, v11;
	[tilespmem:s5+$0xA1E0] =	vst.add.f32.msk $0xffff, v15  }
0x27f: {  	v17 =	vld [tilespmem:s31+$0x2CF0]  }
0x280: {  	v15 =	vadd.f32 v49, v48;
	[tilespmem:s2+$0xADB0] =	vst.add.f32.msk $0xffff, v16  }
0x281: {  	v53 =	vmul.f32 v16, v8;
	v52 =	vld [tilespmem:s31+$0x24F0]  }
0x282: {  	[tilespmem:s10+$0xA1E0] =	vst.add.f32.msk $0xffff, v15  }
0x283: {  	v18 =	vadd.f32 v53, v50;
	v54 =	vld [tilespmem:s31+$0x2D70]  }
0x284: {  	v56 =	vld [tilespmem:s31+$0x2570];
	v55 =	vmul.f32 v17, v10  }
0x285: {  	[tilespmem:s2+$0xA5B0] =	vst.add.f32.msk $0xffff, v18  }
0x286: {  	v18 =	vld [tilespmem:s31+$0x3040];
	v57 =	vadd.f32 v55, v52  }
0x287: {  	[tilespmem:s5+$0xA9F0] =	vst.add.f32.msk $0xffff, v17  }
0x288: {  	v58 =	vmul.f32 v54, v11;
	[tilespmem:s5+$0xA1F0] =	vst.add.f32.msk $0xffff, v57  }
0x289: {  	v59 =	vld [tilespmem:s31+$0x3080]  }
0x28a: {  	[tilespmem:s10+$0xA9F0] =	vst.add.f32.msk $0xffff, v54;
	v13 =	vadd.f32 v58, v56  }
0x28b: {  	v60 =	vld [tilespmem:s31+$0x2880]  }
0x28c: {  	[tilespmem:s10+$0xA1F0] =	vst.add.f32.msk $0xffff, v13  }
0x28d: {  	v13 =	vld [tilespmem:s31+$0x3100]  }
0x28e: {  	v63 =	vld [tilespmem:s31+$0x2840];
	v61 =	vmul.f32 v59, v10  }
0x28f: {  	v62 =	vld [tilespmem:s31+$0x2900]  }
0x290: {  	v55 =	vld [tilespmem:s31+$0x27F0];
	v15 =	vadd.f32 v61, v60  }
0x291: {  	[tilespmem:s5+$0xAD80] =	vst.add.f32.msk $0xffff, v59  }
0x292: {  	v24 =	vmul.f32 v13, v11;
	[tilespmem:s5+$0xA580] =	vst.add.f32.msk $0xffff, v15  }
0x293: {  	v14 =	vld [tilespmem:s31+$0x3090]  }
0x294: {  	[tilespmem:s10+$0xAD80] =	vst.add.f32.msk $0xffff, v13;
	v15 =	vadd.f32 v24, v62  }
0x295: {  	v25 =	vld [tilespmem:s31+$0x2890]  }
0x296: {  	v26 =	vmul.f32 v18, v8;
	[tilespmem:s10+$0xA580] =	vst.add.f32.msk $0xffff, v15  }
0x297: {  	v15 =	vld [tilespmem:s31+$0x3110]  }
0x298: {  	[tilespmem:s2+$0xADC0] =	vst.add.f32.msk $0xffff, v18;
	v13 =	vadd.f32 v26, v63;
	v28 =	vmul.f32 v14, v10  }
0x299: {  	v29 =	vld [tilespmem:s31+$0x2910]  }
0x29a: {  	[tilespmem:s2+$0xA5C0] =	vst.add.f32.msk $0xffff, v13;
	v17 =	vadd.f32 v28, v25  }
0x29b: {  	[tilespmem:s5+$0xAD90] =	vst.add.f32.msk $0xffff, v14  }
0x29c: {  	v31 =	vmul.f32 v15, v11;
	[tilespmem:s5+$0xA590] =	vst.add.f32.msk $0xffff, v17  }
0x29d: {  	v14 =	vld [tilespmem:s31+$0x30A0]  }
0x29e: {  	[tilespmem:s10+$0xAD90] =	vst.add.f32.msk $0xffff, v15;
	v13 =	vadd.f32 v31, v29  }
0x29f: {  	v32 =	vld [tilespmem:s31+$0x28A0]  }
0x2a0: {  	[tilespmem:s10+$0xA590] =	vst.add.f32.msk $0xffff, v13  }
0x2a1: {  	v13 =	vld [tilespmem:s31+$0x3120]  }
0x2a2: {  	v18 =	vld [tilespmem:s31+$0x3050];
	v33 =	vmul.f32 v14, v10  }
0x2a3: {  	v34 =	vld [tilespmem:s31+$0x2920]  }
0x2a4: {  	v35 =	vld [tilespmem:s31+$0x2850];
	v15 =	vadd.f32 v33, v32  }
0x2a5: {  	[tilespmem:s5+$0xADA0] =	vst.add.f32.msk $0xffff, v14  }
0x2a6: {  	v36 =	vmul.f32 v13, v11;
	[tilespmem:s5+$0xA5A0] =	vst.add.f32.msk $0xffff, v15  }
0x2a7: {  	v14 =	vld [tilespmem:s31+$0x30B0]  }
0x2a8: {  	[tilespmem:s10+$0xADA0] =	vst.add.f32.msk $0xffff, v13;
	v15 =	vadd.f32 v36, v34  }
0x2a9: {  	v37 =	vld [tilespmem:s31+$0x28B0]  }
0x2aa: {  	v39 =	vmul.f32 v18, v8;
	[tilespmem:s10+$0xA5A0] =	vst.add.f32.msk $0xffff, v15  }
0x2ab: {  	v15 =	vld [tilespmem:s31+$0x3130]  }
0x2ac: {  	[tilespmem:s2+$0xADD0] =	vst.add.f32.msk $0xffff, v18;
	v13 =	vadd.f32 v39, v35;
	v40 =	vmul.f32 v14, v10  }
0x2ad: {  	v41 =	vld [tilespmem:s31+$0x2930]  }
0x2ae: {  	[tilespmem:s2+$0xA5D0] =	vst.add.f32.msk $0xffff, v13;
	v6 =	vadd.f32 v40, v37  }
0x2af: {  	[tilespmem:s5+$0xADB0] =	vst.add.f32.msk $0xffff, v14  }
0x2b0: {  	[tilespmem:s5+$0xA5B0] =	vst.add.f32.msk $0xffff, v6;
	v6 =	vmul.f32 v15, v11  }
0x2b1: {  	v42 =	vld [tilespmem:s31+$0x30C0]  }
0x2b2: {  	[tilespmem:s10+$0xADB0] =	vst.add.f32.msk $0xffff, v15;
	v6 =	vadd.f32 v6, v41  }
0x2b3: {  	v43 =	vld [tilespmem:s31+$0x28C0]  }
0x2b4: {  	[tilespmem:s10+$0xA5B0] =	vst.add.f32.msk $0xffff, v6  }
0x2b5: {  	v6 =	vld [tilespmem:s31+$0x3140]  }
0x2b6: {  	v45 =	vld [tilespmem:s31+$0x3060];
	v44 =	vmul.f32 v42, v10  }
0x2b7: {  	v15 =	vld [tilespmem:s31+$0x2940]  }
0x2b8: {  	v46 =	vld [tilespmem:s31+$0x2860];
	v13 =	vadd.f32 v44, v43  }
0x2b9: {  	[tilespmem:s5+$0xADC0] =	vst.add.f32.msk $0xffff, v42  }
0x2ba: {  	[tilespmem:s5+$0xA5C0] =	vst.add.f32.msk $0xffff, v13;
	v47 =	vmul.f32 v6, v11  }
0x2bb: {  	v12 =	vld [tilespmem:s31+$0x30D0]  }
0x2bc: {  	[tilespmem:s10+$0xADC0] =	vst.add.f32.msk $0xffff, v6;
	v13 =	vadd.f32 v47, v15  }
0x2bd: {  	v48 =	vld [tilespmem:s31+$0x28D0]  }
0x2be: {  	v6 =	vmul.f32 v45, v8;
	[tilespmem:s10+$0xA5C0] =	vst.add.f32.msk $0xffff, v13  }
0x2bf: {  	v13 =	vld [tilespmem:s31+$0x3150]  }
0x2c0: {  	[tilespmem:s2+$0xADE0] =	vst.add.f32.msk $0xffff, v45;
	v6 =	vadd.f32 v6, v46;
	v49 =	vmul.f32 v12, v10  }
0x2c1: {  	v50 =	vld [tilespmem:s31+$0x2950]  }
0x2c2: {  	[tilespmem:s2+$0xA5E0] =	vst.add.f32.msk $0xffff, v6;
	v15 =	vadd.f32 v49, v48  }
0x2c3: {  	[tilespmem:s5+$0xADD0] =	vst.add.f32.msk $0xffff, v12  }
0x2c4: {  	[tilespmem:s5+$0xA5D0] =	vst.add.f32.msk $0xffff, v15;
	v6 =	vmul.f32 v13, v11  }
0x2c5: {  	v12 =	vld [tilespmem:s31+$0x30E0]  }
0x2c6: {  	[tilespmem:s10+$0xADD0] =	vst.add.f32.msk $0xffff, v13;
	v6 =	vadd.f32 v6, v50  }
0x2c7: {  	v52 =	vld [tilespmem:s31+$0x28E0]  }
0x2c8: {  	[tilespmem:s10+$0xA5D0] =	vst.add.f32.msk $0xffff, v6  }
0x2c9: {  	v6 =	vld [tilespmem:s31+$0x3160]  }
0x2ca: {  	v56 =	vld [tilespmem:s31+$0x3070];
	v53 =	vmul.f32 v12, v10  }
0x2cb: {  	v54 =	vld [tilespmem:s31+$0x2960]  }
0x2cc: {  	v58 =	vld [tilespmem:s31+$0x2870];
	v13 =	vadd.f32 v53, v52  }
0x2cd: {  	[tilespmem:s5+$0xADE0] =	vst.add.f32.msk $0xffff, v12  }
0x2ce: {  	[tilespmem:s5+$0xA5E0] =	vst.add.f32.msk $0xffff, v13;
	v57 =	vmul.f32 v6, v11  }
0x2cf: {  	[tilespmem:s10+$0xADE0] =	vst.add.f32.msk $0xffff, v6  }
0x2d0: {  	v59 =	vld [tilespmem:s31+$0x30F0];
	v13 =	vadd.f32 v57, v54  }
0x2d1: {  	v60 =	vld [tilespmem:s31+$0x28F0]  }
0x2d2: {  	v7 =	vmul.f32 v51, v7;
	[tilespmem:s10+$0xA5E0] =	vst.add.f32.msk $0xffff, v13  }
0x2d3: {  	v6 =	vld [tilespmem:s31+$0x3170]  }
0x2d4: {  	[tilespmem:s1+$0xADF0] =	vst.add.f32.msk $0xffff, v51;
	v7 =	vadd.f32 v7, v55;
	v8 =	vmul.f32 v56, v8  }
0x2d5: {  	v61 =	vld [tilespmem:s31+$0x2970]  }
0x2d6: {  	[tilespmem:s1+$0xA5F0] =	vst.add.f32.msk $0xffff, v7;
	v7 =	vadd.f32 v8, v58;
	v62 =	vmul.f32 v59, v10  }
0x2d7: {  	p1 =	slt.u32 s30, $0x38;
	[tilespmem:s2+$0xADF0] =	vst.add.f32.msk $0xffff, v56  }
.Ltmp11:
0x2d8: {  	[tilespmem:s2+$0xA5F0] =	vst.add.f32.msk $0xffff, v7;
	v7 =	vadd.f32 v62, v60;
	v63 =	vmul.f32 v6, v11;
	(pc) =	sbr.rel @p1 .LBB2_11-.Ltmp11, $4  }
0x2d9: {  	[tilespmem:s5+$0xADF0] =	vst.add.f32.msk $0xffff, v59  }
0x2da: {  	[tilespmem:s5+$0xA5F0] =	vst.add.f32.msk $0xffff, v7;
	v7 =	vadd.f32 v63, v61  }
0x2db: {  	s31 =	sadd.s32 $0x8, s30;
	[tilespmem:s10+$0xADF0] =	vst.add.f32.msk $0xffff, v6  }
0x2dc: {  	s30 =	smov.u32 s31;
	[tilespmem:s10+$0xA5F0] =	vst.add.f32.msk $0xffff, v7  }
0x2dd: {  	v6 =	vld [tilespmem:$0x2040]  }
0x2de: {  	v7 =	vld [tilespmem:$0x20C0]  }
0x2df: {  	v8 =	vld [tilespmem:$0x2140]  }
.Ltmp12:
0x2e0: {  	_ = 	snop;
	(pc) =	sbr.rel .LBB2_13-.Ltmp12, $4  }
0x2e1: {  	_ = 	snop  }
0x2e2: {  	[tilespmem:$0x2000] =	vst v6  }
0x2e3: {  	[tilespmem:$0x2080] =	vst v7  }
0x2e4: {  	s0 =	sadd.s32 $0xFFFFFFC0, s8;
	[tilespmem:$0x2100] =	vst v8  }
.LBB2_15:
0x2e5: {  	v5 =	vadd.s32 s0, v0  }
0x2e6: {  	vm1 =	vlt.s32 v5, $0x50  }
0x2e7: {  	s1 =	sadd.s32 $0x10, s0  }
0x2e8: {  	v6 =	vadd.s32 s1, v0  }
0x2e9: {  	vm2 =	vlt.s32 v6, $0x50  }
0x2ea: {  	s13 =	sadd.s32 $0x20, s0  }
0x2eb: {  	s2 =	simm.s32 $0x2000;
	v7 =	vadd.s32 s13, v0  }
0x2ec: {  	v8 =	vor.u32 $0xA0, v2;
	s3 =	simm.s32 $0x2080;
	vm3 =	vlt.s32 v7, $0x50;
	[tilespmem:v5+s2+$0x0] =	vst.idx.msk vm1, v5  }
0x2ed: {  	s30 =	sadd.s32 $0x30, s0;
	s4 =	simm.s32 $0x2100;
	[tilespmem:v5+s3+$0x0] =	vst.idx.msk vm1, v8  }
0x2ee: {  	[tilespmem:v5+s4+$0x0] =	vst.idx.msk vm1, v1;
	v5 =	vadd.s32 s30, v0  }
0x2ef: {  	[tilespmem:v6+s2+$0x0] =	vst.idx.msk vm2, v6;
	vm1 =	vlt.s32 v5, $0x50  }
0x2f0: {  	s31 =	sadd.s32 $0x40, s0;
	[tilespmem:v6+s3+$0x0] =	vst.idx.msk vm2, v8  }
0x2f1: {  	[tilespmem:v6+s4+$0x0] =	vst.idx.msk vm2, v1;
	v6 =	vadd.s32 s31, v0  }
0x2f2: {  	[tilespmem:v7+s2+$0x0] =	vst.idx.msk vm3, v7;
	vm2 =	vlt.s32 v6, $0x50  }
0x2f3: {  	[tilespmem:v7+s3+$0x0] =	vst.idx.msk vm3, v8  }
0x2f4: {  	[tilespmem:v7+s4+$0x0] =	vst.idx.msk vm3, v1  }
0x2f5: {  	p1 =	slt.s32 s0, $0x1;
	[tilespmem:v5+s2+$0x0] =	vst.idx.msk vm1, v5  }
.Ltmp13:
0x2f6: {  	[tilespmem:v5+s3+$0x0] =	vst.idx.msk vm1, v8;
	(pc) =	sbr.rel @p1 .LBB2_19-.Ltmp13, $4  }
0x2f7: {  	[tilespmem:v5+s4+$0x0] =	vst.idx.msk vm1, v1  }
0x2f8: {  	[tilespmem:v6+s2+$0x0] =	vst.idx.msk vm2, v6  }
0x2f9: {  	[tilespmem:v6+s3+$0x0] =	vst.idx.msk vm2, v8  }
0x2fa: {  	[tilespmem:v6+s4+$0x0] =	vst.idx.msk vm2, v1  }
0x2fb: {  	v5 =	vld [tilespmem:$0x2000];
	_ =	sdelay $0x4  }
0x2fc: {  	v6 =	vshll.u32 v5, $0x2  }
0x2fd: {  	v5 =	vand.u32 $0x7, v5;
	v6 =	vand.u32 $0xFFFFFFE0, v6  }
0x2fe: {  	v5 =	vor.u32 v5, v6  }
0x2ff: {  	v6 =	vperm.xlane v5, v2;
	_ =	sdelay $0x1  }
0x300: {  	v6 =	vadd.s32 v3, v6;
	_ =	sdelay $0x1  }
0x301: {  	v5 =	vperm.xlane v5, v4;
	_ =	sdelay $0x1  }
0x302: {  	s2 =	simm.s32 $0x0;
	s0 =	simm.s32 $0x2180;
	v5 =	vadd.s32 v3, v5  }
0x303: {  	[tilespmem:s0], [sflag:$0x1] =	stream.indirect_vreg.gather [hbm4b:s6+s2], $0x80, v6, vm0, $0xb8;
	[tilespmem:$0x1F180] =	vst v63  }
0x304: {  	_ = 	snop  }
0x305: {  	[tilespmem:s14], [sflag:$0x1] =	stream.indirect_vreg.gather [hbm4b:s9+s2], $0x80, v6, vm0, $0xb8;
	[tilespmem:$0x1F180] =	vst v63  }
0x306: {  	_ = 	snop  }
0x307: {  	[tilespmem:s15], [sflag:$0x1] =	stream.indirect_vreg.gather [hbm4b:s6+s2], $0x80, v5, vm0, $0xb8;
	[tilespmem:$0x1F180] =	vst v63  }
0x308: {  	_ = 	snop  }
0x309: {  	[tilespmem:s16], [sflag:$0x1] =	stream.indirect_vreg.gather [hbm4b:s9+s2], $0x80, v5, vm0, $0xb8;
	[tilespmem:$0x1F180] =	vst v63  }
0x30a: {  	v5 =	vld [tilespmem:$0x2010];
	_ =	sdelay $0x4  }
0x30b: {  	v6 =	vshll.u32 v5, $0x2  }
0x30c: {  	v5 =	vand.u32 $0x7, v5;
	v6 =	vand.u32 $0xFFFFFFE0, v6  }
0x30d: {  	v5 =	vor.u32 v5, v6  }
0x30e: {  	v6 =	vperm.xlane v5, v2;
	_ =	sdelay $0x1  }
0x30f: {  	v6 =	vadd.s32 v3, v6;
	_ =	sdelay $0x1  }
0x310: {  	v5 =	vperm.xlane v5, v4;
	_ =	sdelay $0x1  }
0x311: {  	v5 =	vadd.s32 v3, v5  }
0x312: {  	[tilespmem:s17], [sflag:$0x1] =	stream.indirect_vreg.gather [hbm4b:s6+s2], $0x80, v6, vm0, $0xb8;
	[tilespmem:$0x1F180] =	vst v63  }
0x313: {  	_ = 	snop  }
0x314: {  	[tilespmem:s18], [sflag:$0x1] =	stream.indirect_vreg.gather [hbm4b:s9+s2], $0x80, v6, vm0, $0xb8;
	[tilespmem:$0x1F180] =	vst v63  }
0x315: {  	_ = 	snop  }
0x316: {  	[tilespmem:s19], [sflag:$0x1] =	stream.indirect_vreg.gather [hbm4b:s6+s2], $0x80, v5, vm0, $0xb8;
	[tilespmem:$0x1F180] =	vst v63  }
0x317: {  	_ = 	snop  }
0x318: {  	[tilespmem:s20], [sflag:$0x1] =	stream.indirect_vreg.gather [hbm4b:s9+s2], $0x80, v5, vm0, $0xb8;
	[tilespmem:$0x1F180] =	vst v63  }
0x319: {  	v5 =	vld [tilespmem:$0x2020];
	_ =	sdelay $0x4  }
0x31a: {  	v6 =	vshll.u32 v5, $0x2  }
0x31b: {  	v5 =	vand.u32 $0x7, v5;
	v6 =	vand.u32 $0xFFFFFFE0, v6  }
0x31c: {  	v5 =	vor.u32 v5, v6  }
0x31d: {  	v6 =	vperm.xlane v5, v2;
	_ =	sdelay $0x1  }
0x31e: {  	v6 =	vadd.s32 v3, v6;
	_ =	sdelay $0x1  }
0x31f: {  	v5 =	vperm.xlane v5, v4;
	_ =	sdelay $0x1  }
0x320: {  	v5 =	vadd.s32 v3, v5  }
0x321: {  	[tilespmem:s21], [sflag:$0x1] =	stream.indirect_vreg.gather [hbm4b:s6+s2], $0x80, v6, vm0, $0xb8;
	[tilespmem:$0x1F180] =	vst v63  }
0x322: {  	_ = 	snop  }
0x323: {  	[tilespmem:s22], [sflag:$0x1] =	stream.indirect_vreg.gather [hbm4b:s9+s2], $0x80, v6, vm0, $0xb8;
	[tilespmem:$0x1F180] =	vst v63  }
0x324: {  	_ = 	snop  }
0x325: {  	[tilespmem:s23], [sflag:$0x1] =	stream.indirect_vreg.gather [hbm4b:s6+s2], $0x80, v5, vm0, $0xb8;
	[tilespmem:$0x1F180] =	vst v63  }
0x326: {  	_ = 	snop  }
0x327: {  	[tilespmem:s24], [sflag:$0x1] =	stream.indirect_vreg.gather [hbm4b:s9+s2], $0x80, v5, vm0, $0xb8;
	[tilespmem:$0x1F180] =	vst v63  }
0x328: {  	v5 =	vld [tilespmem:$0x2030];
	_ =	sdelay $0x4  }
0x329: {  	v6 =	vshll.u32 v5, $0x2  }
0x32a: {  	v5 =	vand.u32 $0x7, v5;
	v6 =	vand.u32 $0xFFFFFFE0, v6  }
0x32b: {  	v5 =	vor.u32 v5, v6  }
0x32c: {  	v6 =	vperm.xlane v5, v2;
	_ =	sdelay $0x1  }
0x32d: {  	v6 =	vadd.s32 v3, v6;
	_ =	sdelay $0x1  }
0x32e: {  	v5 =	vperm.xlane v5, v4;
	_ =	sdelay $0x1  }
0x32f: {  	v5 =	vadd.s32 v3, v5  }
0x330: {  	[tilespmem:s25], [sflag:$0x1] =	stream.indirect_vreg.gather [hbm4b:s6+s2], $0x80, v6, vm0, $0xb8;
	[tilespmem:$0x1F180] =	vst v63  }
0x331: {  	_ = 	snop  }
0x332: {  	[tilespmem:s26], [sflag:$0x1] =	stream.indirect_vreg.gather [hbm4b:s9+s2], $0x80, v6, vm0, $0xb8;
	[tilespmem:$0x1F180] =	vst v63  }
0x333: {  	_ = 	snop  }
0x334: {  	[tilespmem:s28], [sflag:$0x1] =	stream.indirect_vreg.gather [hbm4b:s6+s2], $0x80, v5, vm0, $0xb8;
	[tilespmem:$0x1F180] =	vst v63  }
0x335: {  	_ = 	snop  }
0x336: {  	[tilespmem:s29], [sflag:$0x1] =	stream.indirect_vreg.gather [hbm4b:s9+s2], $0x80, v5, vm0, $0xb8;
	[tilespmem:$0x1F180] =	vst v63  }
0x337: {  	_ =	swait.ge [sflag:s11], $0x8000  }
0x338: {  	[sflag:s11] =	ssyncset.done $0x0  }
0x339: {  	[sflag:s11] =	ssyncadd.s32 $0xFFFF8000  }
.LBB2_17:
0x33a: {  	s1 =	sand.u32 $0x30, s2  }
0x33b: {  	v9 =	vld [tilespmem:s1+$0x2080];
	_ =	sdelay $0x2  }
0x33c: {  	s4 =	sand.u32 $0x8, s2  }
0x33d: {  	v6 =	vmov s4  }
0x33e: {  	v5 =	vperm.xlane v9, v6;
	_ =	sdelay $0x1  }
0x33f: {  	v5 =	vxor.u32 $0x80000000, v5  }
0x340: {  	(xrf0) =	vmax.scan.msk.u32 $0xffff, v5;
	_ =	sdelay $0x5  }
0x341: {  	v5, _, _ =	vpop (xrf0)  }
0x342: {  	(v2sf) =	vpush v5, $0xF;
	_ =	sdelay $0x7  }
0x343: {  	s0 =	sshll.u32 s2, $0x9;
	v5 =	vld [tilespmem:s1+$0x2100]  }
0x344: {  	s3 =	sand.u32 $0x3FFFFE00, s0  }
0x345: {  	v7 =	vld [tilespmem:s3+$0x2980];
	_ =	sdelay $0x1  }
0x346: {  	v8 =	vld [tilespmem:s3+$0x2180]  }
0x347: {  	v6 =	vperm.xlane v5, v6;
	_ =	sdelay $0x1  }
0x348: {  	v10 =	vmul.f32 v7, v6;
	s12 =	spop (v2sf)  }
0x349: {  	s5 =	sshll.u32 s12, $0x9;
	s0 =	sshll.u32 s12, $0x7  }
0x34a: {  	v8 =	vadd.f32 v10, v8;
	s5 =	sand.u32 $0xFFFFF000, s5;
	s0 =	sand.u32 $0x380, s0  }
0x34b: {  	s8 =	sor.u32 s0, s5  }
0x34c: {  	[tilespmem:s8+$0xA180] =	vst.add.f32.msk $0xffff, v8  }
0x34d: {  	[tilespmem:s8+$0xA980] =	vst.add.f32.msk $0xffff, v7  }
0x34e: {  	v7 =	vld [tilespmem:s3+$0x2990];
	_ =	sdelay $0x1  }
0x34f: {  	v8 =	vld [tilespmem:s3+$0x2190];
	_ =	sdelay $0x2  }
0x350: {  	v33 =	vmul.f32 v7, v6;
	_ =	sdelay $0x1  }
0x351: {  	v8 =	vadd.f32 v33, v8  }
0x352: {  	[tilespmem:s8+$0xA990] =	vst.add.f32.msk $0xffff, v7  }
0x353: {  	[tilespmem:s8+$0xA190] =	vst.add.f32.msk $0xffff, v8  }
0x354: {  	v7 =	vld [tilespmem:s3+$0x29A0];
	_ =	sdelay $0x1  }
0x355: {  	v8 =	vld [tilespmem:s3+$0x21A0];
	_ =	sdelay $0x2  }
0x356: {  	v34 =	vmul.f32 v7, v6;
	_ =	sdelay $0x1  }
0x357: {  	v8 =	vadd.f32 v34, v8  }
0x358: {  	[tilespmem:s8+$0xA9A0] =	vst.add.f32.msk $0xffff, v7  }
0x359: {  	[tilespmem:s8+$0xA1A0] =	vst.add.f32.msk $0xffff, v8  }
0x35a: {  	v7 =	vld [tilespmem:s3+$0x29B0];
	_ =	sdelay $0x1  }
0x35b: {  	v8 =	vld [tilespmem:s3+$0x21B0];
	_ =	sdelay $0x2  }
0x35c: {  	v35 =	vmul.f32 v7, v6;
	_ =	sdelay $0x1  }
0x35d: {  	v8 =	vadd.f32 v35, v8  }
0x35e: {  	[tilespmem:s8+$0xA9B0] =	vst.add.f32.msk $0xffff, v7  }
0x35f: {  	[tilespmem:s8+$0xA1B0] =	vst.add.f32.msk $0xffff, v8  }
0x360: {  	v7 =	vld [tilespmem:s3+$0x29C0];
	_ =	sdelay $0x1  }
0x361: {  	v8 =	vld [tilespmem:s3+$0x21C0];
	_ =	sdelay $0x2  }
0x362: {  	v36 =	vmul.f32 v7, v6;
	_ =	sdelay $0x1  }
0x363: {  	v8 =	vadd.f32 v36, v8  }
0x364: {  	[tilespmem:s8+$0xA9C0] =	vst.add.f32.msk $0xffff, v7  }
0x365: {  	[tilespmem:s8+$0xA1C0] =	vst.add.f32.msk $0xffff, v8  }
0x366: {  	v7 =	vld [tilespmem:s3+$0x29D0];
	_ =	sdelay $0x1  }
0x367: {  	v8 =	vld [tilespmem:s3+$0x21D0];
	_ =	sdelay $0x2  }
0x368: {  	v37 =	vmul.f32 v7, v6;
	_ =	sdelay $0x1  }
0x369: {  	v8 =	vadd.f32 v37, v8  }
0x36a: {  	[tilespmem:s8+$0xA9D0] =	vst.add.f32.msk $0xffff, v7  }
0x36b: {  	[tilespmem:s8+$0xA1D0] =	vst.add.f32.msk $0xffff, v8  }
0x36c: {  	v7 =	vld [tilespmem:s3+$0x29E0];
	_ =	sdelay $0x1  }
0x36d: {  	v8 =	vld [tilespmem:s3+$0x21E0];
	_ =	sdelay $0x2  }
0x36e: {  	v38 =	vmul.f32 v7, v6;
	_ =	sdelay $0x1  }
0x36f: {  	v8 =	vadd.f32 v38, v8  }
0x370: {  	[tilespmem:s8+$0xA9E0] =	vst.add.f32.msk $0xffff, v7  }
0x371: {  	[tilespmem:s8+$0xA1E0] =	vst.add.f32.msk $0xffff, v8  }
0x372: {  	v7 =	vld [tilespmem:s3+$0x29F0];
	_ =	sdelay $0x1  }
0x373: {  	v8 =	vld [tilespmem:s3+$0x21F0];
	_ =	sdelay $0x2  }
0x374: {  	v39 =	vmul.f32 v7, v6;
	_ =	sdelay $0x1  }
0x375: {  	v8 =	vadd.f32 v39, v8  }
0x376: {  	[tilespmem:s8+$0xA9F0] =	vst.add.f32.msk $0xffff, v7  }
0x377: {  	[tilespmem:s8+$0xA1F0] =	vst.add.f32.msk $0xffff, v8  }
0x378: {  	v7 =	vld [tilespmem:s3+$0x2D80];
	_ =	sdelay $0x1  }
0x379: {  	v8 =	vld [tilespmem:s3+$0x2580];
	_ =	sdelay $0x2  }
0x37a: {  	v40 =	vmul.f32 v7, v6;
	_ =	sdelay $0x1  }
0x37b: {  	v8 =	vadd.f32 v40, v8  }
0x37c: {  	[tilespmem:s8+$0xAD80] =	vst.add.f32.msk $0xffff, v7  }
0x37d: {  	[tilespmem:s8+$0xA580] =	vst.add.f32.msk $0xffff, v8  }
0x37e: {  	v7 =	vld [tilespmem:s3+$0x2D90];
	_ =	sdelay $0x1  }
0x37f: {  	v8 =	vld [tilespmem:s3+$0x2590];
	_ =	sdelay $0x2  }
0x380: {  	v41 =	vmul.f32 v7, v6;
	_ =	sdelay $0x1  }
0x381: {  	v8 =	vadd.f32 v41, v8  }
0x382: {  	[tilespmem:s8+$0xAD90] =	vst.add.f32.msk $0xffff, v7  }
0x383: {  	[tilespmem:s8+$0xA590] =	vst.add.f32.msk $0xffff, v8  }
0x384: {  	v8 =	vld [tilespmem:s3+$0x2DA0];
	_ =	sdelay $0x1  }
0x385: {  	v7 =	vld [tilespmem:s3+$0x25A0];
	_ =	sdelay $0x2  }
0x386: {  	s13 =	sor.u32 $0x1, s4;
	v42 =	vmul.f32 v8, v6  }
0x387: {  	v11 =	vmov s13  }
0x388: {  	v43 =	vperm.xlane v9, v11;
	v7 =	vadd.f32 v42, v7;
	_ =	sdelay $0x1  }
0x389: {  	[tilespmem:s8+$0xA5A0] =	vst.add.f32.msk $0xffff, v7;
	v7 =	vxor.u32 $0x80000000, v43  }
0x38a: {  	(xrf0) =	vmax.scan.msk.u32 $0xffff, v7;
	_ =	sdelay $0x5  }
0x38b: {  	v7, _, _ =	vpop (xrf0)  }
0x38c: {  	(v2sf) =	vpush v7, $0xF;
	_ =	sdelay $0x9  }
0x38d: {  	v44 =	vld [tilespmem:s3+$0x2A00];
	_ =	sdelay $0x1  }
0x38e: {  	v12 =	vld [tilespmem:s3+$0x2200]  }
0x38f: {  	v7 =	vperm.xlane v5, v11;
	_ =	sdelay $0x1  }
0x390: {  	v11 =	vmul.f32 v44, v7;
	s30 =	spop (v2sf)  }
0x391: {  	s31 =	sshll.u32 s30, $0x9;
	s0 =	sshll.u32 s30, $0x7  }
0x392: {  	v11 =	vadd.f32 v11, v12;
	s5 =	sand.u32 $0xFFFFF000, s31;
	s0 =	sand.u32 $0x380, s0  }
0x393: {  	s7 =	sor.u32 s0, s5  }
0x394: {  	[tilespmem:s7+$0xA180] =	vst.add.f32.msk $0xffff, v11  }
0x395: {  	[tilespmem:s7+$0xA980] =	vst.add.f32.msk $0xffff, v44  }
0x396: {  	v10 =	vld [tilespmem:s3+$0x2A10];
	_ =	sdelay $0x1  }
0x397: {  	v11 =	vld [tilespmem:s3+$0x2210];
	_ =	sdelay $0x2  }
0x398: {  	v45 =	vmul.f32 v10, v7  }
0x399: {  	s5 =	sor.u32 $0x2, s4  }
0x39a: {  	v13 =	vmov s5;
	v11 =	vadd.f32 v45, v11  }
0x39b: {  	v48 =	vperm.xlane v9, v13;
	[tilespmem:s7+$0xA990] =	vst.add.f32.msk $0xffff, v10  }
0x39c: {  	[tilespmem:s7+$0xA190] =	vst.add.f32.msk $0xffff, v11  }
0x39d: {  	v49 =	vxor.u32 $0x80000000, v48;
	v10 =	vld [tilespmem:s3+$0x2A20]  }
0x39e: {  	(xrf0) =	vmax.scan.msk.u32 $0xffff, v49  }
0x39f: {  	v11 =	vld [tilespmem:s3+$0x2220];
	_ =	sdelay $0x2  }
0x3a0: {  	v46 =	vmul.f32 v10, v7;
	_ =	sdelay $0x1  }
0x3a1: {  	v52, _, _ =	vpop (xrf0);
	v11 =	vadd.f32 v46, v11  }
0x3a2: {  	(v2sf) =	vpush v52, $0xF;
	[tilespmem:s7+$0xA9A0] =	vst.add.f32.msk $0xffff, v10  }
0x3a3: {  	[tilespmem:s7+$0xA1A0] =	vst.add.f32.msk $0xffff, v11  }
0x3a4: {  	v10 =	vld [tilespmem:s3+$0x2A30];
	_ =	sdelay $0x1  }
0x3a5: {  	v11 =	vld [tilespmem:s3+$0x2230];
	_ =	sdelay $0x2  }
0x3a6: {  	v47 =	vmul.f32 v10, v7  }
0x3a7: {  	[tilespmem:s8+$0xADA0] =	vst.add.f32.msk $0xffff, v8  }
0x3a8: {  	v57 =	vld [tilespmem:s3+$0x2A80];
	v11 =	vadd.f32 v47, v11  }
0x3a9: {  	s13 =	sor.u32 $0x3, s4;
	[tilespmem:s7+$0xA9B0] =	vst.add.f32.msk $0xffff, v10  }
0x3aa: {  	v40 =	vmov s13;
	[tilespmem:s7+$0xA1B0] =	vst.add.f32.msk $0xffff, v11  }
0x3ab: {  	v9 =	vperm.xlane v9, v40;
	v10 =	vld [tilespmem:s3+$0x2A40]  }
0x3ac: {  	v14 =	vld [tilespmem:s3+$0x2DB0]  }
0x3ad: {  	v9 =	vxor.u32 $0x80000000, v9;
	v50 =	vld [tilespmem:s3+$0x2240]  }
0x3ae: {  	(xrf0) =	vmax.scan.msk.u32 $0xffff, v9;
	s10 =	spop (v2sf)  }
0x3af: {  	v58 =	vld [tilespmem:s3+$0x2280];
	s12 =	sshll.u32 s10, $0x9;
	s0 =	sshll.u32 s10, $0x7  }
0x3b0: {  	v53 =	vld [tilespmem:s3+$0x25B0];
	s5 =	sand.u32 $0xFFFFF000, s12;
	s0 =	sand.u32 $0x380, s0;
	v51 =	vmul.f32 v10, v7  }
0x3b1: {  	[tilespmem:s8+$0xADB0] =	vst.add.f32.msk $0xffff, v14;
	s5 =	sor.u32 s0, s5  }
0x3b2: {  	[tilespmem:s5+$0xA980] =	vst.add.f32.msk $0xffff, v57;
	v8 =	vadd.f32 v51, v50  }
0x3b3: {  	v54 =	vmul.f32 v14, v6;
	[tilespmem:s7+$0xA9C0] =	vst.add.f32.msk $0xffff, v10  }
0x3b4: {  	v48, _, _ =	vpop (xrf0);
	[tilespmem:s7+$0xA1C0] =	vst.add.f32.msk $0xffff, v8  }
0x3b5: {  	(v2sf) =	vpush v48, $0xF;
	v8 =	vadd.f32 v54, v53;
	v10 =	vld [tilespmem:s3+$0x2A50]  }
0x3b6: {  	v55 =	vld [tilespmem:s3+$0x2250]  }
0x3b7: {  	[tilespmem:s8+$0xA5B0] =	vst.add.f32.msk $0xffff, v8;
	v8 =	vperm.xlane v5, v13  }
0x3b8: {  	v5 =	vperm.xlane v5, v40;
	v40 =	vld [tilespmem:s3+$0x2B80]  }
0x3b9: {  	v15 =	vld [tilespmem:s3+$0x2DC0];
	v59 =	vmul.f32 v57, v8  }
0x3ba: {  	v60 =	vld [tilespmem:s3+$0x25C0]  }
0x3bb: {  	v56 =	vmul.f32 v10, v7;
	[tilespmem:s7+$0xA9D0] =	vst.add.f32.msk $0xffff, v10;
	v10 =	vadd.f32 v59, v58  }
0x3bc: {  	v57 =	vld [tilespmem:s3+$0x2300]  }
0x3bd: {  	[tilespmem:s5+$0xA180] =	vst.add.f32.msk $0xffff, v10  }
0x3be: {  	[tilespmem:s8+$0xADC0] =	vst.add.f32.msk $0xffff, v15  }
0x3bf: {  	v11 =	vadd.f32 v56, v55;
	v56 =	vld [tilespmem:s3+$0x2B00]  }
0x3c0: {  	v12 =	vld [tilespmem:s3+$0x2A90]  }
0x3c1: {  	v16 =	vmul.f32 v15, v6;
	v63 =	vld [tilespmem:s3+$0x2290]  }
0x3c2: {  	[tilespmem:s7+$0xA1D0] =	vst.add.f32.msk $0xffff, v11  }
0x3c3: {  	v17 =	vadd.f32 v16, v60;
	v11 =	vld [tilespmem:s3+$0x2A60]  }
0x3c4: {  	s30 =	spop (v2sf);
	v61 =	vld [tilespmem:s3+$0x2260]  }
0x3c5: {  	s10 =	sshll.u32 s30, $0x9;
	s0 =	sshll.u32 s30, $0x7;
	[tilespmem:s8+$0xA5C0] =	vst.add.f32.msk $0xffff, v17  }
0x3c6: {  	s10 =	sand.u32 $0xFFFFF000, s10;
	s0 =	sand.u32 $0x380, s0;
	v24 =	vld [tilespmem:s3+$0x2DD0]  }
0x3c7: {  	s0 =	sor.u32 s0, s10;
	v15 =	vld [tilespmem:s3+$0x25D0];
	v18 =	vmul.f32 v12, v8  }
0x3c8: {  	[tilespmem:s0+$0xA980] =	vst.add.f32.msk $0xffff, v56;
	v62 =	vmul.f32 v11, v7  }
0x3c9: {  	[tilespmem:s5+$0xA990] =	vst.add.f32.msk $0xffff, v12;
	v20 =	vadd.f32 v18, v63  }
0x3ca: {  	[tilespmem:s7+$0xA9E0] =	vst.add.f32.msk $0xffff, v11;
	v10 =	vadd.f32 v62, v61  }
0x3cb: {  	[tilespmem:s5+$0xA190] =	vst.add.f32.msk $0xffff, v20  }
0x3cc: {  	[tilespmem:s7+$0xA1E0] =	vst.add.f32.msk $0xffff, v10  }
0x3cd: {  	v19 =	vld [tilespmem:s3+$0x2A70]  }
0x3ce: {  	v29 =	vmul.f32 v24, v6;
	v12 =	vld [tilespmem:s3+$0x2AA0]  }
0x3cf: {  	v21 =	vld [tilespmem:s3+$0x2270]  }
0x3d0: {  	[tilespmem:s8+$0xADD0] =	vst.add.f32.msk $0xffff, v24;
	v30 =	vadd.f32 v29, v15  }
0x3d1: {  	v23 =	vld [tilespmem:s3+$0x22A0]  }
0x3d2: {  	[tilespmem:s8+$0xA5D0] =	vst.add.f32.msk $0xffff, v30;
	v22 =	vmul.f32 v19, v7  }
0x3d3: {  	v37 =	vld [tilespmem:s3+$0x2DE0]  }
0x3d4: {  	[tilespmem:s5+$0xA9A0] =	vst.add.f32.msk $0xffff, v12;
	v10 =	vadd.f32 v22, v21  }
0x3d5: {  	v25 =	vmul.f32 v12, v8;
	[tilespmem:s7+$0xA9F0] =	vst.add.f32.msk $0xffff, v19  }
0x3d6: {  	[tilespmem:s7+$0xA1F0] =	vst.add.f32.msk $0xffff, v10  }
0x3d7: {  	v10 =	vadd.f32 v25, v23;
	v13 =	vld [tilespmem:s3+$0x2E00]  }
0x3d8: {  	v26 =	vld [tilespmem:s3+$0x2600]  }
0x3d9: {  	[tilespmem:s5+$0xA1A0] =	vst.add.f32.msk $0xffff, v10  }
0x3da: {  	v12 =	vld [tilespmem:s3+$0x2AB0]  }
0x3db: {  	v41 =	vld [tilespmem:s3+$0x25E0]  }
0x3dc: {  	v28 =	vld [tilespmem:s3+$0x22B0];
	v27 =	vmul.f32 v13, v7  }
0x3dd: {  	[tilespmem:s8+$0xADE0] =	vst.add.f32.msk $0xffff, v37  }
0x3de: {  	[tilespmem:s7+$0xAD80] =	vst.add.f32.msk $0xffff, v13;
	v10 =	vadd.f32 v27, v26  }
0x3df: {  	v31 =	vmul.f32 v12, v8;
	[tilespmem:s5+$0xA9B0] =	vst.add.f32.msk $0xffff, v12  }
0x3e0: {  	[tilespmem:s7+$0xA580] =	vst.add.f32.msk $0xffff, v10  }
0x3e1: {  	v33 =	vadd.f32 v31, v28;
	v32 =	vld [tilespmem:s3+$0x2E10]  }
0x3e2: {  	v34 =	vld [tilespmem:s3+$0x2610]  }
0x3e3: {  	v45 =	vmul.f32 v37, v6;
	[tilespmem:s5+$0xA1B0] =	vst.add.f32.msk $0xffff, v33  }
0x3e4: {  	v12 =	vld [tilespmem:s3+$0x2AC0]  }
0x3e5: {  	v46 =	vadd.f32 v45, v41;
	v41 =	vld [tilespmem:s3+$0x2380]  }
0x3e6: {  	v36 =	vld [tilespmem:s3+$0x22C0];
	v35 =	vmul.f32 v32, v7  }
0x3e7: {  	[tilespmem:s8+$0xA5E0] =	vst.add.f32.msk $0xffff, v46  }
0x3e8: {  	[tilespmem:s7+$0xAD90] =	vst.add.f32.msk $0xffff, v32;
	v10 =	vadd.f32 v35, v34  }
0x3e9: {  	v38 =	vmul.f32 v12, v8;
	[tilespmem:s5+$0xA9C0] =	vst.add.f32.msk $0xffff, v12  }
0x3ea: {  	[tilespmem:s7+$0xA590] =	vst.add.f32.msk $0xffff, v10  }
0x3eb: {  	v10 =	vadd.f32 v38, v36;
	v39 =	vld [tilespmem:s3+$0x2E20]  }
0x3ec: {  	v42 =	vld [tilespmem:s3+$0x2620]  }
0x3ed: {  	[tilespmem:s5+$0xA1C0] =	vst.add.f32.msk $0xffff, v10  }
0x3ee: {  	v10 =	vld [tilespmem:s3+$0x2AD0]  }
0x3ef: {  	v54 =	vld [tilespmem:s3+$0x2DF0]  }
0x3f0: {  	v44 =	vld [tilespmem:s3+$0x22D0];
	v43 =	vmul.f32 v39, v7  }
0x3f1: {  	v17 =	vld [tilespmem:s3+$0x25F0]  }
0x3f2: {  	[tilespmem:s7+$0xADA0] =	vst.add.f32.msk $0xffff, v39;
	v9 =	vadd.f32 v43, v42  }
0x3f3: {  	v47 =	vmul.f32 v10, v8;
	[tilespmem:s5+$0xA9D0] =	vst.add.f32.msk $0xffff, v10  }
0x3f4: {  	[tilespmem:s7+$0xA5A0] =	vst.add.f32.msk $0xffff, v9  }
0x3f5: {  	v50 =	vadd.f32 v47, v44;
	v49 =	vld [tilespmem:s3+$0x2E30]  }
0x3f6: {  	v51 =	vld [tilespmem:s3+$0x2630]  }
0x3f7: {  	v6 =	vmul.f32 v54, v6;
	[tilespmem:s5+$0xA1D0] =	vst.add.f32.msk $0xffff, v50  }
0x3f8: {  	v10 =	vld [tilespmem:s3+$0x2AE0]  }
0x3f9: {  	[tilespmem:s8+$0xADF0] =	vst.add.f32.msk $0xffff, v54;
	v6 =	vadd.f32 v6, v17  }
0x3fa: {  	v53 =	vld [tilespmem:s3+$0x22E0];
	v52 =	vmul.f32 v49, v7  }
0x3fb: {  	[tilespmem:s8+$0xA5F0] =	vst.add.f32.msk $0xffff, v6  }
0x3fc: {  	[tilespmem:s7+$0xADB0] =	vst.add.f32.msk $0xffff, v49;
	v9 =	vadd.f32 v52, v51  }
0x3fd: {  	v55 =	vmul.f32 v10, v8;
	[tilespmem:s5+$0xA9E0] =	vst.add.f32.msk $0xffff, v10  }
0x3fe: {  	[tilespmem:s7+$0xA5B0] =	vst.add.f32.msk $0xffff, v9  }
0x3ff: {  	v9 =	vadd.f32 v55, v53;
	v58 =	vld [tilespmem:s3+$0x2E40]  }
0x400: {  	v59 =	vmul.f32 v56, v5;
	v60 =	vld [tilespmem:s3+$0x2640]  }
0x401: {  	[tilespmem:s5+$0xA1E0] =	vst.add.f32.msk $0xffff, v9  }
0x402: {  	v9 =	vadd.f32 v59, v57;
	v10 =	vld [tilespmem:s3+$0x2AF0]  }
0x403: {  	v61 =	vld [tilespmem:s3+$0x22F0]  }
0x404: {  	[tilespmem:s0+$0xA180] =	vst.add.f32.msk $0xffff, v9  }
0x405: {  	v20 =	vld [tilespmem:s3+$0x2B10];
	v62 =	vmul.f32 v58, v7  }
0x406: {  	v21 =	vld [tilespmem:s3+$0x2310]  }
0x407: {  	[tilespmem:s7+$0xADC0] =	vst.add.f32.msk $0xffff, v58;
	v9 =	vadd.f32 v62, v60  }
0x408: {  	v63 =	vmul.f32 v10, v8;
	[tilespmem:s5+$0xA9F0] =	vst.add.f32.msk $0xffff, v10  }
0x409: {  	[tilespmem:s7+$0xA5C0] =	vst.add.f32.msk $0xffff, v9  }
0x40a: {  	v11 =	vadd.f32 v63, v61;
	[tilespmem:s0+$0xA990] =	vst.add.f32.msk $0xffff, v20  }
0x40b: {  	v22 =	vmul.f32 v20, v5;
	v26 =	vld [tilespmem:s3+$0x2E50]  }
0x40c: {  	[tilespmem:s5+$0xA1F0] =	vst.add.f32.msk $0xffff, v11  }
0x40d: {  	v9 =	vadd.f32 v22, v21;
	v10 =	vld [tilespmem:s3+$0x2E80]  }
0x40e: {  	v11 =	vld [tilespmem:s3+$0x2680]  }
0x40f: {  	[tilespmem:s0+$0xA190] =	vst.add.f32.msk $0xffff, v9  }
0x410: {  	v24 =	vld [tilespmem:s3+$0x2B20]  }
0x411: {  	v18 =	vld [tilespmem:s3+$0x2650]  }
0x412: {  	v25 =	vld [tilespmem:s3+$0x2320];
	v23 =	vmul.f32 v10, v8  }
0x413: {  	v9 =	vld [tilespmem:s1+$0x2080]  }
0x414: {  	[tilespmem:s5+$0xAD80] =	vst.add.f32.msk $0xffff, v10;
	v11 =	vadd.f32 v23, v11  }
0x415: {  	v27 =	vmul.f32 v24, v5;
	[tilespmem:s0+$0xA9A0] =	vst.add.f32.msk $0xffff, v24  }
0x416: {  	[tilespmem:s5+$0xA580] =	vst.add.f32.msk $0xffff, v11  }
0x417: {  	s31 =	sor.u32 $0x4, s4;
	v10 =	vadd.f32 v27, v25;
	v11 =	vld [tilespmem:s3+$0x2E90]  }
0x418: {  	v28 =	vmov s31;
	v19 =	vld [tilespmem:s3+$0x2690]  }
0x419: {  	v29 =	vperm.xlane v9, v28;
	[tilespmem:s0+$0xA1A0] =	vst.add.f32.msk $0xffff, v10  }
0x41a: {  	v13 =	vld [tilespmem:s3+$0x2B30]  }
0x41b: {  	[tilespmem:s7+$0xADD0] =	vst.add.f32.msk $0xffff, v26;
	v30 =	vxor.u32 $0x80000000, v29  }
0x41c: {  	(xrf0) =	vmax.scan.msk.u32 $0xffff, v30;
	v10 =	vld [tilespmem:s1+$0x2100];
	v31 =	vmul.f32 v11, v8  }
0x41d: {  	v32 =	vld [tilespmem:s3+$0x2330]  }
0x41e: {  	[tilespmem:s5+$0xAD90] =	vst.add.f32.msk $0xffff, v11;
	v6 =	vadd.f32 v31, v19  }
0x41f: {  	v33 =	vmul.f32 v26, v7;
	[tilespmem:s0+$0xA9B0] =	vst.add.f32.msk $0xffff, v13  }
0x420: {  	[tilespmem:s5+$0xA590] =	vst.add.f32.msk $0xffff, v6  }
0x421: {  	v6 =	vadd.f32 v33, v18;
	v36 =	vld [tilespmem:s3+$0x2EA0]  }
0x422: {  	v35, _, _ =	vpop (xrf0);
	v34 =	vmul.f32 v13, v5;
	v37 =	vld [tilespmem:s3+$0x26A0]  }
0x423: {  	(v2sf) =	vpush v35, $0xF;
	[tilespmem:s7+$0xA5D0] =	vst.add.f32.msk $0xffff, v6  }
0x424: {  	v6 =	vadd.f32 v34, v32;
	v47 =	vld [tilespmem:s3+$0x2E60]  }
0x425: {  	v49 =	vld [tilespmem:s3+$0x2660]  }
0x426: {  	[tilespmem:s0+$0xA1B0] =	vst.add.f32.msk $0xffff, v6  }
0x427: {  	v38 =	vld [tilespmem:s3+$0x2B40];
	v6 =	vmul.f32 v36, v8  }
0x428: {  	v39 =	vld [tilespmem:s3+$0x2340]  }
0x429: {  	[tilespmem:s5+$0xADA0] =	vst.add.f32.msk $0xffff, v36;
	v6 =	vadd.f32 v6, v37  }
0x42a: {  	[tilespmem:s7+$0xADE0] =	vst.add.f32.msk $0xffff, v47  }
0x42b: {  	v62 =	vmul.f32 v47, v7;
	[tilespmem:s5+$0xA5A0] =	vst.add.f32.msk $0xffff, v6  }
0x42c: {  	[tilespmem:s0+$0xA9C0] =	vst.add.f32.msk $0xffff, v38  }
0x42d: {  	v18 =	vadd.f32 v62, v49;
	v62 =	vld [tilespmem:s3+$0x2400]  }
0x42e: {  	v42 =	vld [tilespmem:s3+$0x2EB0]  }
0x42f: {  	v6 =	vmul.f32 v38, v5;
	v44 =	vld [tilespmem:s3+$0x26B0]  }
0x430: {  	[tilespmem:s7+$0xA5E0] =	vst.add.f32.msk $0xffff, v18  }
0x431: {  	v12 =	vadd.f32 v6, v39;
	v36 =	vld [tilespmem:s3+$0x2E70]  }
0x432: {  	v6 =	vperm.xlane v10, v28;
	s8 =	spop (v2sf);
	v38 =	vld [tilespmem:s3+$0x2670]  }
0x433: {  	s10 =	sshll.u32 s8, $0x9;
	s1 =	sshll.u32 s8, $0x7;
	[tilespmem:s0+$0xA1C0] =	vst.add.f32.msk $0xffff, v12  }
0x434: {  	v43 =	vmul.f32 v40, v6;
	s8 =	sand.u32 $0xFFFFF000, s10;
	s1 =	sand.u32 $0x380, s1;
	v12 =	vld [tilespmem:s3+$0x2B50]  }
0x435: {  	v45 =	vld [tilespmem:s3+$0x2350];
	s1 =	sor.u32 s1, s8  }
0x436: {  	v11 =	vadd.f32 v43, v41;
	[tilespmem:s1+$0xA980] =	vst.add.f32.msk $0xffff, v40  }
0x437: {  	[tilespmem:s5+$0xADB0] =	vst.add.f32.msk $0xffff, v42  }
0x438: {  	[tilespmem:s1+$0xA180] =	vst.add.f32.msk $0xffff, v11  }
0x439: {  	v50 =	vmul.f32 v42, v8;
	[tilespmem:s7+$0xADF0] =	vst.add.f32.msk $0xffff, v36  }
0x43a: {  	v13 =	vld [tilespmem:s3+$0x2B90]  }
0x43b: {  	v51 =	vadd.f32 v50, v44;
	v48 =	vld [tilespmem:s3+$0x2390]  }
0x43c: {  	v7 =	vmul.f32 v36, v7;
	[tilespmem:s0+$0xA9D0] =	vst.add.f32.msk $0xffff, v12  }
0x43d: {  	v46 =	vmul.f32 v12, v5;
	[tilespmem:s5+$0xA5B0] =	vst.add.f32.msk $0xffff, v51  }
0x43e: {  	v7 =	vadd.f32 v7, v38;
	v58 =	vld [tilespmem:s3+$0x2EC0]  }
0x43f: {  	v61 =	vld [tilespmem:s3+$0x26C0];
	v11 =	vadd.f32 v46, v45  }
0x440: {  	[tilespmem:s7+$0xA5F0] =	vst.add.f32.msk $0xffff, v7  }
0x441: {  	[tilespmem:s0+$0xA1D0] =	vst.add.f32.msk $0xffff, v11  }
0x442: {  	v52 =	vmul.f32 v13, v6;
	[tilespmem:s1+$0xA990] =	vst.add.f32.msk $0xffff, v13  }
0x443: {  	v53 =	vld [tilespmem:s3+$0x2B60]  }
0x444: {  	v55 =	vld [tilespmem:s3+$0x2360];
	v54 =	vadd.f32 v52, v48  }
0x445: {  	v23 =	vmul.f32 v58, v8;
	[tilespmem:s5+$0xADC0] =	vst.add.f32.msk $0xffff, v58  }
0x446: {  	s12 =	sor.u32 $0x5, s4;
	[tilespmem:s1+$0xA190] =	vst.add.f32.msk $0xffff, v54  }
0x447: {  	v49 =	vmov s12;
	v24 =	vadd.f32 v23, v61;
	v61 =	vld [tilespmem:s3+$0x2C00]  }
0x448: {  	v51 =	vperm.xlane v9, v49;
	v13 =	vld [tilespmem:s3+$0x2BA0]  }
0x449: {  	v57 =	vld [tilespmem:s3+$0x23A0]  }
0x44a: {  	v52 =	vxor.u32 $0x80000000, v51;
	v56 =	vmul.f32 v53, v5;
	[tilespmem:s0+$0xA9E0] =	vst.add.f32.msk $0xffff, v53  }
0x44b: {  	(xrf0) =	vmax.scan.msk.u32 $0xffff, v52;
	[tilespmem:s5+$0xA5C0] =	vst.add.f32.msk $0xffff, v24  }
0x44c: {  	v14 =	vld [tilespmem:s3+$0x2ED0];
	v11 =	vadd.f32 v56, v55  }
0x44d: {  	v33 =	vld [tilespmem:s3+$0x26D0]  }
0x44e: {  	[tilespmem:s0+$0xA1E0] =	vst.add.f32.msk $0xffff, v11  }
0x44f: {  	[tilespmem:s1+$0xA9A0] =	vst.add.f32.msk $0xffff, v13  }
0x450: {  	v59 =	vmul.f32 v13, v6;
	v60 =	vld [tilespmem:s3+$0x2B70]  }
0x451: {  	v56, _, _ =	vpop (xrf0);
	v63 =	vld [tilespmem:s3+$0x2370]  }
0x452: {  	(v2sf) =	vpush v56, $0xF;
	v56 =	vld [tilespmem:s3+$0x2D00];
	v11 =	vadd.f32 v59, v57  }
0x453: {  	[tilespmem:s5+$0xADD0] =	vst.add.f32.msk $0xffff, v14  }
0x454: {  	v39 =	vmul.f32 v14, v8;
	[tilespmem:s1+$0xA1A0] =	vst.add.f32.msk $0xffff, v11  }
0x455: {  	v13 =	vld [tilespmem:s3+$0x2BB0]  }
0x456: {  	v40 =	vadd.f32 v39, v33;
	v22 =	vld [tilespmem:s3+$0x23B0];
	v20 =	vmul.f32 v60, v5  }
0x457: {  	[tilespmem:s0+$0xA9F0] =	vst.add.f32.msk $0xffff, v60  }
0x458: {  	[tilespmem:s5+$0xA5D0] =	vst.add.f32.msk $0xffff, v40;
	v21 =	vadd.f32 v20, v63  }
0x459: {  	v14 =	vld [tilespmem:s3+$0x2EE0]  }
0x45a: {  	[tilespmem:s0+$0xA1F0] =	vst.add.f32.msk $0xffff, v21  }
0x45b: {  	v25 =	vmul.f32 v13, v6;
	v26 =	vld [tilespmem:s3+$0x2F00]  }
0x45c: {  	v50 =	vld [tilespmem:s3+$0x26E0]  }
0x45d: {  	v28 =	vld [tilespmem:s3+$0x2700];
	v27 =	vadd.f32 v25, v22  }
0x45e: {  	[tilespmem:s1+$0xA9B0] =	vst.add.f32.msk $0xffff, v13  }
0x45f: {  	[tilespmem:s1+$0xA1B0] =	vst.add.f32.msk $0xffff, v27  }
0x460: {  	v13 =	vld [tilespmem:s3+$0x2BC0];
	v29 =	vmul.f32 v26, v5  }
0x461: {  	[tilespmem:s5+$0xADE0] =	vst.add.f32.msk $0xffff, v14  }
0x462: {  	v53 =	vmul.f32 v14, v8;
	v30 =	vld [tilespmem:s3+$0x23C0];
	v11 =	vadd.f32 v29, v28  }
0x463: {  	[tilespmem:s0+$0xAD80] =	vst.add.f32.msk $0xffff, v26  }
0x464: {  	v7 =	vadd.f32 v53, v50;
	[tilespmem:s0+$0xA580] =	vst.add.f32.msk $0xffff, v11  }
0x465: {  	v31 =	vmul.f32 v13, v6;
	v32 =	vld [tilespmem:s3+$0x2F10]  }
0x466: {  	[tilespmem:s5+$0xA5E0] =	vst.add.f32.msk $0xffff, v7  }
0x467: {  	v34 =	vld [tilespmem:s3+$0x2710];
	v11 =	vadd.f32 v31, v30  }
0x468: {  	[tilespmem:s1+$0xA9C0] =	vst.add.f32.msk $0xffff, v13  }
0x469: {  	[tilespmem:s1+$0xA1C0] =	vst.add.f32.msk $0xffff, v11  }
0x46a: {  	v13 =	vld [tilespmem:s3+$0x2BD0];
	v35 =	vmul.f32 v32, v5  }
0x46b: {  	v59 =	vld [tilespmem:s3+$0x2EF0]  }
0x46c: {  	v37 =	vld [tilespmem:s3+$0x23D0];
	v11 =	vadd.f32 v35, v34  }
0x46d: {  	[tilespmem:s0+$0xAD90] =	vst.add.f32.msk $0xffff, v32  }
0x46e: {  	[tilespmem:s0+$0xA590] =	vst.add.f32.msk $0xffff, v11  }
0x46f: {  	v41 =	vmul.f32 v13, v6;
	v42 =	vld [tilespmem:s3+$0x2F20]  }
0x470: {  	v14 =	vld [tilespmem:s3+$0x26F0]  }
0x471: {  	s13 =	spop (v2sf);
	v44 =	vld [tilespmem:s3+$0x2720];
	v43 =	vadd.f32 v41, v37  }
0x472: {  	s30 =	sshll.u32 s13, $0x9;
	s8 =	sshll.u32 s13, $0x7;
	[tilespmem:s1+$0xA9D0] =	vst.add.f32.msk $0xffff, v13  }
0x473: {  	s10 =	sand.u32 $0xFFFFF000, s30;
	s8 =	sand.u32 $0x380, s8;
	[tilespmem:s1+$0xA1D0] =	vst.add.f32.msk $0xffff, v43  }
0x474: {  	s31 =	sor.u32 $0x6, s4;
	s8 =	sor.u32 s8, s10;
	v13 =	vld [tilespmem:s3+$0x2BE0];
	v45 =	vmul.f32 v42, v5  }
0x475: {  	v36 =	vmov s31;
	[tilespmem:s8+$0xA980] =	vst.add.f32.msk $0xffff, v61  }
0x476: {  	v38 =	vperm.xlane v9, v36;
	v46 =	vld [tilespmem:s3+$0x23E0];
	v11 =	vadd.f32 v45, v44  }
0x477: {  	[tilespmem:s0+$0xADA0] =	vst.add.f32.msk $0xffff, v42  }
0x478: {  	v40 =	vxor.u32 $0x80000000, v38;
	[tilespmem:s0+$0xA5A0] =	vst.add.f32.msk $0xffff, v11  }
0x479: {  	(xrf0) =	vmax.scan.msk.u32 $0xffff, v40;
	v47 =	vmul.f32 v13, v6;
	v48 =	vld [tilespmem:s3+$0x2F30]  }
0x47a: {  	[tilespmem:s5+$0xADF0] =	vst.add.f32.msk $0xffff, v59  }
0x47b: {  	v8 =	vmul.f32 v59, v8;
	v20 =	vld [tilespmem:s3+$0x2730];
	v11 =	vadd.f32 v47, v46  }
0x47c: {  	[tilespmem:s1+$0xA9E0] =	vst.add.f32.msk $0xffff, v13  }
0x47d: {  	v8 =	vadd.f32 v8, v14;
	[tilespmem:s1+$0xA1E0] =	vst.add.f32.msk $0xffff, v11  }
0x47e: {  	v13 =	vld [tilespmem:s3+$0x2BF0];
	v54 =	vmul.f32 v48, v5  }
0x47f: {  	[tilespmem:s5+$0xA5F0] =	vst.add.f32.msk $0xffff, v8;
	v47, _, _ =	vpop (xrf0)  }
0x480: {  	v55 =	vld [tilespmem:s3+$0x23F0];
	(v2sf) =	vpush v47, $0xF;
	v11 =	vadd.f32 v54, v20  }
0x481: {  	[tilespmem:s0+$0xADB0] =	vst.add.f32.msk $0xffff, v48  }
0x482: {  	[tilespmem:s0+$0xA5B0] =	vst.add.f32.msk $0xffff, v11  }
0x483: {  	v7 =	vmul.f32 v13, v6;
	v15 =	vld [tilespmem:s3+$0x2F40]  }
0x484: {  	v54 =	vld [tilespmem:s3+$0x2C80]  }
0x485: {  	v57 =	vld [tilespmem:s3+$0x2740];
	v7 =	vadd.f32 v7, v55  }
0x486: {  	[tilespmem:s1+$0xA9F0] =	vst.add.f32.msk $0xffff, v13  }
0x487: {  	[tilespmem:s1+$0xA1F0] =	vst.add.f32.msk $0xffff, v7  }
0x488: {  	v58 =	vld [tilespmem:s3+$0x2F80];
	v7 =	vmul.f32 v15, v5  }
0x489: {  	v55 =	vld [tilespmem:s3+$0x2480]  }
0x48a: {  	v60 =	vld [tilespmem:s3+$0x2780];
	v7 =	vadd.f32 v7, v57  }
0x48b: {  	[tilespmem:s0+$0xADC0] =	vst.add.f32.msk $0xffff, v15  }
0x48c: {  	[tilespmem:s0+$0xA5C0] =	vst.add.f32.msk $0xffff, v7  }
0x48d: {  	v7 =	vmul.f32 v58, v6;
	[tilespmem:s1+$0xAD80] =	vst.add.f32.msk $0xffff, v58  }
0x48e: {  	v58 =	vld [tilespmem:s3+$0x2500]  }
0x48f: {  	s4 =	sor.u32 $0x7, s4;
	s10 =	spop (v2sf);
	v63 =	vld [tilespmem:s3+$0x2F50];
	v11 =	vadd.f32 v7, v60;
	v7 =	vperm.xlane v10, v49  }
0x490: {  	v43 =	vmov s4;
	v22 =	vld [tilespmem:s3+$0x2750];
	s12 =	sshll.u32 s10, $0x9;
	s4 =	sshll.u32 s10, $0x7  }
0x491: {  	s5 =	sand.u32 $0xFFFFF000, s12;
	s4 =	sand.u32 $0x380, s4;
	[tilespmem:s1+$0xA580] =	vst.add.f32.msk $0xffff, v11;
	v21 =	vmul.f32 v61, v7  }
0x492: {  	s4 =	sor.u32 s4, s5;
	v12 =	vld [tilespmem:s3+$0x2F90]  }
0x493: {  	[tilespmem:s4+$0xA980] =	vst.add.f32.msk $0xffff, v54;
	v11 =	vadd.f32 v21, v62  }
0x494: {  	v23 =	vld [tilespmem:s3+$0x2790]  }
0x495: {  	[tilespmem:s8+$0xA180] =	vst.add.f32.msk $0xffff, v11  }
0x496: {  	v26 =	vmul.f32 v63, v5;
	v18 =	vld [tilespmem:s3+$0x2C10]  }
0x497: {  	[tilespmem:s0+$0xADD0] =	vst.add.f32.msk $0xffff, v63;
	v24 =	vmul.f32 v12, v6  }
0x498: {  	v8 =	vadd.f32 v26, v22;
	v25 =	vld [tilespmem:s3+$0x2410]  }
0x499: {  	v9 =	vperm.xlane v9, v43;
	[tilespmem:s1+$0xAD90] =	vst.add.f32.msk $0xffff, v12;
	v11 =	vadd.f32 v24, v23  }
0x49a: {  	[tilespmem:s0+$0xA5D0] =	vst.add.f32.msk $0xffff, v8  }
0x49b: {  	v45 =	vxor.u32 $0x80000000, v9;
	[tilespmem:s1+$0xA590] =	vst.add.f32.msk $0xffff, v11;
	v27 =	vmul.f32 v18, v7  }
0x49c: {  	(xrf0) =	vmax.scan.msk.u32 $0xffff, v45;
	v12 =	vld [tilespmem:s3+$0x2FA0]  }
0x49d: {  	[tilespmem:s8+$0xA990] =	vst.add.f32.msk $0xffff, v18;
	v28 =	vadd.f32 v27, v25  }
0x49e: {  	v29 =	vld [tilespmem:s3+$0x27A0]  }
0x49f: {  	[tilespmem:s8+$0xA190] =	vst.add.f32.msk $0xffff, v28  }
0x4a0: {  	v31 =	vld [tilespmem:s3+$0x2C20]  }
0x4a1: {  	v33 =	vld [tilespmem:s3+$0x2F60];
	v30 =	vmul.f32 v12, v6  }
0x4a2: {  	v49, _, _ =	vpop (xrf0);
	v32 =	vld [tilespmem:s3+$0x2420]  }
0x4a3: {  	(v2sf) =	vpush v49, $0xF;
	v35 =	vld [tilespmem:s3+$0x2760];
	v8 =	vadd.f32 v30, v29  }
0x4a4: {  	[tilespmem:s1+$0xADA0] =	vst.add.f32.msk $0xffff, v12  }
0x4a5: {  	[tilespmem:s1+$0xA5A0] =	vst.add.f32.msk $0xffff, v8;
	v34 =	vmul.f32 v31, v7  }
0x4a6: {  	v12 =	vld [tilespmem:s3+$0x2FB0]  }
0x4a7: {  	[tilespmem:s8+$0xA9A0] =	vst.add.f32.msk $0xffff, v31;
	v8 =	vadd.f32 v34, v32  }
0x4a8: {  	v37 =	vld [tilespmem:s3+$0x27B0]  }
0x4a9: {  	v39 =	vmul.f32 v33, v5;
	[tilespmem:s8+$0xA1A0] =	vst.add.f32.msk $0xffff, v8  }
0x4aa: {  	v42 =	vld [tilespmem:s3+$0x2C30]  }
0x4ab: {  	[tilespmem:s0+$0xADE0] =	vst.add.f32.msk $0xffff, v33;
	v8 =	vadd.f32 v39, v35;
	v41 =	vmul.f32 v12, v6  }
0x4ac: {  	v44 =	vld [tilespmem:s3+$0x2430]  }
0x4ad: {  	[tilespmem:s0+$0xA5E0] =	vst.add.f32.msk $0xffff, v8;
	v11 =	vadd.f32 v41, v37  }
0x4ae: {  	[tilespmem:s1+$0xADB0] =	vst.add.f32.msk $0xffff, v12  }
0x4af: {  	[tilespmem:s1+$0xA5B0] =	vst.add.f32.msk $0xffff, v11;
	v46 =	vmul.f32 v42, v7  }
0x4b0: {  	[tilespmem:s8+$0xA9B0] =	vst.add.f32.msk $0xffff, v42  }
0x4b1: {  	v12 =	vld [tilespmem:s3+$0x2FC0];
	v8 =	vadd.f32 v46, v44  }
0x4b2: {  	s13 =	spop (v2sf);
	v48 =	vld [tilespmem:s3+$0x27C0]  }
0x4b3: {  	s30 =	sshll.u32 s13, $0x9;
	s5 =	sshll.u32 s13, $0x7;
	[tilespmem:s8+$0xA1B0] =	vst.add.f32.msk $0xffff, v8  }
0x4b4: {  	s7 =	sand.u32 $0xFFFFF000, s30;
	s5 =	sand.u32 $0x380, s5;
	v8 =	vld [tilespmem:s3+$0x2F70]  }
0x4b5: {  	s5 =	sor.u32 s5, s7;
	v51 =	vld [tilespmem:s3+$0x2C40]  }
0x4b6: {  	[tilespmem:s5+$0xA980] =	vst.add.f32.msk $0xffff, v56  }
0x4b7: {  	v52 =	vld [tilespmem:s3+$0x2440];
	v50 =	vmul.f32 v12, v6  }
0x4b8: {  	v11 =	vld [tilespmem:s3+$0x2770]  }
0x4b9: {  	[tilespmem:s1+$0xADC0] =	vst.add.f32.msk $0xffff, v12;
	v9 =	vadd.f32 v50, v48  }
0x4ba: {  	[tilespmem:s0+$0xADF0] =	vst.add.f32.msk $0xffff, v8;
	v53 =	vmul.f32 v51, v7  }
0x4bb: {  	[tilespmem:s1+$0xA5C0] =	vst.add.f32.msk $0xffff, v9  }
0x4bc: {  	[tilespmem:s8+$0xA9C0] =	vst.add.f32.msk $0xffff, v51;
	v9 =	vadd.f32 v53, v52  }
0x4bd: {  	v5 =	vmul.f32 v8, v5;
	v12 =	vld [tilespmem:s3+$0x2FD0]  }
0x4be: {  	[tilespmem:s8+$0xA1C0] =	vst.add.f32.msk $0xffff, v9;
	v9 =	vperm.xlane v10, v36  }
0x4bf: {  	v13 =	vld [tilespmem:s3+$0x27D0];
	v5 =	vadd.f32 v5, v11  }
0x4c0: {  	v59 =	vld [tilespmem:s3+$0x2C50];
	v57 =	vmul.f32 v54, v9  }
0x4c1: {  	[tilespmem:s0+$0xA5F0] =	vst.add.f32.msk $0xffff, v5  }
0x4c2: {  	v10 =	vperm.xlane v10, v43;
	v61 =	vld [tilespmem:s3+$0x2450];
	v15 =	vadd.f32 v57, v55  }
0x4c3: {  	[tilespmem:s1+$0xADD0] =	vst.add.f32.msk $0xffff, v12  }
0x4c4: {  	v60 =	vmul.f32 v56, v10;
	[tilespmem:s4+$0xA180] =	vst.add.f32.msk $0xffff, v15  }
0x4c5: {  	v57 =	vmul.f32 v12, v6;
	[tilespmem:s8+$0xA9D0] =	vst.add.f32.msk $0xffff, v59  }
0x4c6: {  	v15 =	vadd.f32 v60, v58;
	v16 =	vld [tilespmem:s3+$0x2C90]  }
0x4c7: {  	v13 =	vadd.f32 v57, v13;
	v63 =	vld [tilespmem:s3+$0x2490]  }
0x4c8: {  	v62 =	vmul.f32 v59, v7;
	[tilespmem:s5+$0xA180] =	vst.add.f32.msk $0xffff, v15  }
0x4c9: {  	[tilespmem:s1+$0xA5D0] =	vst.add.f32.msk $0xffff, v13  }
0x4ca: {  	v18 =	vadd.f32 v62, v61;
	v17 =	vld [tilespmem:s3+$0x2D10]  }
0x4cb: {  	v22 =	vld [tilespmem:s3+$0x2510]  }
0x4cc: {  	[tilespmem:s8+$0xA1D0] =	vst.add.f32.msk $0xffff, v18  }
0x4cd: {  	v24 =	vld [tilespmem:s3+$0x2C60];
	v21 =	vmul.f32 v16, v9  }
0x4ce: {  	v26 =	vld [tilespmem:s3+$0x2460]  }
0x4cf: {  	[tilespmem:s4+$0xA990] =	vst.add.f32.msk $0xffff, v16;
	v23 =	vadd.f32 v21, v63  }
0x4d0: {  	[tilespmem:s5+$0xA990] =	vst.add.f32.msk $0xffff, v17  }
0x4d1: {  	v25 =	vmul.f32 v17, v10;
	[tilespmem:s4+$0xA190] =	vst.add.f32.msk $0xffff, v23  }
0x4d2: {  	[tilespmem:s8+$0xA9E0] =	vst.add.f32.msk $0xffff, v24  }
0x4d3: {  	v14 =	vadd.f32 v25, v22;
	v16 =	vld [tilespmem:s3+$0x2CA0]  }
0x4d4: {  	v27 =	vmul.f32 v24, v7;
	v28 =	vld [tilespmem:s3+$0x24A0]  }
0x4d5: {  	[tilespmem:s5+$0xA190] =	vst.add.f32.msk $0xffff, v14  }
0x4d6: {  	v18 =	vadd.f32 v27, v26;
	v17 =	vld [tilespmem:s3+$0x2D20]  }
0x4d7: {  	v30 =	vld [tilespmem:s3+$0x2520]  }
0x4d8: {  	[tilespmem:s8+$0xA1E0] =	vst.add.f32.msk $0xffff, v18  }
0x4d9: {  	v15 =	vld [tilespmem:s3+$0x2C70]  }
0x4da: {  	v32 =	vld [tilespmem:s3+$0x2470];
	v29 =	vmul.f32 v16, v9  }
0x4db: {  	[tilespmem:s4+$0xA9A0] =	vst.add.f32.msk $0xffff, v16  }
0x4dc: {  	v14 =	vadd.f32 v29, v28;
	[tilespmem:s5+$0xA9A0] =	vst.add.f32.msk $0xffff, v17  }
0x4dd: {  	v29 =	vld [tilespmem:s3+$0x2FE0]  }
0x4de: {  	v31 =	vmul.f32 v17, v10;
	[tilespmem:s4+$0xA1A0] =	vst.add.f32.msk $0xffff, v14  }
0x4df: {  	[tilespmem:s8+$0xA9F0] =	vst.add.f32.msk $0xffff, v15  }
0x4e0: {  	v14 =	vadd.f32 v31, v30;
	v16 =	vld [tilespmem:s3+$0x2CB0]  }
0x4e1: {  	v33 =	vmul.f32 v15, v7;
	v34 =	vld [tilespmem:s3+$0x24B0]  }
0x4e2: {  	[tilespmem:s5+$0xA1A0] =	vst.add.f32.msk $0xffff, v14  }
0x4e3: {  	v18 =	vadd.f32 v33, v32;
	v32 =	vld [tilespmem:s3+$0x27E0]  }
0x4e4: {  	v17 =	vld [tilespmem:s3+$0x2D30]  }
0x4e5: {  	v36 =	vld [tilespmem:s3+$0x2530]  }
0x4e6: {  	[tilespmem:s1+$0xADE0] =	vst.add.f32.msk $0xffff, v29  }
0x4e7: {  	[tilespmem:s8+$0xA1F0] =	vst.add.f32.msk $0xffff, v18  }
0x4e8: {  	v15 =	vld [tilespmem:s3+$0x3000];
	v35 =	vmul.f32 v16, v9  }
0x4e9: {  	v38 =	vld [tilespmem:s3+$0x2800]  }
0x4ea: {  	[tilespmem:s4+$0xA9B0] =	vst.add.f32.msk $0xffff, v16;
	v14 =	vadd.f32 v35, v34  }
0x4eb: {  	[tilespmem:s5+$0xA9B0] =	vst.add.f32.msk $0xffff, v17  }
0x4ec: {  	v37 =	vmul.f32 v17, v10;
	[tilespmem:s4+$0xA1B0] =	vst.add.f32.msk $0xffff, v14  }
0x4ed: {  	[tilespmem:s8+$0xAD80] =	vst.add.f32.msk $0xffff, v15  }
0x4ee: {  	v14 =	vadd.f32 v37, v36;
	v16 =	vld [tilespmem:s3+$0x2CC0]  }
0x4ef: {  	v39 =	vmul.f32 v15, v7;
	v40 =	vld [tilespmem:s3+$0x24C0]  }
0x4f0: {  	[tilespmem:s5+$0xA1B0] =	vst.add.f32.msk $0xffff, v14  }
0x4f1: {  	v18 =	vadd.f32 v39, v38;
	v17 =	vld [tilespmem:s3+$0x2D40]  }
0x4f2: {  	v42 =	vld [tilespmem:s3+$0x2540]  }
0x4f3: {  	[tilespmem:s8+$0xA580] =	vst.add.f32.msk $0xffff, v18  }
0x4f4: {  	v15 =	vld [tilespmem:s3+$0x3010];
	v41 =	vmul.f32 v16, v9  }
0x4f5: {  	v44 =	vld [tilespmem:s3+$0x2810]  }
0x4f6: {  	[tilespmem:s4+$0xA9C0] =	vst.add.f32.msk $0xffff, v16;
	v14 =	vadd.f32 v41, v40  }
0x4f7: {  	[tilespmem:s5+$0xA9C0] =	vst.add.f32.msk $0xffff, v17  }
0x4f8: {  	v43 =	vmul.f32 v17, v10;
	[tilespmem:s4+$0xA1C0] =	vst.add.f32.msk $0xffff, v14  }
0x4f9: {  	v40 =	vmul.f32 v29, v6;
	[tilespmem:s8+$0xAD90] =	vst.add.f32.msk $0xffff, v15  }
0x4fa: {  	v14 =	vadd.f32 v43, v42;
	v16 =	vld [tilespmem:s3+$0x2CD0]  }
0x4fb: {  	v5 =	vadd.f32 v40, v32;
	v46 =	vld [tilespmem:s3+$0x24D0]  }
0x4fc: {  	[tilespmem:s5+$0xA1C0] =	vst.add.f32.msk $0xffff, v14  }
0x4fd: {  	v45 =	vmul.f32 v15, v7;
	[tilespmem:s1+$0xA5E0] =	vst.add.f32.msk $0xffff, v5  }
0x4fe: {  	v17 =	vld [tilespmem:s3+$0x2D50]  }
0x4ff: {  	v18 =	vadd.f32 v45, v44;
	v48 =	vld [tilespmem:s3+$0x2550]  }
0x500: {  	v57 =	vld [tilespmem:s3+$0x27F0]  }
0x501: {  	[tilespmem:s8+$0xA590] =	vst.add.f32.msk $0xffff, v18  }
0x502: {  	v15 =	vld [tilespmem:s3+$0x3020];
	v47 =	vmul.f32 v16, v9  }
0x503: {  	v50 =	vld [tilespmem:s3+$0x2820]  }
0x504: {  	[tilespmem:s4+$0xA9D0] =	vst.add.f32.msk $0xffff, v16;
	v14 =	vadd.f32 v47, v46  }
0x505: {  	[tilespmem:s5+$0xA9D0] =	vst.add.f32.msk $0xffff, v17  }
0x506: {  	v49 =	vmul.f32 v17, v10;
	[tilespmem:s4+$0xA1D0] =	vst.add.f32.msk $0xffff, v14  }
0x507: {  	[tilespmem:s8+$0xADA0] =	vst.add.f32.msk $0xffff, v15  }
0x508: {  	v14 =	vadd.f32 v49, v48;
	v16 =	vld [tilespmem:s3+$0x2CE0]  }
0x509: {  	v51 =	vmul.f32 v15, v7;
	v52 =	vld [tilespmem:s3+$0x24E0]  }
0x50a: {  	[tilespmem:s5+$0xA1D0] =	vst.add.f32.msk $0xffff, v14  }
0x50b: {  	v18 =	vadd.f32 v51, v50;
	v17 =	vld [tilespmem:s3+$0x2D60]  }
0x50c: {  	v54 =	vld [tilespmem:s3+$0x2560]  }
0x50d: {  	[tilespmem:s8+$0xA5A0] =	vst.add.f32.msk $0xffff, v18  }
0x50e: {  	v15 =	vld [tilespmem:s3+$0x3030];
	v53 =	vmul.f32 v16, v9  }
0x50f: {  	v56 =	vld [tilespmem:s3+$0x2830]  }
0x510: {  	[tilespmem:s4+$0xA9E0] =	vst.add.f32.msk $0xffff, v16;
	v14 =	vadd.f32 v53, v52  }
0x511: {  	[tilespmem:s5+$0xA9E0] =	vst.add.f32.msk $0xffff, v17  }
0x512: {  	v55 =	vmul.f32 v17, v10;
	[tilespmem:s4+$0xA1E0] =	vst.add.f32.msk $0xffff, v14  }
0x513: {  	v16 =	vld [tilespmem:s3+$0x2CF0]  }
0x514: {  	v53 =	vld [tilespmem:s3+$0x2FF0];
	v14 =	vadd.f32 v55, v54  }
0x515: {  	v58 =	vld [tilespmem:s3+$0x24F0]  }
0x516: {  	v59 =	vmul.f32 v15, v7;
	[tilespmem:s5+$0xA1E0] =	vst.add.f32.msk $0xffff, v14  }
0x517: {  	v60 =	vld [tilespmem:s3+$0x2D70]  }
0x518: {  	[tilespmem:s8+$0xADB0] =	vst.add.f32.msk $0xffff, v15;
	v17 =	vadd.f32 v59, v56;
	v61 =	vmul.f32 v16, v9  }
0x519: {  	v62 =	vld [tilespmem:s3+$0x2570]  }
0x51a: {  	[tilespmem:s8+$0xA5B0] =	vst.add.f32.msk $0xffff, v17;
	v63 =	vadd.f32 v61, v58  }
0x51b: {  	[tilespmem:s4+$0xA9F0] =	vst.add.f32.msk $0xffff, v16  }
0x51c: {  	v20 =	vmul.f32 v60, v10;
	[tilespmem:s4+$0xA1F0] =	vst.add.f32.msk $0xffff, v63  }
0x51d: {  	v21 =	vld [tilespmem:s3+$0x3080]  }
0x51e: {  	[tilespmem:s5+$0xA9F0] =	vst.add.f32.msk $0xffff, v60;
	v12 =	vadd.f32 v20, v62  }
0x51f: {  	v22 =	vld [tilespmem:s3+$0x2880]  }
0x520: {  	[tilespmem:s5+$0xA1F0] =	vst.add.f32.msk $0xffff, v12  }
0x521: {  	v12 =	vld [tilespmem:s3+$0x3100]  }
0x522: {  	v17 =	vld [tilespmem:s3+$0x3040];
	v23 =	vmul.f32 v21, v9  }
0x523: {  	v24 =	vld [tilespmem:s3+$0x2900]  }
0x524: {  	v25 =	vld [tilespmem:s3+$0x2840];
	v14 =	vadd.f32 v23, v22  }
0x525: {  	[tilespmem:s4+$0xAD80] =	vst.add.f32.msk $0xffff, v21  }
0x526: {  	v26 =	vmul.f32 v12, v10;
	[tilespmem:s4+$0xA580] =	vst.add.f32.msk $0xffff, v14  }
0x527: {  	v13 =	vld [tilespmem:s3+$0x3090]  }
0x528: {  	[tilespmem:s5+$0xAD80] =	vst.add.f32.msk $0xffff, v12;
	v14 =	vadd.f32 v26, v24  }
0x529: {  	v27 =	vld [tilespmem:s3+$0x2890]  }
0x52a: {  	v28 =	vmul.f32 v17, v7;
	[tilespmem:s5+$0xA580] =	vst.add.f32.msk $0xffff, v14  }
0x52b: {  	v14 =	vld [tilespmem:s3+$0x3110]  }
0x52c: {  	[tilespmem:s8+$0xADC0] =	vst.add.f32.msk $0xffff, v17;
	v12 =	vadd.f32 v28, v25;
	v30 =	vmul.f32 v13, v9  }
0x52d: {  	v31 =	vld [tilespmem:s3+$0x2910]  }
0x52e: {  	[tilespmem:s8+$0xA5C0] =	vst.add.f32.msk $0xffff, v12;
	v16 =	vadd.f32 v30, v27  }
0x52f: {  	[tilespmem:s4+$0xAD90] =	vst.add.f32.msk $0xffff, v13  }
0x530: {  	v33 =	vmul.f32 v14, v10;
	[tilespmem:s4+$0xA590] =	vst.add.f32.msk $0xffff, v16  }
0x531: {  	v13 =	vld [tilespmem:s3+$0x30A0]  }
0x532: {  	[tilespmem:s5+$0xAD90] =	vst.add.f32.msk $0xffff, v14;
	v12 =	vadd.f32 v33, v31  }
0x533: {  	v34 =	vld [tilespmem:s3+$0x28A0]  }
0x534: {  	[tilespmem:s5+$0xA590] =	vst.add.f32.msk $0xffff, v12  }
0x535: {  	v12 =	vld [tilespmem:s3+$0x3120]  }
0x536: {  	v17 =	vld [tilespmem:s3+$0x3050];
	v35 =	vmul.f32 v13, v9  }
0x537: {  	v36 =	vld [tilespmem:s3+$0x2920]  }
0x538: {  	v37 =	vld [tilespmem:s3+$0x2850];
	v14 =	vadd.f32 v35, v34  }
0x539: {  	[tilespmem:s4+$0xADA0] =	vst.add.f32.msk $0xffff, v13  }
0x53a: {  	v38 =	vmul.f32 v12, v10;
	[tilespmem:s4+$0xA5A0] =	vst.add.f32.msk $0xffff, v14  }
0x53b: {  	v13 =	vld [tilespmem:s3+$0x30B0]  }
0x53c: {  	[tilespmem:s5+$0xADA0] =	vst.add.f32.msk $0xffff, v12;
	v14 =	vadd.f32 v38, v36  }
0x53d: {  	v39 =	vld [tilespmem:s3+$0x28B0]  }
0x53e: {  	v41 =	vmul.f32 v17, v7;
	[tilespmem:s5+$0xA5A0] =	vst.add.f32.msk $0xffff, v14  }
0x53f: {  	v14 =	vld [tilespmem:s3+$0x3130]  }
0x540: {  	[tilespmem:s8+$0xADD0] =	vst.add.f32.msk $0xffff, v17;
	v12 =	vadd.f32 v41, v37;
	v42 =	vmul.f32 v13, v9  }
0x541: {  	v43 =	vld [tilespmem:s3+$0x2930]  }
0x542: {  	[tilespmem:s8+$0xA5D0] =	vst.add.f32.msk $0xffff, v12;
	v5 =	vadd.f32 v42, v39  }
0x543: {  	[tilespmem:s4+$0xADB0] =	vst.add.f32.msk $0xffff, v13  }
0x544: {  	[tilespmem:s4+$0xA5B0] =	vst.add.f32.msk $0xffff, v5;
	v5 =	vmul.f32 v14, v10  }
0x545: {  	v44 =	vld [tilespmem:s3+$0x30C0]  }
0x546: {  	[tilespmem:s5+$0xADB0] =	vst.add.f32.msk $0xffff, v14;
	v5 =	vadd.f32 v5, v43  }
0x547: {  	v45 =	vld [tilespmem:s3+$0x28C0]  }
0x548: {  	[tilespmem:s5+$0xA5B0] =	vst.add.f32.msk $0xffff, v5  }
0x549: {  	v5 =	vld [tilespmem:s3+$0x3140]  }
0x54a: {  	v47 =	vld [tilespmem:s3+$0x3060];
	v46 =	vmul.f32 v44, v9  }
0x54b: {  	v14 =	vld [tilespmem:s3+$0x2940]  }
0x54c: {  	v48 =	vld [tilespmem:s3+$0x2860];
	v12 =	vadd.f32 v46, v45  }
0x54d: {  	[tilespmem:s4+$0xADC0] =	vst.add.f32.msk $0xffff, v44  }
0x54e: {  	[tilespmem:s4+$0xA5C0] =	vst.add.f32.msk $0xffff, v12;
	v49 =	vmul.f32 v5, v10  }
0x54f: {  	v11 =	vld [tilespmem:s3+$0x30D0]  }
0x550: {  	[tilespmem:s5+$0xADC0] =	vst.add.f32.msk $0xffff, v5;
	v12 =	vadd.f32 v49, v14  }
0x551: {  	v50 =	vld [tilespmem:s3+$0x28D0]  }
0x552: {  	v5 =	vmul.f32 v47, v7;
	[tilespmem:s5+$0xA5C0] =	vst.add.f32.msk $0xffff, v12  }
0x553: {  	v12 =	vld [tilespmem:s3+$0x3150]  }
0x554: {  	[tilespmem:s8+$0xADE0] =	vst.add.f32.msk $0xffff, v47;
	v5 =	vadd.f32 v5, v48;
	v51 =	vmul.f32 v11, v9  }
0x555: {  	v52 =	vld [tilespmem:s3+$0x2950]  }
0x556: {  	[tilespmem:s8+$0xA5E0] =	vst.add.f32.msk $0xffff, v5;
	v14 =	vadd.f32 v51, v50  }
0x557: {  	[tilespmem:s4+$0xADD0] =	vst.add.f32.msk $0xffff, v11  }
0x558: {  	[tilespmem:s4+$0xA5D0] =	vst.add.f32.msk $0xffff, v14;
	v5 =	vmul.f32 v12, v10  }
0x559: {  	v11 =	vld [tilespmem:s3+$0x30E0]  }
0x55a: {  	[tilespmem:s5+$0xADD0] =	vst.add.f32.msk $0xffff, v12;
	v5 =	vadd.f32 v5, v52  }
0x55b: {  	v54 =	vld [tilespmem:s3+$0x28E0]  }
0x55c: {  	[tilespmem:s5+$0xA5D0] =	vst.add.f32.msk $0xffff, v5  }
0x55d: {  	v5 =	vld [tilespmem:s3+$0x3160]  }
0x55e: {  	v58 =	vld [tilespmem:s3+$0x3070];
	v55 =	vmul.f32 v11, v9  }
0x55f: {  	v56 =	vld [tilespmem:s3+$0x2960]  }
0x560: {  	v60 =	vld [tilespmem:s3+$0x2870];
	v12 =	vadd.f32 v55, v54  }
0x561: {  	[tilespmem:s4+$0xADE0] =	vst.add.f32.msk $0xffff, v11  }
0x562: {  	[tilespmem:s4+$0xA5E0] =	vst.add.f32.msk $0xffff, v12;
	v59 =	vmul.f32 v5, v10  }
0x563: {  	[tilespmem:s5+$0xADE0] =	vst.add.f32.msk $0xffff, v5  }
0x564: {  	v61 =	vld [tilespmem:s3+$0x30F0];
	v12 =	vadd.f32 v59, v56  }
0x565: {  	v62 =	vld [tilespmem:s3+$0x28F0]  }
0x566: {  	v6 =	vmul.f32 v53, v6;
	[tilespmem:s5+$0xA5E0] =	vst.add.f32.msk $0xffff, v12  }
0x567: {  	v5 =	vld [tilespmem:s3+$0x3170]  }
0x568: {  	[tilespmem:s1+$0xADF0] =	vst.add.f32.msk $0xffff, v53;
	v6 =	vadd.f32 v6, v57;
	v7 =	vmul.f32 v58, v7  }
0x569: {  	v63 =	vld [tilespmem:s3+$0x2970]  }
0x56a: {  	[tilespmem:s1+$0xA5F0] =	vst.add.f32.msk $0xffff, v6;
	v6 =	vadd.f32 v7, v60;
	v7 =	vmul.f32 v61, v9  }
0x56b: {  	p1 =	slt.u32 s2, $0x38;
	[tilespmem:s8+$0xADF0] =	vst.add.f32.msk $0xffff, v58  }
.Ltmp14:
0x56c: {  	[tilespmem:s8+$0xA5F0] =	vst.add.f32.msk $0xffff, v6;
	v6 =	vadd.f32 v7, v62;
	v7 =	vmul.f32 v5, v10;
	(pc) =	sbr.rel @p1 .LBB2_17-.Ltmp14, $4  }
0x56d: {  	[tilespmem:s4+$0xADF0] =	vst.add.f32.msk $0xffff, v61  }
0x56e: {  	[tilespmem:s4+$0xA5F0] =	vst.add.f32.msk $0xffff, v6;
	v6 =	vadd.f32 v7, v63  }
0x56f: {  	s31 =	sadd.s32 $0x8, s2;
	[tilespmem:s5+$0xADF0] =	vst.add.f32.msk $0xffff, v5  }
0x570: {  	s2 =	smov.u32 s31;
	[tilespmem:s5+$0xA5F0] =	vst.add.f32.msk $0xffff, v6  }
0x571: {  	v5 =	vld [tilespmem:$0x2040]  }
0x572: {  	v6 =	vld [tilespmem:$0x20C0]  }
0x573: {  	v7 =	vld [tilespmem:$0x2140]  }
.Ltmp15:
0x574: {  	_ = 	snop;
	(pc) =	sbr.rel .LBB2_19-.Ltmp15, $4  }
0x575: {  	_ = 	snop  }
0x576: {  	[tilespmem:$0x2000] =	vst v5  }
0x577: {  	[tilespmem:$0x2080] =	vst v6  }
0x578: {  	[tilespmem:$0x2100] =	vst v7  }
.LBB2_21:
0x579: {  	_ =	sfence.sel $0x180000  }
0x57a: {  	[bflag:$0x0] =	sbarrier.arrive $0xFFFF  }
0x57b: {  	_ =	strace $0x9000004D  }
0x57c: {  	s0 =	stileid.u32;
	[bflag:$0x2] =	sbarrier.arrive $0xFFFF  }
0x57d: {  	p0 =	sne.s32 s0, $0x0;
	s0 =	rddreg [dreg:$0x2]  }
0x57e: {  	s0 =	sadd.s32 @!p0 $0x100000, s0  }
0x57f: {  	[sflag:s0] =	ssyncadd.tile.s32 @!p0 $0x1;
	_ =	shalt  }
.Lfunc_end2:
_tile_overlayer_lowered:
.L_overlay_start_2:
0x580: {  	(tag) =	ssettag $0x2  }
0x581: {  	s0 =	rddreg [dreg:$0x0];
	s2 =	stileid.u32  }
0x582: {  	s1 =	rddreg [dreg:$0x1];
	p0 =	sne.s32 s2, $0x0  }
0x583: {  	s3 =	rddreg [dreg:$0x2];
	[bflag:$0x3] =	sbarrier.arrive $0xFFFF;
	s2 =	simm.s32 @!p0 $0x1C01  }
0x584: {  	[timem:s3], [sflag:s2] =	dma.local @!p0 [hbm:s0], s1  }
0x585: {  	s0 =	simm.s32 @!p0 $0x1  }
0x586: {  	_ =	swait.ge @!p0 [sflag:s0], s1  }
0x587: {  	s1 =	ssub.s32 @!p0 $0x0, s1;
	[sflag:s0] =	ssyncset.done @!p0 $0x0  }
0x588: {  	[sflag:s0] =	ssyncadd.s32 @!p0 s1  }
0x589: {  	[bflag:$0x3] =	sbarrier.arrive $0xFFFF  }
0x58a: {  	_ =	shalt  }

// kernel: sparse-core-data-format-call.cloned.1.call-start
scs
called_computation_lowered:
.L_overlay_start_0:
0x0: {  	s2 =	sld [smem:$0x3FD9]  }
0x1: {  	s3 =	sld [smem:$0x3FFE];
	_ =	sdelay $0x1  }
0x2: {  	s1 =	srdreg.scid  }
0x3: {  	s0 =	sand.u32 $0x1, s1  }
0x4: {  	s18 =	sshll.u32 s0, $0xA;
	s2 =	sadd.s32 s3, s2  }
0x5: {  	s2 =	sadd.s32 s2, s18  }
0x6: {  	[smem:$0x3FC5] =	sst s2  }
0x7: {  	_ = 	snop  }
0x8: {  	s2 =	sld [smem:$0x3FC8];
	(tm) =	ssettm $0x1  }
0x9: {  	s19 =	sld [smem:$0x3FFB];
	_ =	sdelay $0x3  }
0xa: {  	_ =	strace s19  }
0xb: {  	s3 =	sld [smem:$0x3FFC];
	_ =	sdelay $0x3  }
0xc: {  	_ =	strace s3  }
0xd: {  	s3 =	sld [smem:$0x3FFD];
	_ =	sdelay $0x3  }
0xe: {  	_ =	strace s3  }
0xf: {  	_ =	strace $0x8FFFFFFF  }
0x10: {  	s20 =	sld [smem:$0x3FDB];
	_ =	sdelay $0x1  }
0x11: {  	s4 =	simm.s32 $_scs_section_size  }
0x12: {  	s5 =	simm.s32 $_size__tile_overlayer_lowered;
	s6 =	simm.s32 $_tile_overlayer_lowered  }
0x13: {  	s23 =	simm.s32 $0x1BFF;
	s22 =	sshll.u32 s6, $0x1;
	s3 =	sadd.s32 s4, s20  }
0x14: {  	s7 =	simm.s32 $0x0;
	s21 =	sshll.u32 s5, $0x1;
	s5 =	sadd.s32 s22, s3  }
0x15: {  	[timem:s7], [sflag:s23] =	dma.local [hbm:s5], s21  }
0x16: {  	_ =	swait.ge [sflag:s23], s21  }
0x17: {  	s4 =	ssub.s32 $0x0, s21;
	[sflag:s23] =	ssyncset.done $0x0  }
0x18: {  	[sflag:s23] =	ssyncadd.s32 s4;
	_ =	sdelay $0x1  }
0x19: {  	s24 =	simm.s32 $0x1B8B  }
0x1a: {  	_ =	swait.ge [sflag:s24], $0x1  }
0x1b: {  	[sflag:s24] =	ssyncset.done $0x0  }
0x1c: {  	s26 =	simm.s32 $0x1B8E;
	s25 =	sld [smem:$0x3FFE];
	[sflag:s24] =	ssyncadd.s32 $0xFFFFFFFF  }
0x1d: {  	s27 =	simm.s32 $execute0_lowered;
	[smem:$0x3FD2] =	sst s26  }
0x1e: {  	s5 =	sshll.u32 s27, $0x1;
	_ =	strace $0x80000046;
	[dreg:$0x1] =	wrdreg $0xFFFFFFFF  }
0x1f: {  	s28 =	simm.s32 $_size_execute0_lowered;
	s3 =	sadd.s32 s3, s5;
	[dreg:$0x0] =	wrdreg $0x0  }
0x20: {  	s5 =	sshll.u32 s28, $0x1;
	[dreg:$0x2] =	wrdreg s3  }
0x21: {  	[dreg:$0x3] =	wrdreg s5  }
0x22: {  	[dreg:$0x4] =	wrdreg $0xC0  }
0x23: {  	_ =	task [dreg:s7], $0x5FFFF  }
0x24: {  	[dreg:$0x1] =	wrdreg $0xFFFFFFFF  }
0x25: {  	[dreg:$0x0] =	wrdreg $0x60  }
0x26: {  	[dreg:$0x2] =	wrdreg s2  }
0x27: {  	[dreg:$0x3] =	wrdreg s25  }
0x28: {  	[dreg:$0x4] =	wrdreg $0x9  }
0x29: {  	_ =	task.clear_ibuf [dreg:s7], $0x5FFFF;
	_ =	strace $0x90000046  }
0x2a: {  	s29 =	simm.s32 $0x9;
	_ =	strace $0x80000048  }
0x2b: {  	_ =	swait.ge [sflag:s29], $0x1  }
0x2c: {  	[sflag:s29] =	ssyncadd.s32 $0xFFFFFFFF  }
0x2d: {  	_ =	strace $0x90000048  }
0x2e: {  	_ =	sfence  }
0x2f: {  	s30 =	sld [smem:$0x0];
	_ =	sdelay $0x2  }
0x30: {  	s31 =	sshll.u32 s1, $0xD;
	s1 =	sshrl.u32 s1, $0x2  }
0x31: {  	s3 =	sand.u32 $0x4000, s31;
	s1 =	sadd.s32 s1, s30  }
0x32: {  	s0 =	sor.u32 s3, s0;
	s1 =	sshll.u32 s1, $0x11  }
0x33: {  	s0 =	sor.u32 s1, s0  }
0x34: {  	s0 =	sadd.s32 $0x8F2B, s0  }
0x35: {  	[sflag:s0] =	ssyncadd.remote.s32 $0x1  }
0x36: {  	_ =	sfence.sel $0xFFFF  }
0x37: {  	[dreg:$0x0] =	wrdreg $0xFFFFFFFF;
	(pc) =	sbr.abs _section_cstart, $3  }
0x38: {  	[dreg:$0x1] =	wrdreg $0xFFFFFFFF  }
0x39: {  	_ =	task.clear_ibuf [dreg:s7], $0x2FFFF;
	_ =	strace $0x9FFFFFFF  }
0x3a: {  	(tm) =	ssettm $0x7FFFFFFF  }
0x3b: {  	_ =	shalt  }
tec
execute0_lowered:
.L_overlay_start_1:
0x0: {  	(tag) =	ssettag $0x1  }
0x1: {  	s0 =	srdreg.scid  }
0x2: {  	s1 =	sshll.u32 s0, $0x4  }
0x3: {  	s2 =	rddreg [dreg:$0x0];
	s0 =	stileid.u32;
	s1 =	sand.u32 $0x10, s1  }
0x4: {  	s6 =	rddreg [dreg:$0x1];
	s1 =	sor.u32 s0, s1  }
0x5: {  	s7 =	simm.s32 $0x1;
	s8 =	simm.s32 $0x2;
	s3 =	sshll.u32 s1, $0x2  }
0x6: {  	s11 =	simm.s32 $0x0;
	s10 =	simm.s32 $0x0;
	s5 =	ssub.s32 $0x4E20, s3  }
.Ltmp0:
0x7: {  	s6 =	sadd.s32 $0x600, s6;
	s4 =	sand.u32 $0x7C, s5;
	(pc) =	sbr.rel .LBB1_1-.Ltmp0, $4  }
0x8: {  	s1 =	rddreg [dreg:$0x2];
	_ =	strace $0x80000047;
	p0 =	sne.s32 s4, $0x0  }
0x9: {  	s5 =	sshrl.u32 s5, $0x7;
	s4 =	simm.s32 $0x1;
	s7 =	simm.s32 @!p0 $0x0  }
0xa: {  	s9 =	smov.u32 s3;
	[sflag:s4] =	ssyncpa.u1 $0x0;
	s5 =	sadd.s32 s7, s5  }
0xb: {  	[sflag:s8] =	ssyncpa.u1 $0x0;
	s8 =	simm.s32 $0x0;
	s7 =	sadd.s32 $0x1, s5  }
.LBB1_9:
0xc: {  	s13 =	sadd.s32 $0x80, s9  }
0xd: {  	p1 =	sgt.s32 s13, $0x4E1F  }
0xe: {  	s13 =	smov.u32 @p1 s3;
	p1 =	sne.s32 s10, s7  }
.Ltmp1:
0xf: {  	p0 =	slt.u32 s10, $0x2;
	(pc) =	sbr.rel @!p1 .LBB1_10-.Ltmp1, $4  }
0x10: {  	s12 =	simm.s32 @!p0 $0x2  }
0x11: {  	_ =	swait.ge @!p0 [sflag:s12], $0x4000  }
0x12: {  	s14 =	sadd.s32 $0x1, s10;
	s11 =	smov.u32 s9;
	[sflag:s12] =	ssyncset.done @!p0 $0x0  }
0x13: {  	s10 =	smov.u32 s14;
	s9 =	smov.u32 s13;
	[sflag:s12] =	ssyncadd.s32 @!p0 $0xFFFFC000  }
.LBB1_1:
0x14: {  	p0 =	sge.u32 s10, s5  }
0x15: {  	s12 =	sxor.u32 @!p0 $0xFFFFFFFF, s10  }
0x16: {  	s31 =	sadd.s32 $0xFFFFFFFF, s10;
	s13 =	sshll.u32 @!p0 s9, $0x9;
	s12 =	sshll.u32 @!p0 s12, $0xE  }
0x17: {  	s14 =	simm.s32 @!p0 $0x0;
	s13 =	sadd.s32 @!p0 s2, s13;
	s12 =	sand.u32 @!p0 $0x4000, s12  }
0x18: {  	[tilespmem:s12], [sflag:$0x1] =	stream.linear.gather @!p0 [hbm4b:s13+s14], $0x4000, $0x38;
	[tilespmem:$0x10000] =	vst v63  }
0x19: {  	p0 =	sge.u32 s31, s5  }
.Ltmp2:
0x1a: {  	_ = 	snop;
	(pc) =	sbr.rel @p0 .LBB1_9-.Ltmp2, $1  }
0x1b: {  	_ =	sdelay $0x3  }
0x1c: {  	_ =	swait.ge [sflag:s4], $0x4000;
	s12 =	sshll.u32 s10, $0xE  }
0x1d: {  	[sflag:s4] =	ssyncset.done $0x0;
	s13 =	sand.u32 $0x4000, s12  }
0x1e: {  	s14 =	simm.s32 $0x0;
	[sflag:s4] =	ssyncadd.s32 $0xFFFFC000;
	s12 =	sor.u32 $0x8000, s13  }
.LBB1_3:
0x1f: {  	s15 =	sshll.u32 s14, $0xC  }
0x20: {  	s17 =	simm.s32 $0x0;
	s16 =	sadd.s32 s15, s13  }
.LBB1_4:
0x21: {  	s18 =	sshll.u32 s17, $0x7;
	s20 =	sshll.u32 s17, $0x9  }
0x22: {  	s19 =	sand.u32 $0x300, s18;
	s20 =	sand.u32 $0x3FFFFE00, s20  }
0x23: {  	s21 =	sand.u32 $0x80, s18;
	s19 =	sadd.s32 s19, s12;
	s20 =	sadd.s32 s20, s16  }
0x24: {  	s19 =	sadd.s32 s21, s19;
	v0 =	vmov s20  }
0x25: {  	s31 =	sadd.s32 s18, s12;
	s19 =	sadd.s32 $0x400, s19  }
0x26: {  	p0 =	por $0x1, $0x1;
	s18 =	simm.s32 $0x0;
	v1 =	vmov s31;
	v2 =	vmov s19  }
.LBB1_5:
0x27: {  	s19 =	sshll.u32 s18, $0x7  }
0x28: {  	s19 =	sand.u32 $0x3FFFFF80, s19  }
0x29: {  	v3 =	vld.idx.msk [tilespmem:v0+s19+$0x0 ss:$0x1], $0xffff  }
0x2a: {  	v4 =	vld.idx.msk [tilespmem:v0+s19+$0x10 ss:$0x1], $0xffff  }
0x2b: {  	v5 =	vld.idx.msk [tilespmem:v0+s19+$0x20 ss:$0x1], $0xffff  }
0x2c: {  	s31 =	sshll.u32 s18, $0xB;
	v6 =	vld.idx.msk [tilespmem:v0+s19+$0x30 ss:$0x1], $0xffff  }
0x2d: {  	s18 =	sor.u32 s15, s31;
	v7 =	vld.idx.msk [tilespmem:v0+s19+$0x40 ss:$0x1], $0xffff  }
0x2e: {  	[tilespmem:v1+s18+$0x0 ss:$0x1] =	vst.idx.msk $0xffff, v3;
	v3 =	vld.idx.msk [tilespmem:v0+s19+$0x50 ss:$0x1], $0xffff  }
0x2f: {  	v56 =	vld.idx.msk [tilespmem:v0+s19+$0x60 ss:$0x1], $0xffff;
	[tilespmem:v1+s18+$0x10 ss:$0x1] =	vst.idx.msk $0xffff, v4  }
0x30: {  	v57 =	vld.idx.msk [tilespmem:v0+s19+$0x70 ss:$0x1], $0xffff;
	[tilespmem:v1+s18+$0x20 ss:$0x1] =	vst.idx.msk $0xffff, v5  }
0x31: {  	v58 =	vld.idx.msk [tilespmem:v0+s19+$0x100 ss:$0x1], $0xffff;
	[tilespmem:v1+s18+$0x30 ss:$0x1] =	vst.idx.msk $0xffff, v6  }
0x32: {  	v59 =	vld.idx.msk [tilespmem:v0+s19+$0x110 ss:$0x1], $0xffff;
	[tilespmem:v1+s18+$0x40 ss:$0x1] =	vst.idx.msk $0xffff, v7  }
0x33: {  	[tilespmem:v1+s18+$0x50 ss:$0x1] =	vst.idx.msk $0xffff, v3;
	v3 =	vld.idx.msk [tilespmem:v0+s19+$0x120 ss:$0x1], $0xffff  }
0x34: {  	v60 =	vld.idx.msk [tilespmem:v0+s19+$0x130 ss:$0x1], $0xffff;
	[tilespmem:v1+s18+$0x60 ss:$0x1] =	vst.idx.msk $0xffff, v56  }
0x35: {  	v61 =	vld.idx.msk [tilespmem:v0+s19+$0x140 ss:$0x1], $0xffff;
	[tilespmem:v1+s18+$0x70 ss:$0x1] =	vst.idx.msk $0xffff, v57  }
0x36: {  	v62 =	vld.idx.msk [tilespmem:v0+s19+$0x150 ss:$0x1], $0xffff;
	[tilespmem:v2+s18+$0x0 ss:$0x1] =	vst.idx.msk $0xffff, v58  }
0x37: {  	v63 =	vld.idx.msk [tilespmem:v0+s19+$0x160 ss:$0x1], $0xffff;
	[tilespmem:v1+s18+$0x410 ss:$0x1] =	vst.idx.msk $0xffff, v59  }
0x38: {  	p1 =	por p0, p0;
	[tilespmem:v1+s18+$0x420 ss:$0x1] =	vst.idx.msk $0xffff, v3;
	v3 =	vld.idx.msk [tilespmem:v0+s19+$0x170 ss:$0x1], $0xffff  }
.Ltmp3:
0x39: {  	[tilespmem:v1+s18+$0x430 ss:$0x1] =	vst.idx.msk $0xffff, v60;
	(pc) =	sbr.rel @p1 .LBB1_5-.Ltmp3, $4  }
0x3a: {  	[tilespmem:v1+s18+$0x440 ss:$0x1] =	vst.idx.msk $0xffff, v61  }
0x3b: {  	[tilespmem:v1+s18+$0x450 ss:$0x1] =	vst.idx.msk $0xffff, v62  }
0x3c: {  	[tilespmem:v1+s18+$0x460 ss:$0x1] =	vst.idx.msk $0xffff, v63  }
0x3d: {  	p0 =	por $0x0, $0x0;
	[tilespmem:v1+s18+$0x470 ss:$0x1] =	vst.idx.msk $0xffff, v3;
	s18 =	simm.s32 $0x1  }
0x3e: {  	s17 =	sadd.s32 $0x1, s17  }
0x3f: {  	p0 =	sne.s32 s17, $0x8  }
.Ltmp4:
0x40: {  	_ = 	snop;
	(pc) =	sbr.rel @p0 .LBB1_4-.Ltmp4, $1  }
0x41: {  	_ =	sdelay $0x3  }
0x42: {  	s14 =	sadd.s32 $0x1, s14  }
0x43: {  	p0 =	sne.s32 s14, $0x4  }
.Ltmp5:
0x44: {  	_ = 	snop;
	(pc) =	sbr.rel @p0 .LBB1_3-.Ltmp5, $1  }
0x45: {  	_ =	sdelay $0x3  }
.Ltmp6:
0x46: {  	(pc) =	sbr.rel .LBB1_9-.Ltmp6, $4  }
0x47: {  	_ = 	snop  }
0x48: {  	s11 =	sshll.u32 s11, $0x9  }
0x49: {  	s11 =	sadd.s32 s6, s11  }
0x4a: {  	[hbm4b:s11+s8] =	stream.linear.scatter [tilespmem:s12], [sflag:$0x2], $0x4000, $0x38;
	[tilespmem:$0x10000] =	vst v63  }
.LBB1_10:
0x4b: {  	_ =	sfence.sel $0x180000  }
0x4c: {  	s2 =	simm.s32 $0x1;
	[bflag:$0x0] =	sbarrier.arrive $0xFFFF  }
0x4d: {  	s31 =	simm.s32 $0x2;
	[sflag:s2] =	ssyncpa.u1 $0x1  }
0x4e: {  	[sflag:s31] =	ssyncpa.u1 $0x1  }
0x4f: {  	p0 =	sne.s32 s0, $0x0;
	_ =	strace $0x90000047  }
0x50: {  	s0 =	sadd.s32 @!p0 $0x100000, s1;
	[bflag:$0x2] =	sbarrier.arrive $0xFFFF  }
0x51: {  	[sflag:s0] =	ssyncadd.tile.s32 @!p0 $0x1;
	_ =	shalt  }
.Lfunc_end1:
_tile_overlayer_lowered:
.L_overlay_start_2:
0x52: {  	(tag) =	ssettag $0x2  }
0x53: {  	s0 =	rddreg [dreg:$0x0];
	s2 =	stileid.u32  }
0x54: {  	s1 =	rddreg [dreg:$0x1];
	p0 =	sne.s32 s2, $0x0  }
0x55: {  	s3 =	rddreg [dreg:$0x2];
	[bflag:$0x3] =	sbarrier.arrive $0xFFFF;
	s2 =	simm.s32 @!p0 $0x1C01  }
0x56: {  	[timem:s3], [sflag:s2] =	dma.local @!p0 [hbm:s0], s1  }
0x57: {  	s0 =	simm.s32 @!p0 $0x1  }
0x58: {  	_ =	swait.ge @!p0 [sflag:s0], s1  }
0x59: {  	s1 =	ssub.s32 @!p0 $0x0, s1;
	[sflag:s0] =	ssyncset.done @!p0 $0x0  }
0x5a: {  	[sflag:s0] =	ssyncadd.s32 @!p0 s1  }
0x5b: {  	[bflag:$0x3] =	sbarrier.arrive $0xFFFF  }
0x5c: {  	_ =	shalt  }

</sc_bundles>
